<compile_context>
chip_gen: v7x
topology: tpu7x:2x2x1
jax: 0.10.2.dev20260603
libtpu: 0.0.44.dev20260713+nightly
codegen_flags: <defaults>
</compile_context>

<pallas_src>
import functools

import jax
import jax.numpy as jnp
from jax import lax
from jax.experimental import pallas as pl
from jax.experimental.pallas import tpu as pltpu
from jax.experimental.pallas import tpu_sc as plsc

D_MODEL = 64
SEQ = 200
BATCH = 4096
BB = 128
NUM_CORES = 2
NUM_SUBCORES = 16
NUM_WORKERS = NUM_CORES * NUM_SUBCORES

VOCAB_ROWS = 1000000
WS = 65
VB = 128
FULL_VB = VOCAB_ROWS // VB
VTAIL = VOCAB_ROWS - FULL_VB * VB


def _mesh():
    return plsc.VectorSubcoreMesh(
        core_axis_name="c", subcore_axis_name="s",
        num_cores=NUM_CORES, num_subcores=NUM_SUBCORES)


def _sc_relayout(wt, tail_lin):

    @functools.partial(
        pl.kernel,
        out_type=jax.ShapeDtypeStruct((VOCAB_ROWS * D_MODEL,), jnp.float32),
        mesh=_mesh(),
        compiler_params=pltpu.CompilerParams(
            use_tc_tiling_on_sc=True, needs_layout_passes=False),
        scratch_types=[
            pltpu.VMEM((D_MODEL, VB), jnp.float32),
            pltpu.VMEM((D_MODEL, VB), jnp.float32),
            pltpu.VMEM((VB * WS,), jnp.float32),
            pltpu.VMEM((VB * WS,), jnp.float32),
            pltpu.VMEM((VB * D_MODEL,), jnp.float32),
            pltpu.VMEM((VB * D_MODEL,), jnp.float32),
            pltpu.SemaphoreType.DMA((2,)),
            pltpu.SemaphoreType.DMA((2,)),
        ],
    )
    def body(wt_hbm, tail_hbm, out_hbm, vin0, vin1, vout0, vout1,
             vcomp0, vcomp1, isem, osem):
        vin = [vin0, vin1]
        vout = [vout0, vout1]
        vcomp = [vcomp0, vcomp1]
        wid = lax.axis_index("s") * NUM_CORES + lax.axis_index("c")
        nblk = (FULL_VB - wid + NUM_WORKERS - 1) // NUM_WORKERS

        def v0(i):
            return (wid + i * NUM_WORKERS) * VB

        def start_in(p, v):
            pltpu.async_copy(wt_hbm.at[pl.ds(0, D_MODEL), pl.ds(v, VB)],
                             vin[p], isem.at[p])

        def wait_in(p, v):
            pltpu.make_async_copy(
                wt_hbm.at[pl.ds(0, D_MODEL), pl.ds(v, VB)],
                vin[p], isem.at[p]).wait()

        def start_out(p, v):
            pltpu.async_copy(vcomp[p],
                             out_hbm.at[pl.ds(v * D_MODEL, VB * D_MODEL)],
                             osem.at[p])

        def wait_out(p, v):
            pltpu.make_async_copy(
                vcomp[p], out_hbm.at[pl.ds(v * D_MODEL, VB * D_MODEL)],
                osem.at[p]).wait()

        l_base = [(lax.iota(jnp.int32, 16) + 16 * m) * WS
                  for m in range(VB // 16)]

        def transpose(p):
            @plsc.parallel_loop(0, D_MODEL, step=1, unroll=4)
            def _(c):
                csp = jnp.full((16,), c, jnp.int32)
                for m in range(VB // 16):
                    vals = vin[p][c, pl.ds(16 * m, 16)]
                    plsc.store_scatter(vout[p], [l_base[m] + csp], vals)

            @plsc.parallel_loop(0, VB, step=1, unroll=4)
            def _(r):
                for k in range(D_MODEL // 16):
                    vcomp[p][pl.ds(r * D_MODEL + 16 * k, 16)] = (
                        vout[p][pl.ds(r * WS + 16 * k, 16)])

        for p in range(2):
            @pl.when(p < nblk)
            def _():
                start_in(p, v0(p))

        def step(i, carry):
            for p in range(2):
                n = 2 * i + p

                @pl.when(n < nblk)
                def _():
                    v = v0(n)
                    wait_in(p, v)

                    @pl.when(n >= 2)
                    def _():
                        wait_out(p, v0(n - 2))

                    transpose(p)
                    start_out(p, v)

                    @pl.when(n + 2 < nblk)
                    def _():
                        start_in(p, v0(n + 2))
            return carry

        lax.fori_loop(0, (FULL_VB // NUM_WORKERS + 2) // 2, step, 0)

        for p in range(2):
            m = nblk - 1
            n_p = m - lax.rem(m - p + 2, 2)

            @pl.when(n_p >= 0)
            def _():
                wait_out(p, v0(n_p))

        @pl.when(wid == 0)
        def _():
            v = FULL_VB * VB
            pltpu.sync_copy(tail_hbm, vout0.at[pl.ds(0, VTAIL * D_MODEL)])
            pltpu.sync_copy(vout0.at[pl.ds(0, VTAIL * D_MODEL)],
                            out_hbm.at[pl.ds(v * D_MODEL, VTAIL * D_MODEL)])

    return body(wt, tail_lin)


def _sc_embed(x_lin, w, pos_lin):
    @functools.partial(
        pl.kernel,
        out_type=jax.ShapeDtypeStruct(
            (SEQ, D_MODEL // 8, BATCH // BB, 8, BB), jnp.float32),
        mesh=_mesh(),
        compiler_params=pltpu.CompilerParams(
            use_tc_tiling_on_sc=False, needs_layout_passes=False),
        scratch_types=[
            pltpu.VMEM((2, BB), jnp.int32),
            pltpu.VMEM((2, BB, D_MODEL), jnp.float32),
            pltpu.VMEM((2, D_MODEL // 8, 8, BB + 1), jnp.float32),
            pltpu.VMEM((SEQ * D_MODEL,), jnp.float32),
            pltpu.SemaphoreType.DMA((2,)),
            pltpu.SemaphoreType.DMA((2,)),
        ],
    )
    def body(x_hbm, w_hbm, pos_hbm, out_hbm, idx_v, rows_v, trans_v, pos_v,
             gsem, osem):
        wid = lax.axis_index("s") * NUM_CORES + lax.axis_index("c")
        pltpu.sync_copy(pos_hbm, pos_v)

        def start_gather(p, t):
            pltpu.sync_copy(x_hbm.at[pl.ds(t * BATCH + wid * BB, BB)],
                            idx_v.at[p])
            pltpu.async_copy(w_hbm.at[idx_v.at[p]], rows_v.at[p], gsem.at[p])

        def wait_gather(p):
            pltpu.make_async_copy(
                w_hbm.at[idx_v.at[p]], rows_v.at[p], gsem.at[p]).wait()

        def start_out(p, t):
            pltpu.async_copy(
                trans_v.at[p, pl.ds(0, D_MODEL // 8), pl.ds(0, 8), pl.ds(0, BB)],
                out_hbm.at[t, pl.ds(0, D_MODEL // 8), wid], osem.at[p])

        def wait_out(p, t):
            pltpu.make_async_copy(
                trans_v.at[p, pl.ds(0, D_MODEL // 8), pl.ds(0, 8), pl.ds(0, BB)],
                out_hbm.at[t, pl.ds(0, D_MODEL // 8), wid], osem.at[p]).wait()

        g_base = [(lax.iota(jnp.int32, 16) + 16 * k) // 8
                  for k in range(D_MODEL // 16)]
        s_base = [lax.rem(lax.iota(jnp.int32, 16) + 16 * k, 8)
                  for k in range(D_MODEL // 16)]

        def transpose_add(p, t):
            posk = [pos_v[pl.ds(t * D_MODEL + 16 * k, 16)]
                    for k in range(D_MODEL // 16)]

            @plsc.parallel_loop(0, BB, step=1, unroll=8)
            def _(l):
                lsp = jnp.full((16,), l, jnp.int32)
                for k in range(D_MODEL // 16):
                    vals = rows_v[p, l, pl.ds(16 * k, 16)] + posk[k]
                    plsc.store_scatter(
                        trans_v.at[p], [g_base[k], s_base[k], lsp], vals)

        start_gather(0, 0)

        def step(t2, carry):
            for p in range(2):
                t = 2 * t2 + p
                wait_gather(p)

                @pl.when(t < SEQ - 1)
                def _():
                    start_gather(1 - p, t + 1)

                @pl.when(t >= 2)
                def _():
                    wait_out(p, t - 2)

                transpose_add(p, t)
                start_out(p, t)
            return carry

        lax.fori_loop(0, SEQ // 2, step, 0)
        wait_out(0, SEQ - 2)
        wait_out(1, SEQ - 1)

    return body(x_lin, w, pos_lin)


def kernel(X, W, pos):
    batch, seq = X.shape
    x_lin = X.T.reshape(-1).astype(jnp.int32)
    tail_lin = W[FULL_VB * VB:].reshape(-1)
    w_lin = _sc_relayout(W.T, tail_lin).reshape(VOCAB_ROWS, D_MODEL)
    out5 = _sc_embed(x_lin, w_lin, pos[:seq].reshape(-1))
    return out5.transpose(2, 4, 0, 1, 3).reshape(batch, seq, D_MODEL)

# --- scband reference (transcript-rebuilt; emitter-appended) ---
"""Pipeline reference for scband-positional-encoding-74036646249191 (READ-ONLY COPY).

The authoritative reference and input builder live on the scoring server;
editing this copy changes nothing except your own understanding.
"""

import jax, jax.numpy as jnp
import numpy as np

VOCAB = 1000000
D_MODEL = 64
MAX_LEN = 256

def _make_pos(max_len, d_model):
    i = np.arange(max_len, dtype=np.float64)[:, None]
    j = np.arange(d_model, dtype=np.float64)[None, :]
    even_j = (j // 2) * 2.0
    angle = i / np.power(10000.0, even_j / d_model)
    pos = np.where((np.arange(d_model) % 2 == 0)[None, :], np.sin(angle), np.cos(angle))
    return jnp.asarray(pos, dtype=jnp.float32)

def setup_inputs(seed: int = 0) -> dict:
    key = jax.random.key(seed)
    k1, k2 = jax.random.split(key)
    X = jax.random.randint(k1, (4096, 200), 0, VOCAB, dtype=jnp.int64)
    W = jax.random.normal(k2, (VOCAB, D_MODEL), dtype=jnp.float32)
    pos = _make_pos(MAX_LEN, D_MODEL)
    return {"X": X, "W": W, "pos": pos}

def reference(X, W, pos):
    seq_len = X.shape[-1]
    emb = jnp.take(W, X, axis=0)
    return emb + pos[:seq_len, :][None, :, :]

if __name__ == "__main__":
    import jax
    _d = setup_inputs()
    print(jax.jit(kernel)(*tuple(_d.values())))

</pallas_src>

<mosaic_0001>
#map = affine_map<(d0, d1) -> (0, 0)>
#map1 = affine_map<(d0, d1) -> (0)>
module attributes {stable_mosaic.version = 14 : i64} {
  func.func @body(%arg0: i32, %arg1: i32, %arg2: memref<64x1000000xf32, #tpu.memory_space<hbm>>, %arg3: memref<4096xf32, #tpu.memory_space<hbm>>, %arg4: memref<64000000xf32, #tpu.memory_space<hbm>>, %arg5: memref<64x128xf32, #tpu.memory_space<vmem>>, %arg6: memref<64x128xf32, #tpu.memory_space<vmem>>, %arg7: memref<8320xf32, #tpu.memory_space<vmem>>, %arg8: memref<8320xf32, #tpu.memory_space<vmem>>, %arg9: memref<8192xf32, #tpu.memory_space<vmem>>, %arg10: memref<8192xf32, #tpu.memory_space<vmem>>, %arg11: memref<2x!tpu.dma_semaphore, #tpu.memory_space<semaphore_mem>>, %arg12: memref<2x!tpu.dma_semaphore, #tpu.memory_space<semaphore_mem>>) attributes {dimension_semantics = [#tpu.dimension_semantics<core_parallel>, #tpu.dimension_semantics<subcore_parallel>], iteration_bounds = array<i64: 2, 16>, scalar_prefetch = 0 : i64, scratch_operands = 8 : i64, tpu.core_type = #tpu.core_type<sc_vector_subcore>, window_params = [{transform_indices = #map}, {transform_indices = #map1}, {transform_indices = #map1}]} {
    %mul3A = arith.constant 2 : i32
    %mul3A_0 = arith.muli %arg1, %mul3A : i32
    %add3A = arith.addi %mul3A_0, %arg0 : i32
    %sub3A = arith.constant 7812 : i32
    %sub3A_1 = arith.subi %sub3A, %add3A : i32
    %add3A_2 = arith.constant 32 : i32
    %add3A_3 = arith.addi %sub3A_1, %add3A_2 : i32
    %sub3A_4 = arith.constant 1 : i32
    %sub3A_5 = arith.subi %add3A_3, %sub3A_4 : i32
    %jit3A = arith.constant 32 : i32
    %div3A = arith.divsi %sub3A_5, %jit3A : i32
    %sign3A = arith.constant 0 : i32
    %sign3A_6 = arith.cmpi sgt, %sub3A_5, %sign3A : i32
    %sign3A_7 = arith.extui %sign3A_6 : i1 to i32
    %sign3A_8 = arith.constant 0 : i32
    %sign3A_9 = arith.cmpi slt, %sub3A_5, %sign3A_8 : i32
    %sign3A_10 = arith.extui %sign3A_9 : i1 to i32
    %sign3A_11 = arith.subi %sign3A_7, %sign3A_10 : i32
    %sign3A_12 = arith.constant 0 : i32
    %sign3A_13 = arith.cmpi sgt, %jit3A, %sign3A_12 : i32
    %sign3A_14 = arith.extui %sign3A_13 : i1 to i32
    %sign3A_15 = arith.constant 0 : i32
    %sign3A_16 = arith.cmpi slt, %jit3A, %sign3A_15 : i32
    %sign3A_17 = arith.extui %sign3A_16 : i1 to i32
    %sign3A_18 = arith.subi %sign3A_14, %sign3A_17 : i32
    %ne3A = arith.cmpi ne, %sign3A_11, %sign3A_18 : i32
    %rem3A = arith.remsi %sub3A_5, %jit3A : i32
    %ne3A_19 = arith.constant 0 : i32
    %ne3A_20 = arith.cmpi ne, %rem3A, %ne3A_19 : i32
    %and3A = arith.andi %ne3A, %ne3A_20 : i1
    %sub3A_21 = arith.constant 1 : i32
    %sub3A_22 = arith.subi %div3A, %sub3A_21 : i32
    %select_n3A = arith.select %and3A, %sub3A_22, %div3A : i32
    %iota3A = tpu.iota {dimensions = array<i32: 0>} : vector<16xi32>
    %add3A_23 = arith.constant 0 : i32
    %add3A_24 = vector.broadcast %add3A_23 : i32 to vector<16xi32>
    %add3A_25 = arith.addi %iota3A, %add3A_24 : vector<16xi32>
    %mul3A_26 = arith.constant 65 : i32
    %mul3A_27 = vector.broadcast %mul3A_26 : i32 to vector<16xi32>
    %mul3A_28 = arith.muli %add3A_25, %mul3A_27 : vector<16xi32>
    %iota3A_29 = tpu.iota {dimensions = array<i32: 0>} : vector<16xi32>
    %add3A_30 = arith.constant 16 : i32
    %add3A_31 = vector.broadcast %add3A_30 : i32 to vector<16xi32>
    %add3A_32 = arith.addi %iota3A_29, %add3A_31 : vector<16xi32>
    %mul3A_33 = arith.constant 65 : i32
    %mul3A_34 = vector.broadcast %mul3A_33 : i32 to vector<16xi32>
    %mul3A_35 = arith.muli %add3A_32, %mul3A_34 : vector<16xi32>
    %iota3A_36 = tpu.iota {dimensions = array<i32: 0>} : vector<16xi32>
    %add3A_37 = arith.constant 32 : i32
    %add3A_38 = vector.broadcast %add3A_37 : i32 to vector<16xi32>
    %add3A_39 = arith.addi %iota3A_36, %add3A_38 : vector<16xi32>
    %mul3A_40 = arith.constant 65 : i32
    %mul3A_41 = vector.broadcast %mul3A_40 : i32 to vector<16xi32>
    %mul3A_42 = arith.muli %add3A_39, %mul3A_41 : vector<16xi32>
    %iota3A_43 = tpu.iota {dimensions = array<i32: 0>} : vector<16xi32>
    %add3A_44 = arith.constant 48 : i32
    %add3A_45 = vector.broadcast %add3A_44 : i32 to vector<16xi32>
    %add3A_46 = arith.addi %iota3A_43, %add3A_45 : vector<16xi32>
    %mul3A_47 = arith.constant 65 : i32
    %mul3A_48 = vector.broadcast %mul3A_47 : i32 to vector<16xi32>
    %mul3A_49 = arith.muli %add3A_46, %mul3A_48 : vector<16xi32>
    %iota3A_50 = tpu.iota {dimensions = array<i32: 0>} : vector<16xi32>
    %add3A_51 = arith.constant 64 : i32
    %add3A_52 = vector.broadcast %add3A_51 : i32 to vector<16xi32>
    %add3A_53 = arith.addi %iota3A_50, %add3A_52 : vector<16xi32>
    %mul3A_54 = arith.constant 65 : i32
    %mul3A_55 = vector.broadcast %mul3A_54 : i32 to vector<16xi32>
    %mul3A_56 = arith.muli %add3A_53, %mul3A_55 : vector<16xi32>
    %iota3A_57 = tpu.iota {dimensions = array<i32: 0>} : vector<16xi32>
    %add3A_58 = arith.constant 80 : i32
    %add3A_59 = vector.broadcast %add3A_58 : i32 to vector<16xi32>
    %add3A_60 = arith.addi %iota3A_57, %add3A_59 : vector<16xi32>
    %mul3A_61 = arith.constant 65 : i32
    %mul3A_62 = vector.broadcast %mul3A_61 : i32 to vector<16xi32>
    %mul3A_63 = arith.muli %add3A_60, %mul3A_62 : vector<16xi32>
    %iota3A_64 = tpu.iota {dimensions = array<i32: 0>} : vector<16xi32>
    %add3A_65 = arith.constant 96 : i32
    %add3A_66 = vector.broadcast %add3A_65 : i32 to vector<16xi32>
    %add3A_67 = arith.addi %iota3A_64, %add3A_66 : vector<16xi32>
    %mul3A_68 = arith.constant 65 : i32
    %mul3A_69 = vector.broadcast %mul3A_68 : i32 to vector<16xi32>
    %mul3A_70 = arith.muli %add3A_67, %mul3A_69 : vector<16xi32>
    %iota3A_71 = tpu.iota {dimensions = array<i32: 0>} : vector<16xi32>
    %add3A_72 = arith.constant 112 : i32
    %add3A_73 = vector.broadcast %add3A_72 : i32 to vector<16xi32>
    %add3A_74 = arith.addi %iota3A_71, %add3A_73 : vector<16xi32>
    %mul3A_75 = arith.constant 65 : i32
    %mul3A_76 = vector.broadcast %mul3A_75 : i32 to vector<16xi32>
    %mul3A_77 = arith.muli %add3A_74, %mul3A_76 : vector<16xi32>
    %gt3A = arith.constant 0 : i32
    %gt3A_78 = arith.cmpi sgt, %select_n3A, %gt3A : i32
    %convert_element_type3A = arith.extui %gt3A_78 : i1 to i32
    %cond3A = arith.constant 0 : i32
    %cond3A_79 = arith.cmpi ne, %convert_element_type3A, %cond3A : i32
    scf.if %cond3A_79 {
      %add3A_121 = arith.constant 0 : i32
      %add3A_122 = arith.addi %add3A, %add3A_121 : i32
      %mul3A_123 = arith.constant 128 : i32
      %mul3A_124 = arith.muli %add3A_122, %mul3A_123 : i32
      %dma_start3A = arith.constant 0 : i32
      %dma_start3A_125 = arith.constant 0 : i32
      %dma_start3A_126 = tpu.memref_slice %arg2[%dma_start3A_125, %mul3A_124] : memref<64x1000000xf32, #tpu.memory_space<hbm>> -> memref<64x128xf32, #tpu.memory_space<hbm>>
      %dma_start3A_127 = tpu.memref_slice %arg11[%dma_start3A] : memref<2x!tpu.dma_semaphore, #tpu.memory_space<semaphore_mem>> -> memref<1x!tpu.dma_semaphore, #tpu.memory_space<semaphore_mem>>
      %dma_start3A_128 = tpu.memref_squeeze %dma_start3A_127 : memref<1x!tpu.dma_semaphore, #tpu.memory_space<semaphore_mem>> -> memref<!tpu.dma_semaphore, #tpu.memory_space<semaphore_mem>>
      %dma_start3A_129 = arith.constant 0 : i32
      %dma_start3A_130 = tpu.memref_slice %arg2[%dma_start3A_129, %mul3A_124] : memref<64x1000000xf32, #tpu.memory_space<hbm>> -> memref<64x128xf32, #tpu.memory_space<hbm>>
      tpu.enqueue_dma source(%dma_start3A_130 : memref<64x128xf32, #tpu.memory_space<hbm>>) target(%arg5 : memref<64x128xf32, #tpu.memory_space<vmem>>) target_semaphore(%dma_start3A_128 : memref<!tpu.dma_semaphore, #tpu.memory_space<semaphore_mem>>)
    } else {
    }
    %gt3A_80 = arith.constant 1 : i32
    %gt3A_81 = arith.cmpi sgt, %select_n3A, %gt3A_80 : i32
    %convert_element_type3A_82 = arith.extui %gt3A_81 : i1 to i32
    %cond3A_83 = arith.constant 0 : i32
    %cond3A_84 = arith.cmpi ne, %convert_element_type3A_82, %cond3A_83 : i32
    scf.if %cond3A_84 {
      %add3A_121 = arith.constant 32 : i32
      %add3A_122 = arith.addi %add3A, %add3A_121 : i32
      %mul3A_123 = arith.constant 128 : i32
      %mul3A_124 = arith.muli %add3A_122, %mul3A_123 : i32
      %dma_start3A = arith.constant 1 : i32
      %dma_start3A_125 = arith.constant 0 : i32
      %dma_start3A_126 = tpu.memref_slice %arg2[%dma_start3A_125, %mul3A_124] : memref<64x1000000xf32, #tpu.memory_space<hbm>> -> memref<64x128xf32, #tpu.memory_space<hbm>>
      %dma_start3A_127 = tpu.memref_slice %arg11[%dma_start3A] : memref<2x!tpu.dma_semaphore, #tpu.memory_space<semaphore_mem>> -> memref<1x!tpu.dma_semaphore, #tpu.memory_space<semaphore_mem>>
      %dma_start3A_128 = tpu.memref_squeeze %dma_start3A_127 : memref<1x!tpu.dma_semaphore, #tpu.memory_space<semaphore_mem>> -> memref<!tpu.dma_semaphore, #tpu.memory_space<semaphore_mem>>
      %dma_start3A_129 = arith.constant 0 : i32
      %dma_start3A_130 = tpu.memref_slice %arg2[%dma_start3A_129, %mul3A_124] : memref<64x1000000xf32, #tpu.memory_space<hbm>> -> memref<64x128xf32, #tpu.memory_space<hbm>>
      tpu.enqueue_dma source(%dma_start3A_130 : memref<64x128xf32, #tpu.memory_space<hbm>>) target(%arg6 : memref<64x128xf32, #tpu.memory_space<vmem>>) target_semaphore(%dma_start3A_128 : memref<!tpu.dma_semaphore, #tpu.memory_space<semaphore_mem>>)
    } else {
    }
    %scan3A = arith.constant 0 : i32
    %scan3A_85 = arith.constant 0 : i32
    %scan3A_86 = arith.constant 123 : i32
    %scan3A_87 = arith.addi %scan3A_85, %scan3A_86 : i32
    %scan3A_88 = arith.constant 1 : i32
    scf.for %scan3A_121 = %scan3A_85 to %scan3A_87 step %scan3A_88  : i32 {
      %mul3A_122 = arith.constant 2 : i32
      %mul3A_123 = arith.muli %mul3A_122, %scan3A_121 : i32
      %add3A_124 = arith.constant 0 : i32
      %add3A_125 = arith.addi %mul3A_123, %add3A_124 : i32
      %lt3A = arith.cmpi slt, %add3A_125, %select_n3A : i32
      %convert_element_type3A_126 = arith.extui %lt3A : i1 to i32
      %cond3A_127 = arith.constant 0 : i32
      %cond3A_128 = arith.cmpi ne, %convert_element_type3A_126, %cond3A_127 : i32
      scf.if %cond3A_128 {
        %mul3A_137 = arith.constant 32 : i32
        %mul3A_138 = arith.muli %add3A_125, %mul3A_137 : i32
        %add3A_139 = arith.addi %add3A, %mul3A_138 : i32
        %mul3A_140 = arith.constant 128 : i32
        %mul3A_141 = arith.muli %add3A_139, %mul3A_140 : i32
        %dma_wait3A = arith.constant 0 : i32
        %dma_wait3A_142 = arith.constant 0 : i32
        %dma_wait3A_143 = tpu.memref_slice %arg2[%dma_wait3A_142, %mul3A_141] : memref<64x1000000xf32, #tpu.memory_space<hbm>> -> memref<64x128xf32, #tpu.memory_space<hbm>>
        %dma_wait3A_144 = tpu.memref_slice %arg11[%dma_wait3A] : memref<2x!tpu.dma_semaphore, #tpu.memory_space<semaphore_mem>> -> memref<1x!tpu.dma_semaphore, #tpu.memory_space<semaphore_mem>>
        %dma_wait3A_145 = tpu.memref_squeeze %dma_wait3A_144 : memref<1x!tpu.dma_semaphore, #tpu.memory_space<semaphore_mem>> -> memref<!tpu.dma_semaphore, #tpu.memory_space<semaphore_mem>>
        %dma_wait3A_146 = arith.constant 0 : i32
        %dma_wait3A_147 = tpu.memref_slice %arg2[%dma_wait3A_146, %mul3A_141] : memref<64x1000000xf32, #tpu.memory_space<hbm>> -> memref<64x128xf32, #tpu.memory_space<hbm>>
        tpu.wait_dma2 semaphore(%dma_wait3A_145 : memref<!tpu.dma_semaphore, #tpu.memory_space<semaphore_mem>>) src(%dma_wait3A_147 : memref<64x128xf32, #tpu.memory_space<hbm>>) dst(%arg5 : memref<64x128xf32, #tpu.memory_space<vmem>>)
        %ge3A_148 = arith.constant 2 : i32
        %ge3A_149 = arith.cmpi sge, %add3A_125, %ge3A_148 : i32
        %convert_element_type3A_150 = arith.extui %ge3A_149 : i1 to i32
        %cond3A_151 = arith.constant 0 : i32
        %cond3A_152 = arith.cmpi ne, %convert_element_type3A_150, %cond3A_151 : i32
        scf.if %cond3A_152 {
          %sub3A_170 = arith.constant 2 : i32
          %sub3A_171 = arith.subi %add3A_125, %sub3A_170 : i32
          %mul3A_172 = arith.constant 32 : i32
          %mul3A_173 = arith.muli %sub3A_171, %mul3A_172 : i32
          %add3A_174 = arith.addi %add3A, %mul3A_173 : i32
          %mul3A_175 = arith.constant 128 : i32
          %mul3A_176 = arith.muli %add3A_174, %mul3A_175 : i32
          %mul3A_177 = arith.constant 64 : i32
          %mul3A_178 = arith.muli %mul3A_176, %mul3A_177 : i32
          %dma_wait3A_179 = arith.constant 0 : i32
          %dma_wait3A_180 = tpu.memref_slice %arg4[%mul3A_178] : memref<64000000xf32, #tpu.memory_space<hbm>> -> memref<8192xf32, #tpu.memory_space<hbm>>
          %dma_wait3A_181 = tpu.memref_slice %arg12[%dma_wait3A_179] : memref<2x!tpu.dma_semaphore, #tpu.memory_space<semaphore_mem>> -> memref<1x!tpu.dma_semaphore, #tpu.memory_space<semaphore_mem>>
          %dma_wait3A_182 = tpu.memref_squeeze %dma_wait3A_181 : memref<1x!tpu.dma_semaphore, #tpu.memory_space<semaphore_mem>> -> memref<!tpu.dma_semaphore, #tpu.memory_space<semaphore_mem>>
          %dma_wait3A_183 = tpu.memref_slice %arg4[%mul3A_178] : memref<64000000xf32, #tpu.memory_space<hbm>> -> memref<8192xf32, #tpu.memory_space<hbm>>
          tpu.wait_dma2 semaphore(%dma_wait3A_182 : memref<!tpu.dma_semaphore, #tpu.memory_space<semaphore_mem>>) src(%arg9 : memref<8192xf32, #tpu.memory_space<vmem>>) dst(%dma_wait3A_183 : memref<8192xf32, #tpu.memory_space<hbm>>)
        } else {
        }
        %parallel_loop3A = arith.constant 0 : i32
        %parallel_loop3A_153 = arith.constant 64 : i32
        %parallel_loop3A_154 = arith.constant 1 : i32
        scf.for %parallel_loop3A_170 = %parallel_loop3A to %parallel_loop3A_153 step %parallel_loop3A_154  : i32 {
          %parallel_loop3A_171 = vector.broadcast %parallel_loop3A_170 : i32 to vector<16xi32>
          %parallel_loop3A_172 = arith.index_cast %parallel_loop3A_170 : i32 to index
          %parallel_loop3A_173 = arith.constant 0 : index
          %parallel_loop3A_174 = tpu.vector_load %arg5[%parallel_loop3A_172, %parallel_loop3A_173] {strides = array<i32>} : memref<64x128xf32, #tpu.memory_space<vmem>>, vector<16xf32>,
          %parallel_loop3A_175 = arith.addi %mul3A_28, %parallel_loop3A_171 : vector<16xi32>
          tpu.vector_store_idx %arg7[%parallel_loop3A_175], %parallel_loop3A_174 : memref<8320xf32, #tpu.memory_space<vmem>>[vector<16xi32>], vector<16xf32>,
          %parallel_loop3A_176 = arith.index_cast %parallel_loop3A_170 : i32 to index
          %parallel_loop3A_177 = arith.constant 16 : index
          %parallel_loop3A_178 = tpu.vector_load %arg5[%parallel_loop3A_176, %parallel_loop3A_177] {strides = array<i32>} : memref<64x128xf32, #tpu.memory_space<vmem>>, vector<16xf32>,
          %parallel_loop3A_179 = arith.addi %mul3A_35, %parallel_loop3A_171 : vector<16xi32>
          tpu.vector_store_idx %arg7[%parallel_loop3A_179], %parallel_loop3A_178 : memref<8320xf32, #tpu.memory_space<vmem>>[vector<16xi32>], vector<16xf32>,
          %parallel_loop3A_180 = arith.index_cast %parallel_loop3A_170 : i32 to index
          %parallel_loop3A_181 = arith.constant 32 : index
          %parallel_loop3A_182 = tpu.vector_load %arg5[%parallel_loop3A_180, %parallel_loop3A_181] {strides = array<i32>} : memref<64x128xf32, #tpu.memory_space<vmem>>, vector<16xf32>,
          %parallel_loop3A_183 = arith.addi %mul3A_42, %parallel_loop3A_171 : vector<16xi32>
          tpu.vector_store_idx %arg7[%parallel_loop3A_183], %parallel_loop3A_182 : memref<8320xf32, #tpu.memory_space<vmem>>[vector<16xi32>], vector<16xf32>,
          %parallel_loop3A_184 = arith.index_cast %parallel_loop3A_170 : i32 to index
          %parallel_loop3A_185 = arith.constant 48 : index
          %parallel_loop3A_186 = tpu.vector_load %arg5[%parallel_loop3A_184, %parallel_loop3A_185] {strides = array<i32>} : memref<64x128xf32, #tpu.memory_space<vmem>>, vector<16xf32>,
          %parallel_loop3A_187 = arith.addi %mul3A_49, %parallel_loop3A_171 : vector<16xi32>
          tpu.vector_store_idx %arg7[%parallel_loop3A_187], %parallel_loop3A_186 : memref<8320xf32, #tpu.memory_space<vmem>>[vector<16xi32>], vector<16xf32>,
          %parallel_loop3A_188 = arith.index_cast %parallel_loop3A_170 : i32 to index
          %parallel_loop3A_189 = arith.constant 64 : index
          %parallel_loop3A_190 = tpu.vector_load %arg5[%parallel_loop3A_188, %parallel_loop3A_189] {strides = array<i32>} : memref<64x128xf32, #tpu.memory_space<vmem>>, vector<16xf32>,
          %parallel_loop3A_191 = arith.addi %mul3A_56, %parallel_loop3A_171 : vector<16xi32>
          tpu.vector_store_idx %arg7[%parallel_loop3A_191], %parallel_loop3A_190 : memref<8320xf32, #tpu.memory_space<vmem>>[vector<16xi32>], vector<16xf32>,
          %parallel_loop3A_192 = arith.index_cast %parallel_loop3A_170 : i32 to index
          %parallel_loop3A_193 = arith.constant 80 : index
          %parallel_loop3A_194 = tpu.vector_load %arg5[%parallel_loop3A_192, %parallel_loop3A_193] {strides = array<i32>} : memref<64x128xf32, #tpu.memory_space<vmem>>, vector<16xf32>,
          %parallel_loop3A_195 = arith.addi %mul3A_63, %parallel_loop3A_171 : vector<16xi32>
          tpu.vector_store_idx %arg7[%parallel_loop3A_195], %parallel_loop3A_194 : memref<8320xf32, #tpu.memory_space<vmem>>[vector<16xi32>], vector<16xf32>,
          %parallel_loop3A_196 = arith.index_cast %parallel_loop3A_170 : i32 to index
          %parallel_loop3A_197 = arith.constant 96 : index
          %parallel_loop3A_198 = tpu.vector_load %arg5[%parallel_loop3A_196, %parallel_loop3A_197] {strides = array<i32>} : memref<64x128xf32, #tpu.memory_space<vmem>>, vector<16xf32>,
          %parallel_loop3A_199 = arith.addi %mul3A_70, %parallel_loop3A_171 : vector<16xi32>
          tpu.vector_store_idx %arg7[%parallel_loop3A_199], %parallel_loop3A_198 : memref<8320xf32, #tpu.memory_space<vmem>>[vector<16xi32>], vector<16xf32>,
          %parallel_loop3A_200 = arith.index_cast %parallel_loop3A_170 : i32 to index
          %parallel_loop3A_201 = arith.constant 112 : index
          %parallel_loop3A_202 = tpu.vector_load %arg5[%parallel_loop3A_200, %parallel_loop3A_201] {strides = array<i32>} : memref<64x128xf32, #tpu.memory_space<vmem>>, vector<16xf32>,
          %parallel_loop3A_203 = arith.addi %mul3A_77, %parallel_loop3A_171 : vector<16xi32>
          tpu.vector_store_idx %arg7[%parallel_loop3A_203], %parallel_loop3A_202 : memref<8320xf32, #tpu.memory_space<vmem>>[vector<16xi32>], vector<16xf32>,
        } {sc.loop_unroll_factor = 4 : i64, sc.parallel_access}
        %parallel_loop3A_155 = arith.constant 0 : i32
        %parallel_loop3A_156 = arith.constant 128 : i32
        %parallel_loop3A_157 = arith.constant 1 : i32
        scf.for %parallel_loop3A_170 = %parallel_loop3A_155 to %parallel_loop3A_156 step %parallel_loop3A_157  : i32 {
          %parallel_loop3A_171 = arith.constant 65 : i32
          %parallel_loop3A_172 = arith.muli %parallel_loop3A_170, %parallel_loop3A_171 : i32
          %parallel_loop3A_173 = arith.constant 0 : i32
          %parallel_loop3A_174 = arith.addi %parallel_loop3A_172, %parallel_loop3A_173 : i32
          %parallel_loop3A_175 = arith.index_cast %parallel_loop3A_174 : i32 to index
          %parallel_loop3A_176 = tpu.vector_load %arg7[%parallel_loop3A_175] {strides = array<i32>} : memref<8320xf32, #tpu.memory_space<vmem>>, vector<16xf32>,
          %parallel_loop3A_177 = arith.constant 64 : i32
          %parallel_loop3A_178 = arith.muli %parallel_loop3A_170, %parallel_loop3A_177 : i32
          %parallel_loop3A_179 = arith.constant 0 : i32
          %parallel_loop3A_180 = arith.addi %parallel_loop3A_178, %parallel_loop3A_179 : i32
          %parallel_loop3A_181 = arith.index_cast %parallel_loop3A_180 : i32 to index
          %parallel_loop3A_182 = tpu.vector_load %arg9[%parallel_loop3A_181] {strides = array<i32>} : memref<8192xf32, #tpu.memory_space<vmem>>, vector<16xf32>,
          tpu.vector_store %arg9[%parallel_loop3A_181], %parallel_loop3A_176 {strides = array<i32>} : memref<8192xf32, #tpu.memory_space<vmem>>, vector<16xf32>,
          %parallel_loop3A_183 = arith.constant 65 : i32
          %parallel_loop3A_184 = arith.muli %parallel_loop3A_170, %parallel_loop3A_183 : i32
          %parallel_loop3A_185 = arith.constant 16 : i32
          %parallel_loop3A_186 = arith.addi %parallel_loop3A_184, %parallel_loop3A_185 : i32
          %parallel_loop3A_187 = arith.index_cast %parallel_loop3A_186 : i32 to index
          %parallel_loop3A_188 = tpu.vector_load %arg7[%parallel_loop3A_187] {strides = array<i32>} : memref<8320xf32, #tpu.memory_space<vmem>>, vector<16xf32>,
          %parallel_loop3A_189 = arith.constant 64 : i32
          %parallel_loop3A_190 = arith.muli %parallel_loop3A_170, %parallel_loop3A_189 : i32
          %parallel_loop3A_191 = arith.constant 16 : i32
          %parallel_loop3A_192 = arith.addi %parallel_loop3A_190, %parallel_loop3A_191 : i32
          %parallel_loop3A_193 = arith.index_cast %parallel_loop3A_192 : i32 to index
          %parallel_loop3A_194 = tpu.vector_load %arg9[%parallel_loop3A_193] {strides = array<i32>} : memref<8192xf32, #tpu.memory_space<vmem>>, vector<16xf32>,
          tpu.vector_store %arg9[%parallel_loop3A_193], %parallel_loop3A_188 {strides = array<i32>} : memref<8192xf32, #tpu.memory_space<vmem>>, vector<16xf32>,
          %parallel_loop3A_195 = arith.constant 65 : i32
          %parallel_loop3A_196 = arith.muli %parallel_loop3A_170, %parallel_loop3A_195 : i32
          %parallel_loop3A_197 = arith.constant 32 : i32
          %parallel_loop3A_198 = arith.addi %parallel_loop3A_196, %parallel_loop3A_197 : i32
          %parallel_loop3A_199 = arith.index_cast %parallel_loop3A_198 : i32 to index
          %parallel_loop3A_200 = tpu.vector_load %arg7[%parallel_loop3A_199] {strides = array<i32>} : memref<8320xf32, #tpu.memory_space<vmem>>, vector<16xf32>,
          %parallel_loop3A_201 = arith.constant 64 : i32
          %parallel_loop3A_202 = arith.muli %parallel_loop3A_170, %parallel_loop3A_201 : i32
          %parallel_loop3A_203 = arith.constant 32 : i32
          %parallel_loop3A_204 = arith.addi %parallel_loop3A_202, %parallel_loop3A_203 : i32
          %parallel_loop3A_205 = arith.index_cast %parallel_loop3A_204 : i32 to index
          %parallel_loop3A_206 = tpu.vector_load %arg9[%parallel_loop3A_205] {strides = array<i32>} : memref<8192xf32, #tpu.memory_space<vmem>>, vector<16xf32>,
          tpu.vector_store %arg9[%parallel_loop3A_205], %parallel_loop3A_200 {strides = array<i32>} : memref<8192xf32, #tpu.memory_space<vmem>>, vector<16xf32>,
          %parallel_loop3A_207 = arith.constant 65 : i32
          %parallel_loop3A_208 = arith.muli %parallel_loop3A_170, %parallel_loop3A_207 : i32
          %parallel_loop3A_209 = arith.constant 48 : i32
          %parallel_loop3A_210 = arith.addi %parallel_loop3A_208, %parallel_loop3A_209 : i32
          %parallel_loop3A_211 = arith.index_cast %parallel_loop3A_210 : i32 to index
          %parallel_loop3A_212 = tpu.vector_load %arg7[%parallel_loop3A_211] {strides = array<i32>} : memref<8320xf32, #tpu.memory_space<vmem>>, vector<16xf32>,
          %parallel_loop3A_213 = arith.constant 64 : i32
          %parallel_loop3A_214 = arith.muli %parallel_loop3A_170, %parallel_loop3A_213 : i32
          %parallel_loop3A_215 = arith.constant 48 : i32
          %parallel_loop3A_216 = arith.addi %parallel_loop3A_214, %parallel_loop3A_215 : i32
          %parallel_loop3A_217 = arith.index_cast %parallel_loop3A_216 : i32 to index
          %parallel_loop3A_218 = tpu.vector_load %arg9[%parallel_loop3A_217] {strides = array<i32>} : memref<8192xf32, #tpu.memory_space<vmem>>, vector<16xf32>,
          tpu.vector_store %arg9[%parallel_loop3A_217], %parallel_loop3A_212 {strides = array<i32>} : memref<8192xf32, #tpu.memory_space<vmem>>, vector<16xf32>,
        } {sc.loop_unroll_factor = 4 : i64, sc.parallel_access}
        %mul3A_158 = arith.constant 64 : i32
        %mul3A_159 = arith.muli %mul3A_141, %mul3A_158 : i32
        %dma_start3A = arith.constant 0 : i32
        %dma_start3A_160 = tpu.memref_slice %arg4[%mul3A_159] : memref<64000000xf32, #tpu.memory_space<hbm>> -> memref<8192xf32, #tpu.memory_space<hbm>>
        %dma_start3A_161 = tpu.memref_slice %arg12[%dma_start3A] : memref<2x!tpu.dma_semaphore, #tpu.memory_space<semaphore_mem>> -> memref<1x!tpu.dma_semaphore, #tpu.memory_space<semaphore_mem>>
        %dma_start3A_162 = tpu.memref_squeeze %dma_start3A_161 : memref<1x!tpu.dma_semaphore, #tpu.memory_space<semaphore_mem>> -> memref<!tpu.dma_semaphore, #tpu.memory_space<semaphore_mem>>
        %dma_start3A_163 = tpu.memref_slice %arg4[%mul3A_159] : memref<64000000xf32, #tpu.memory_space<hbm>> -> memref<8192xf32, #tpu.memory_space<hbm>>
        tpu.enqueue_dma source(%arg9 : memref<8192xf32, #tpu.memory_space<vmem>>) target(%dma_start3A_163 : memref<8192xf32, #tpu.memory_space<hbm>>) target_semaphore(%dma_start3A_162 : memref<!tpu.dma_semaphore, #tpu.memory_space<semaphore_mem>>)
        %add3A_164 = arith.constant 2 : i32
        %add3A_165 = arith.addi %add3A_125, %add3A_164 : i32
        %lt3A_166 = arith.cmpi slt, %add3A_165, %select_n3A : i32
        %convert_element_type3A_167 = arith.extui %lt3A_166 : i1 to i32
        %cond3A_168 = arith.constant 0 : i32
        %cond3A_169 = arith.cmpi ne, %convert_element_type3A_167, %cond3A_168 : i32
        scf.if %cond3A_169 {
          %add3A_170 = arith.constant 2 : i32
          %add3A_171 = arith.addi %add3A_125, %add3A_170 : i32
          %mul3A_172 = arith.constant 32 : i32
          %mul3A_173 = arith.muli %add3A_171, %mul3A_172 : i32
          %add3A_174 = arith.addi %add3A, %mul3A_173 : i32
          %mul3A_175 = arith.constant 128 : i32
          %mul3A_176 = arith.muli %add3A_174, %mul3A_175 : i32
          %dma_start3A_177 = arith.constant 0 : i32
          %dma_start3A_178 = arith.constant 0 : i32
          %dma_start3A_179 = tpu.memref_slice %arg2[%dma_start3A_178, %mul3A_176] : memref<64x1000000xf32, #tpu.memory_space<hbm>> -> memref<64x128xf32, #tpu.memory_space<hbm>>
          %dma_start3A_180 = tpu.memref_slice %arg11[%dma_start3A_177] : memref<2x!tpu.dma_semaphore, #tpu.memory_space<semaphore_mem>> -> memref<1x!tpu.dma_semaphore, #tpu.memory_space<semaphore_mem>>
          %dma_start3A_181 = tpu.memref_squeeze %dma_start3A_180 : memref<1x!tpu.dma_semaphore, #tpu.memory_space<semaphore_mem>> -> memref<!tpu.dma_semaphore, #tpu.memory_space<semaphore_mem>>
          %dma_start3A_182 = arith.constant 0 : i32
          %dma_start3A_183 = tpu.memref_slice %arg2[%dma_start3A_182, %mul3A_176] : memref<64x1000000xf32, #tpu.memory_space<hbm>> -> memref<64x128xf32, #tpu.memory_space<hbm>>
          tpu.enqueue_dma source(%dma_start3A_183 : memref<64x128xf32, #tpu.memory_space<hbm>>) target(%arg5 : memref<64x128xf32, #tpu.memory_space<vmem>>) target_semaphore(%dma_start3A_181 : memref<!tpu.dma_semaphore, #tpu.memory_space<semaphore_mem>>)
        } else {
        }
      } else {
      }
      %mul3A_129 = arith.constant 2 : i32
      %mul3A_130 = arith.muli %mul3A_129, %scan3A_121 : i32
      %add3A_131 = arith.constant 1 : i32
      %add3A_132 = arith.addi %mul3A_130, %add3A_131 : i32
      %lt3A_133 = arith.cmpi slt, %add3A_132, %select_n3A : i32
      %convert_element_type3A_134 = arith.extui %lt3A_133 : i1 to i32
      %cond3A_135 = arith.constant 0 : i32
      %cond3A_136 = arith.cmpi ne, %convert_element_type3A_134, %cond3A_135 : i32
      scf.if %cond3A_136 {
        %mul3A_137 = arith.constant 32 : i32
        %mul3A_138 = arith.muli %add3A_132, %mul3A_137 : i32
        %add3A_139 = arith.addi %add3A, %mul3A_138 : i32
        %mul3A_140 = arith.constant 128 : i32
        %mul3A_141 = arith.muli %add3A_139, %mul3A_140 : i32
        %dma_wait3A = arith.constant 1 : i32
        %dma_wait3A_142 = arith.constant 0 : i32
        %dma_wait3A_143 = tpu.memref_slice %arg2[%dma_wait3A_142, %mul3A_141] : memref<64x1000000xf32, #tpu.memory_space<hbm>> -> memref<64x128xf32, #tpu.memory_space<hbm>>
        %dma_wait3A_144 = tpu.memref_slice %arg11[%dma_wait3A] : memref<2x!tpu.dma_semaphore, #tpu.memory_space<semaphore_mem>> -> memref<1x!tpu.dma_semaphore, #tpu.memory_space<semaphore_mem>>
        %dma_wait3A_145 = tpu.memref_squeeze %dma_wait3A_144 : memref<1x!tpu.dma_semaphore, #tpu.memory_space<semaphore_mem>> -> memref<!tpu.dma_semaphore, #tpu.memory_space<semaphore_mem>>
        %dma_wait3A_146 = arith.constant 0 : i32
        %dma_wait3A_147 = tpu.memref_slice %arg2[%dma_wait3A_146, %mul3A_141] : memref<64x1000000xf32, #tpu.memory_space<hbm>> -> memref<64x128xf32, #tpu.memory_space<hbm>>
        tpu.wait_dma2 semaphore(%dma_wait3A_145 : memref<!tpu.dma_semaphore, #tpu.memory_space<semaphore_mem>>) src(%dma_wait3A_147 : memref<64x128xf32, #tpu.memory_space<hbm>>) dst(%arg6 : memref<64x128xf32, #tpu.memory_space<vmem>>)
        %ge3A_148 = arith.constant 2 : i32
        %ge3A_149 = arith.cmpi sge, %add3A_132, %ge3A_148 : i32
        %convert_element_type3A_150 = arith.extui %ge3A_149 : i1 to i32
        %cond3A_151 = arith.constant 0 : i32
        %cond3A_152 = arith.cmpi ne, %convert_element_type3A_150, %cond3A_151 : i32
        scf.if %cond3A_152 {
          %sub3A_170 = arith.constant 2 : i32
          %sub3A_171 = arith.subi %add3A_132, %sub3A_170 : i32
          %mul3A_172 = arith.constant 32 : i32
          %mul3A_173 = arith.muli %sub3A_171, %mul3A_172 : i32
          %add3A_174 = arith.addi %add3A, %mul3A_173 : i32
          %mul3A_175 = arith.constant 128 : i32
          %mul3A_176 = arith.muli %add3A_174, %mul3A_175 : i32
          %mul3A_177 = arith.constant 64 : i32
          %mul3A_178 = arith.muli %mul3A_176, %mul3A_177 : i32
          %dma_wait3A_179 = arith.constant 1 : i32
          %dma_wait3A_180 = tpu.memref_slice %arg4[%mul3A_178] : memref<64000000xf32, #tpu.memory_space<hbm>> -> memref<8192xf32, #tpu.memory_space<hbm>>
          %dma_wait3A_181 = tpu.memref_slice %arg12[%dma_wait3A_179] : memref<2x!tpu.dma_semaphore, #tpu.memory_space<semaphore_mem>> -> memref<1x!tpu.dma_semaphore, #tpu.memory_space<semaphore_mem>>
          %dma_wait3A_182 = tpu.memref_squeeze %dma_wait3A_181 : memref<1x!tpu.dma_semaphore, #tpu.memory_space<semaphore_mem>> -> memref<!tpu.dma_semaphore, #tpu.memory_space<semaphore_mem>>
          %dma_wait3A_183 = tpu.memref_slice %arg4[%mul3A_178] : memref<64000000xf32, #tpu.memory_space<hbm>> -> memref<8192xf32, #tpu.memory_space<hbm>>
          tpu.wait_dma2 semaphore(%dma_wait3A_182 : memref<!tpu.dma_semaphore, #tpu.memory_space<semaphore_mem>>) src(%arg10 : memref<8192xf32, #tpu.memory_space<vmem>>) dst(%dma_wait3A_183 : memref<8192xf32, #tpu.memory_space<hbm>>)
        } else {
        }
        %parallel_loop3A = arith.constant 0 : i32
        %parallel_loop3A_153 = arith.constant 64 : i32
        %parallel_loop3A_154 = arith.constant 1 : i32
        scf.for %parallel_loop3A_170 = %parallel_loop3A to %parallel_loop3A_153 step %parallel_loop3A_154  : i32 {
          %parallel_loop3A_171 = vector.broadcast %parallel_loop3A_170 : i32 to vector<16xi32>
          %parallel_loop3A_172 = arith.index_cast %parallel_loop3A_170 : i32 to index
          %parallel_loop3A_173 = arith.constant 0 : index
          %parallel_loop3A_174 = tpu.vector_load %arg6[%parallel_loop3A_172, %parallel_loop3A_173] {strides = array<i32>} : memref<64x128xf32, #tpu.memory_space<vmem>>, vector<16xf32>,
          %parallel_loop3A_175 = arith.addi %mul3A_28, %parallel_loop3A_171 : vector<16xi32>
          tpu.vector_store_idx %arg8[%parallel_loop3A_175], %parallel_loop3A_174 : memref<8320xf32, #tpu.memory_space<vmem>>[vector<16xi32>], vector<16xf32>,
          %parallel_loop3A_176 = arith.index_cast %parallel_loop3A_170 : i32 to index
          %parallel_loop3A_177 = arith.constant 16 : index
          %parallel_loop3A_178 = tpu.vector_load %arg6[%parallel_loop3A_176, %parallel_loop3A_177] {strides = array<i32>} : memref<64x128xf32, #tpu.memory_space<vmem>>, vector<16xf32>,
          %parallel_loop3A_179 = arith.addi %mul3A_35, %parallel_loop3A_171 : vector<16xi32>
          tpu.vector_store_idx %arg8[%parallel_loop3A_179], %parallel_loop3A_178 : memref<8320xf32, #tpu.memory_space<vmem>>[vector<16xi32>], vector<16xf32>,
          %parallel_loop3A_180 = arith.index_cast %parallel_loop3A_170 : i32 to index
          %parallel_loop3A_181 = arith.constant 32 : index
          %parallel_loop3A_182 = tpu.vector_load %arg6[%parallel_loop3A_180, %parallel_loop3A_181] {strides = array<i32>} : memref<64x128xf32, #tpu.memory_space<vmem>>, vector<16xf32>,
          %parallel_loop3A_183 = arith.addi %mul3A_42, %parallel_loop3A_171 : vector<16xi32>
          tpu.vector_store_idx %arg8[%parallel_loop3A_183], %parallel_loop3A_182 : memref<8320xf32, #tpu.memory_space<vmem>>[vector<16xi32>], vector<16xf32>,
          %parallel_loop3A_184 = arith.index_cast %parallel_loop3A_170 : i32 to index
          %parallel_loop3A_185 = arith.constant 48 : index
          %parallel_loop3A_186 = tpu.vector_load %arg6[%parallel_loop3A_184, %parallel_loop3A_185] {strides = array<i32>} : memref<64x128xf32, #tpu.memory_space<vmem>>, vector<16xf32>,
          %parallel_loop3A_187 = arith.addi %mul3A_49, %parallel_loop3A_171 : vector<16xi32>
          tpu.vector_store_idx %arg8[%parallel_loop3A_187], %parallel_loop3A_186 : memref<8320xf32, #tpu.memory_space<vmem>>[vector<16xi32>], vector<16xf32>,
          %parallel_loop3A_188 = arith.index_cast %parallel_loop3A_170 : i32 to index
          %parallel_loop3A_189 = arith.constant 64 : index
          %parallel_loop3A_190 = tpu.vector_load %arg6[%parallel_loop3A_188, %parallel_loop3A_189] {strides = array<i32>} : memref<64x128xf32, #tpu.memory_space<vmem>>, vector<16xf32>,
          %parallel_loop3A_191 = arith.addi %mul3A_56, %parallel_loop3A_171 : vector<16xi32>
          tpu.vector_store_idx %arg8[%parallel_loop3A_191], %parallel_loop3A_190 : memref<8320xf32, #tpu.memory_space<vmem>>[vector<16xi32>], vector<16xf32>,
          %parallel_loop3A_192 = arith.index_cast %parallel_loop3A_170 : i32 to index
          %parallel_loop3A_193 = arith.constant 80 : index
          %parallel_loop3A_194 = tpu.vector_load %arg6[%parallel_loop3A_192, %parallel_loop3A_193] {strides = array<i32>} : memref<64x128xf32, #tpu.memory_space<vmem>>, vector<16xf32>,
          %parallel_loop3A_195 = arith.addi %mul3A_63, %parallel_loop3A_171 : vector<16xi32>
          tpu.vector_store_idx %arg8[%parallel_loop3A_195], %parallel_loop3A_194 : memref<8320xf32, #tpu.memory_space<vmem>>[vector<16xi32>], vector<16xf32>,
          %parallel_loop3A_196 = arith.index_cast %parallel_loop3A_170 : i32 to index
          %parallel_loop3A_197 = arith.constant 96 : index
          %parallel_loop3A_198 = tpu.vector_load %arg6[%parallel_loop3A_196, %parallel_loop3A_197] {strides = array<i32>} : memref<64x128xf32, #tpu.memory_space<vmem>>, vector<16xf32>,
          %parallel_loop3A_199 = arith.addi %mul3A_70, %parallel_loop3A_171 : vector<16xi32>
          tpu.vector_store_idx %arg8[%parallel_loop3A_199], %parallel_loop3A_198 : memref<8320xf32, #tpu.memory_space<vmem>>[vector<16xi32>], vector<16xf32>,
          %parallel_loop3A_200 = arith.index_cast %parallel_loop3A_170 : i32 to index
          %parallel_loop3A_201 = arith.constant 112 : index
          %parallel_loop3A_202 = tpu.vector_load %arg6[%parallel_loop3A_200, %parallel_loop3A_201] {strides = array<i32>} : memref<64x128xf32, #tpu.memory_space<vmem>>, vector<16xf32>,
          %parallel_loop3A_203 = arith.addi %mul3A_77, %parallel_loop3A_171 : vector<16xi32>
          tpu.vector_store_idx %arg8[%parallel_loop3A_203], %parallel_loop3A_202 : memref<8320xf32, #tpu.memory_space<vmem>>[vector<16xi32>], vector<16xf32>,
        } {sc.loop_unroll_factor = 4 : i64, sc.parallel_access}
        %parallel_loop3A_155 = arith.constant 0 : i32
        %parallel_loop3A_156 = arith.constant 128 : i32
        %parallel_loop3A_157 = arith.constant 1 : i32
        scf.for %parallel_loop3A_170 = %parallel_loop3A_155 to %parallel_loop3A_156 step %parallel_loop3A_157  : i32 {
          %parallel_loop3A_171 = arith.constant 65 : i32
          %parallel_loop3A_172 = arith.muli %parallel_loop3A_170, %parallel_loop3A_171 : i32
          %parallel_loop3A_173 = arith.constant 0 : i32
          %parallel_loop3A_174 = arith.addi %parallel_loop3A_172, %parallel_loop3A_173 : i32
          %parallel_loop3A_175 = arith.index_cast %parallel_loop3A_174 : i32 to index
          %parallel_loop3A_176 = tpu.vector_load %arg8[%parallel_loop3A_175] {strides = array<i32>} : memref<8320xf32, #tpu.memory_space<vmem>>, vector<16xf32>,
          %parallel_loop3A_177 = arith.constant 64 : i32
          %parallel_loop3A_178 = arith.muli %parallel_loop3A_170, %parallel_loop3A_177 : i32
          %parallel_loop3A_179 = arith.constant 0 : i32
          %parallel_loop3A_180 = arith.addi %parallel_loop3A_178, %parallel_loop3A_179 : i32
          %parallel_loop3A_181 = arith.index_cast %parallel_loop3A_180 : i32 to index
          %parallel_loop3A_182 = tpu.vector_load %arg10[%parallel_loop3A_181] {strides = array<i32>} : memref<8192xf32, #tpu.memory_space<vmem>>, vector<16xf32>,
          tpu.vector_store %arg10[%parallel_loop3A_181], %parallel_loop3A_176 {strides = array<i32>} : memref<8192xf32, #tpu.memory_space<vmem>>, vector<16xf32>,
          %parallel_loop3A_183 = arith.constant 65 : i32
          %parallel_loop3A_184 = arith.muli %parallel_loop3A_170, %parallel_loop3A_183 : i32
          %parallel_loop3A_185 = arith.constant 16 : i32
          %parallel_loop3A_186 = arith.addi %parallel_loop3A_184, %parallel_loop3A_185 : i32
          %parallel_loop3A_187 = arith.index_cast %parallel_loop3A_186 : i32 to index
          %parallel_loop3A_188 = tpu.vector_load %arg8[%parallel_loop3A_187] {strides = array<i32>} : memref<8320xf32, #tpu.memory_space<vmem>>, vector<16xf32>,
          %parallel_loop3A_189 = arith.constant 64 : i32
          %parallel_loop3A_190 = arith.muli %parallel_loop3A_170, %parallel_loop3A_189 : i32
          %parallel_loop3A_191 = arith.constant 16 : i32
          %parallel_loop3A_192 = arith.addi %parallel_loop3A_190, %parallel_loop3A_191 : i32
          %parallel_loop3A_193 = arith.index_cast %parallel_loop3A_192 : i32 to index
          %parallel_loop3A_194 = tpu.vector_load %arg10[%parallel_loop3A_193] {strides = array<i32>} : memref<8192xf32, #tpu.memory_space<vmem>>, vector<16xf32>,
          tpu.vector_store %arg10[%parallel_loop3A_193], %parallel_loop3A_188 {strides = array<i32>} : memref<8192xf32, #tpu.memory_space<vmem>>, vector<16xf32>,
          %parallel_loop3A_195 = arith.constant 65 : i32
          %parallel_loop3A_196 = arith.muli %parallel_loop3A_170, %parallel_loop3A_195 : i32
          %parallel_loop3A_197 = arith.constant 32 : i32
          %parallel_loop3A_198 = arith.addi %parallel_loop3A_196, %parallel_loop3A_197 : i32
          %parallel_loop3A_199 = arith.index_cast %parallel_loop3A_198 : i32 to index
          %parallel_loop3A_200 = tpu.vector_load %arg8[%parallel_loop3A_199] {strides = array<i32>} : memref<8320xf32, #tpu.memory_space<vmem>>, vector<16xf32>,
          %parallel_loop3A_201 = arith.constant 64 : i32
          %parallel_loop3A_202 = arith.muli %parallel_loop3A_170, %parallel_loop3A_201 : i32
          %parallel_loop3A_203 = arith.constant 32 : i32
          %parallel_loop3A_204 = arith.addi %parallel_loop3A_202, %parallel_loop3A_203 : i32
          %parallel_loop3A_205 = arith.index_cast %parallel_loop3A_204 : i32 to index
          %parallel_loop3A_206 = tpu.vector_load %arg10[%parallel_loop3A_205] {strides = array<i32>} : memref<8192xf32, #tpu.memory_space<vmem>>, vector<16xf32>,
          tpu.vector_store %arg10[%parallel_loop3A_205], %parallel_loop3A_200 {strides = array<i32>} : memref<8192xf32, #tpu.memory_space<vmem>>, vector<16xf32>,
          %parallel_loop3A_207 = arith.constant 65 : i32
          %parallel_loop3A_208 = arith.muli %parallel_loop3A_170, %parallel_loop3A_207 : i32
          %parallel_loop3A_209 = arith.constant 48 : i32
          %parallel_loop3A_210 = arith.addi %parallel_loop3A_208, %parallel_loop3A_209 : i32
          %parallel_loop3A_211 = arith.index_cast %parallel_loop3A_210 : i32 to index
          %parallel_loop3A_212 = tpu.vector_load %arg8[%parallel_loop3A_211] {strides = array<i32>} : memref<8320xf32, #tpu.memory_space<vmem>>, vector<16xf32>,
          %parallel_loop3A_213 = arith.constant 64 : i32
          %parallel_loop3A_214 = arith.muli %parallel_loop3A_170, %parallel_loop3A_213 : i32
          %parallel_loop3A_215 = arith.constant 48 : i32
          %parallel_loop3A_216 = arith.addi %parallel_loop3A_214, %parallel_loop3A_215 : i32
          %parallel_loop3A_217 = arith.index_cast %parallel_loop3A_216 : i32 to index
          %parallel_loop3A_218 = tpu.vector_load %arg10[%parallel_loop3A_217] {strides = array<i32>} : memref<8192xf32, #tpu.memory_space<vmem>>, vector<16xf32>,
          tpu.vector_store %arg10[%parallel_loop3A_217], %parallel_loop3A_212 {strides = array<i32>} : memref<8192xf32, #tpu.memory_space<vmem>>, vector<16xf32>,
        } {sc.loop_unroll_factor = 4 : i64, sc.parallel_access}
        %mul3A_158 = arith.constant 64 : i32
        %mul3A_159 = arith.muli %mul3A_141, %mul3A_158 : i32
        %dma_start3A = arith.constant 1 : i32
        %dma_start3A_160 = tpu.memref_slice %arg4[%mul3A_159] : memref<64000000xf32, #tpu.memory_space<hbm>> -> memref<8192xf32, #tpu.memory_space<hbm>>
        %dma_start3A_161 = tpu.memref_slice %arg12[%dma_start3A] : memref<2x!tpu.dma_semaphore, #tpu.memory_space<semaphore_mem>> -> memref<1x!tpu.dma_semaphore, #tpu.memory_space<semaphore_mem>>
        %dma_start3A_162 = tpu.memref_squeeze %dma_start3A_161 : memref<1x!tpu.dma_semaphore, #tpu.memory_space<semaphore_mem>> -> memref<!tpu.dma_semaphore, #tpu.memory_space<semaphore_mem>>
        %dma_start3A_163 = tpu.memref_slice %arg4[%mul3A_159] : memref<64000000xf32, #tpu.memory_space<hbm>> -> memref<8192xf32, #tpu.memory_space<hbm>>
        tpu.enqueue_dma source(%arg10 : memref<8192xf32, #tpu.memory_space<vmem>>) target(%dma_start3A_163 : memref<8192xf32, #tpu.memory_space<hbm>>) target_semaphore(%dma_start3A_162 : memref<!tpu.dma_semaphore, #tpu.memory_space<semaphore_mem>>)
        %add3A_164 = arith.constant 2 : i32
        %add3A_165 = arith.addi %add3A_132, %add3A_164 : i32
        %lt3A_166 = arith.cmpi slt, %add3A_165, %select_n3A : i32
        %convert_element_type3A_167 = arith.extui %lt3A_166 : i1 to i32
        %cond3A_168 = arith.constant 0 : i32
        %cond3A_169 = arith.cmpi ne, %convert_element_type3A_167, %cond3A_168 : i32
        scf.if %cond3A_169 {
          %add3A_170 = arith.constant 2 : i32
          %add3A_171 = arith.addi %add3A_132, %add3A_170 : i32
          %mul3A_172 = arith.constant 32 : i32
          %mul3A_173 = arith.muli %add3A_171, %mul3A_172 : i32
          %add3A_174 = arith.addi %add3A, %mul3A_173 : i32
          %mul3A_175 = arith.constant 128 : i32
          %mul3A_176 = arith.muli %add3A_174, %mul3A_175 : i32
          %dma_start3A_177 = arith.constant 1 : i32
          %dma_start3A_178 = arith.constant 0 : i32
          %dma_start3A_179 = tpu.memref_slice %arg2[%dma_start3A_178, %mul3A_176] : memref<64x1000000xf32, #tpu.memory_space<hbm>> -> memref<64x128xf32, #tpu.memory_space<hbm>>
          %dma_start3A_180 = tpu.memref_slice %arg11[%dma_start3A_177] : memref<2x!tpu.dma_semaphore, #tpu.memory_space<semaphore_mem>> -> memref<1x!tpu.dma_semaphore, #tpu.memory_space<semaphore_mem>>
          %dma_start3A_181 = tpu.memref_squeeze %dma_start3A_180 : memref<1x!tpu.dma_semaphore, #tpu.memory_space<semaphore_mem>> -> memref<!tpu.dma_semaphore, #tpu.memory_space<semaphore_mem>>
          %dma_start3A_182 = arith.constant 0 : i32
          %dma_start3A_183 = tpu.memref_slice %arg2[%dma_start3A_182, %mul3A_176] : memref<64x1000000xf32, #tpu.memory_space<hbm>> -> memref<64x128xf32, #tpu.memory_space<hbm>>
          tpu.enqueue_dma source(%dma_start3A_183 : memref<64x128xf32, #tpu.memory_space<hbm>>) target(%arg6 : memref<64x128xf32, #tpu.memory_space<vmem>>) target_semaphore(%dma_start3A_181 : memref<!tpu.dma_semaphore, #tpu.memory_space<semaphore_mem>>)
        } else {
        }
      } else {
      }
    }
    %scan3A_89 = arith.constant 123 : i32
    %sub3A_90 = arith.constant 1 : i32
    %sub3A_91 = arith.subi %select_n3A, %sub3A_90 : i32
    %sub3A_92 = arith.constant 0 : i32
    %sub3A_93 = arith.subi %sub3A_91, %sub3A_92 : i32
    %add3A_94 = arith.constant 2 : i32
    %add3A_95 = arith.addi %sub3A_93, %add3A_94 : i32
    %rem3A_96 = arith.constant 2 : i32
    %rem3A_97 = arith.remsi %add3A_95, %rem3A_96 : i32
    %sub3A_98 = arith.subi %sub3A_91, %rem3A_97 : i32
    %ge3A = arith.constant 0 : i32
    %ge3A_99 = arith.cmpi sge, %sub3A_98, %ge3A : i32
    %convert_element_type3A_100 = arith.extui %ge3A_99 : i1 to i32
    %cond3A_101 = arith.constant 0 : i32
    %cond3A_102 = arith.cmpi ne, %convert_element_type3A_100, %cond3A_101 : i32
    scf.if %cond3A_102 {
      %mul3A_121 = arith.constant 32 : i32
      %mul3A_122 = arith.muli %sub3A_98, %mul3A_121 : i32
      %add3A_123 = arith.addi %add3A, %mul3A_122 : i32
      %mul3A_124 = arith.constant 128 : i32
      %mul3A_125 = arith.muli %add3A_123, %mul3A_124 : i32
      %mul3A_126 = arith.constant 64 : i32
      %mul3A_127 = arith.muli %mul3A_125, %mul3A_126 : i32
      %dma_wait3A = arith.constant 0 : i32
      %dma_wait3A_128 = tpu.memref_slice %arg4[%mul3A_127] : memref<64000000xf32, #tpu.memory_space<hbm>> -> memref<8192xf32, #tpu.memory_space<hbm>>
      %dma_wait3A_129 = tpu.memref_slice %arg12[%dma_wait3A] : memref<2x!tpu.dma_semaphore, #tpu.memory_space<semaphore_mem>> -> memref<1x!tpu.dma_semaphore, #tpu.memory_space<semaphore_mem>>
      %dma_wait3A_130 = tpu.memref_squeeze %dma_wait3A_129 : memref<1x!tpu.dma_semaphore, #tpu.memory_space<semaphore_mem>> -> memref<!tpu.dma_semaphore, #tpu.memory_space<semaphore_mem>>
      %dma_wait3A_131 = tpu.memref_slice %arg4[%mul3A_127] : memref<64000000xf32, #tpu.memory_space<hbm>> -> memref<8192xf32, #tpu.memory_space<hbm>>
      tpu.wait_dma2 semaphore(%dma_wait3A_130 : memref<!tpu.dma_semaphore, #tpu.memory_space<semaphore_mem>>) src(%arg9 : memref<8192xf32, #tpu.memory_space<vmem>>) dst(%dma_wait3A_131 : memref<8192xf32, #tpu.memory_space<hbm>>)
    } else {
    }
    %sub3A_103 = arith.constant 1 : i32
    %sub3A_104 = arith.subi %select_n3A, %sub3A_103 : i32
    %sub3A_105 = arith.constant 1 : i32
    %sub3A_106 = arith.subi %sub3A_104, %sub3A_105 : i32
    %add3A_107 = arith.constant 2 : i32
    %add3A_108 = arith.addi %sub3A_106, %add3A_107 : i32
    %rem3A_109 = arith.constant 2 : i32
    %rem3A_110 = arith.remsi %add3A_108, %rem3A_109 : i32
    %sub3A_111 = arith.subi %sub3A_104, %rem3A_110 : i32
    %ge3A_112 = arith.constant 0 : i32
    %ge3A_113 = arith.cmpi sge, %sub3A_111, %ge3A_112 : i32
    %convert_element_type3A_114 = arith.extui %ge3A_113 : i1 to i32
    %cond3A_115 = arith.constant 0 : i32
    %cond3A_116 = arith.cmpi ne, %convert_element_type3A_114, %cond3A_115 : i32
    scf.if %cond3A_116 {
      %mul3A_121 = arith.constant 32 : i32
      %mul3A_122 = arith.muli %sub3A_111, %mul3A_121 : i32
      %add3A_123 = arith.addi %add3A, %mul3A_122 : i32
      %mul3A_124 = arith.constant 128 : i32
      %mul3A_125 = arith.muli %add3A_123, %mul3A_124 : i32
      %mul3A_126 = arith.constant 64 : i32
      %mul3A_127 = arith.muli %mul3A_125, %mul3A_126 : i32
      %dma_wait3A = arith.constant 1 : i32
      %dma_wait3A_128 = tpu.memref_slice %arg4[%mul3A_127] : memref<64000000xf32, #tpu.memory_space<hbm>> -> memref<8192xf32, #tpu.memory_space<hbm>>
      %dma_wait3A_129 = tpu.memref_slice %arg12[%dma_wait3A] : memref<2x!tpu.dma_semaphore, #tpu.memory_space<semaphore_mem>> -> memref<1x!tpu.dma_semaphore, #tpu.memory_space<semaphore_mem>>
      %dma_wait3A_130 = tpu.memref_squeeze %dma_wait3A_129 : memref<1x!tpu.dma_semaphore, #tpu.memory_space<semaphore_mem>> -> memref<!tpu.dma_semaphore, #tpu.memory_space<semaphore_mem>>
      %dma_wait3A_131 = tpu.memref_slice %arg4[%mul3A_127] : memref<64000000xf32, #tpu.memory_space<hbm>> -> memref<8192xf32, #tpu.memory_space<hbm>>
      tpu.wait_dma2 semaphore(%dma_wait3A_130 : memref<!tpu.dma_semaphore, #tpu.memory_space<semaphore_mem>>) src(%arg10 : memref<8192xf32, #tpu.memory_space<vmem>>) dst(%dma_wait3A_131 : memref<8192xf32, #tpu.memory_space<hbm>>)
    } else {
    }
    %eq3A = arith.constant 0 : i32
    %eq3A_117 = arith.cmpi eq, %add3A, %eq3A : i32
    %convert_element_type3A_118 = arith.extui %eq3A_117 : i1 to i32
    %cond3A_119 = arith.constant 0 : i32
    %cond3A_120 = arith.cmpi ne, %convert_element_type3A_118, %cond3A_119 : i32
    scf.if %cond3A_120 {
      "tpu.region"() ({
        %run_scoped3A = tpu.sem_alloc : memref<!tpu.dma_semaphore, #tpu.memory_space<semaphore_mem>>
        %dma_start3A = arith.constant 0 : i32
        %dma_start3A_121 = tpu.memref_slice %arg7[%dma_start3A] : memref<8320xf32, #tpu.memory_space<vmem>> -> memref<4096xf32, #tpu.memory_space<vmem>>
        %dma_start3A_122 = arith.constant 0 : i32
        %dma_start3A_123 = tpu.memref_slice %arg7[%dma_start3A_122] : memref<8320xf32, #tpu.memory_space<vmem>> -> memref<4096xf32, #tpu.memory_space<vmem>>
        tpu.enqueue_dma source(%arg3 : memref<4096xf32, #tpu.memory_space<hbm>>) target(%dma_start3A_123 : memref<4096xf32, #tpu.memory_space<vmem>>) target_semaphore(%run_scoped3A : memref<!tpu.dma_semaphore, #tpu.memory_space<semaphore_mem>>)
        %dma_wait3A = arith.constant 0 : i32
        %dma_wait3A_124 = tpu.memref_slice %arg7[%dma_wait3A] : memref<8320xf32, #tpu.memory_space<vmem>> -> memref<4096xf32, #tpu.memory_space<vmem>>
        %dma_wait3A_125 = arith.constant 0 : i32
        %dma_wait3A_126 = tpu.memref_slice %arg7[%dma_wait3A_125] : memref<8320xf32, #tpu.memory_space<vmem>> -> memref<4096xf32, #tpu.memory_space<vmem>>
        tpu.wait_dma2 semaphore(%run_scoped3A : memref<!tpu.dma_semaphore, #tpu.memory_space<semaphore_mem>>) src(%arg3 : memref<4096xf32, #tpu.memory_space<hbm>>) dst(%dma_wait3A_126 : memref<4096xf32, #tpu.memory_space<vmem>>)
        tpu.yield
      }) : () -> ()
      "tpu.region"() ({
        %run_scoped3A = tpu.sem_alloc : memref<!tpu.dma_semaphore, #tpu.memory_space<semaphore_mem>>
        %dma_start3A = arith.constant 0 : i32
        %dma_start3A_121 = tpu.memref_slice %arg7[%dma_start3A] : memref<8320xf32, #tpu.memory_space<vmem>> -> memref<4096xf32, #tpu.memory_space<vmem>>
        %dma_start3A_122 = arith.constant 63995904 : i32
        %dma_start3A_123 = tpu.memref_slice %arg4[%dma_start3A_122] : memref<64000000xf32, #tpu.memory_space<hbm>> -> memref<4096xf32, #tpu.memory_space<hbm>>
        %dma_start3A_124 = arith.constant 63995904 : i32
        %dma_start3A_125 = tpu.memref_slice %arg4[%dma_start3A_124] : memref<64000000xf32, #tpu.memory_space<hbm>> -> memref<4096xf32, #tpu.memory_space<hbm>>
        %dma_start3A_126 = arith.constant 0 : i32
        %dma_start3A_127 = tpu.memref_slice %arg7[%dma_start3A_126] : memref<8320xf32, #tpu.memory_space<vmem>> -> memref<4096xf32, #tpu.memory_space<vmem>>
        tpu.enqueue_dma source(%dma_start3A_127 : memref<4096xf32, #tpu.memory_space<vmem>>) target(%dma_start3A_125 : memref<4096xf32, #tpu.memory_space<hbm>>) target_semaphore(%run_scoped3A : memref<!tpu.dma_semaphore, #tpu.memory_space<semaphore_mem>>)
        %dma_wait3A = arith.constant 0 : i32
        %dma_wait3A_128 = tpu.memref_slice %arg7[%dma_wait3A] : memref<8320xf32, #tpu.memory_space<vmem>> -> memref<4096xf32, #tpu.memory_space<vmem>>
        %dma_wait3A_129 = arith.constant 63995904 : i32
        %dma_wait3A_130 = tpu.memref_slice %arg4[%dma_wait3A_129] : memref<64000000xf32, #tpu.memory_space<hbm>> -> memref<4096xf32, #tpu.memory_space<hbm>>
        %dma_wait3A_131 = arith.constant 63995904 : i32
        %dma_wait3A_132 = tpu.memref_slice %arg4[%dma_wait3A_131] : memref<64000000xf32, #tpu.memory_space<hbm>> -> memref<4096xf32, #tpu.memory_space<hbm>>
        %dma_wait3A_133 = arith.constant 0 : i32
        %dma_wait3A_134 = tpu.memref_slice %arg7[%dma_wait3A_133] : memref<8320xf32, #tpu.memory_space<vmem>> -> memref<4096xf32, #tpu.memory_space<vmem>>
        tpu.wait_dma2 semaphore(%run_scoped3A : memref<!tpu.dma_semaphore, #tpu.memory_space<semaphore_mem>>) src(%dma_wait3A_134 : memref<4096xf32, #tpu.memory_space<vmem>>) dst(%dma_wait3A_132 : memref<4096xf32, #tpu.memory_space<hbm>>)
        tpu.yield
      }) : () -> ()
    } else {
    }
    return
  }
}

#map = affine_map<(d0, d1) -> (0)>
#map1 = affine_map<(d0, d1) -> (0, 0)>
#map2 = affine_map<(d0, d1) -> (0, 0, 0, 0, 0)>
module attributes {stable_mosaic.version = 14 : i64} {
  func.func @body(%arg0: i32, %arg1: i32, %arg2: memref<819200xi32, #tpu.memory_space<hbm>>, %arg3: memref<1000000x64xf32, #tpu.memory_space<hbm>>, %arg4: memref<12800xf32, #tpu.memory_space<hbm>>, %arg5: memref<200x8x32x8x128xf32, #tpu.memory_space<hbm>>, %arg6: memref<2x128xi32, #tpu.memory_space<vmem>>, %arg7: memref<2x128x64xf32, #tpu.memory_space<vmem>>, %arg8: memref<2x8x8x129xf32, #tpu.memory_space<vmem>>, %arg9: memref<12800xf32, #tpu.memory_space<vmem>>, %arg10: memref<2x!tpu.dma_semaphore, #tpu.memory_space<semaphore_mem>>, %arg11: memref<2x!tpu.dma_semaphore, #tpu.memory_space<semaphore_mem>>) attributes {dimension_semantics = [#tpu.dimension_semantics<core_parallel>, #tpu.dimension_semantics<subcore_parallel>], iteration_bounds = array<i64: 2, 16>, scalar_prefetch = 0 : i64, scratch_operands = 6 : i64, tpu.core_type = #tpu.core_type<sc_vector_subcore>, window_params = [{transform_indices = #map}, {transform_indices = #map1}, {transform_indices = #map}, {transform_indices = #map2}]} {
    %mul3A = arith.constant 2 : i32
    %mul3A_0 = arith.muli %arg1, %mul3A : i32
    %add3A = arith.addi %mul3A_0, %arg0 : i32
    "tpu.region"() ({
      %run_scoped3A_232 = tpu.sem_alloc : memref<!tpu.dma_semaphore, #tpu.memory_space<semaphore_mem>>
      tpu.enqueue_dma source(%arg4 : memref<12800xf32, #tpu.memory_space<hbm>>) target(%arg9 : memref<12800xf32, #tpu.memory_space<vmem>>) target_semaphore(%run_scoped3A_232 : memref<!tpu.dma_semaphore, #tpu.memory_space<semaphore_mem>>)
      tpu.wait_dma2 semaphore(%run_scoped3A_232 : memref<!tpu.dma_semaphore, #tpu.memory_space<semaphore_mem>>) src(%arg4 : memref<12800xf32, #tpu.memory_space<hbm>>) dst(%arg9 : memref<12800xf32, #tpu.memory_space<vmem>>)
      tpu.yield
    }) : () -> ()
    %iota3A = tpu.iota {dimensions = array<i32: 0>} : vector<16xi32>
    %add3A_1 = arith.constant 0 : i32
    %add3A_2 = vector.broadcast %add3A_1 : i32 to vector<16xi32>
    %add3A_3 = arith.addi %iota3A, %add3A_2 : vector<16xi32>
    %jit3A = arith.constant 8 : i32
    %div3A = vector.broadcast %jit3A : i32 to vector<16xi32>
    %div3A_4 = arith.divsi %add3A_3, %div3A : vector<16xi32>
    %sign3A = arith.constant 0 : i32
    %sign3A_5 = vector.broadcast %sign3A : i32 to vector<16xi32>
    %sign3A_6 = arith.cmpi sgt, %add3A_3, %sign3A_5 : vector<16xi32>
    %sign3A_7 = arith.extui %sign3A_6 : vector<16xi1> to vector<16xi32>
    %sign3A_8 = arith.constant 0 : i32
    %sign3A_9 = vector.broadcast %sign3A_8 : i32 to vector<16xi32>
    %sign3A_10 = arith.cmpi slt, %add3A_3, %sign3A_9 : vector<16xi32>
    %sign3A_11 = arith.extui %sign3A_10 : vector<16xi1> to vector<16xi32>
    %sign3A_12 = arith.subi %sign3A_7, %sign3A_11 : vector<16xi32>
    %sign3A_13 = arith.constant 0 : i32
    %sign3A_14 = arith.cmpi sgt, %jit3A, %sign3A_13 : i32
    %sign3A_15 = arith.extui %sign3A_14 : i1 to i32
    %sign3A_16 = arith.constant 0 : i32
    %sign3A_17 = arith.cmpi slt, %jit3A, %sign3A_16 : i32
    %sign3A_18 = arith.extui %sign3A_17 : i1 to i32
    %sign3A_19 = arith.subi %sign3A_15, %sign3A_18 : i32
    %ne3A = vector.broadcast %sign3A_19 : i32 to vector<16xi32>
    %ne3A_20 = arith.cmpi ne, %sign3A_12, %ne3A : vector<16xi32>
    %rem3A = vector.broadcast %jit3A : i32 to vector<16xi32>
    %rem3A_21 = arith.remsi %add3A_3, %rem3A : vector<16xi32>
    %ne3A_22 = arith.constant 0 : i32
    %ne3A_23 = vector.broadcast %ne3A_22 : i32 to vector<16xi32>
    %ne3A_24 = arith.cmpi ne, %rem3A_21, %ne3A_23 : vector<16xi32>
    %and3A = arith.andi %ne3A_20, %ne3A_24 : vector<16xi1>
    %sub3A = arith.constant 1 : i32
    %sub3A_25 = vector.broadcast %sub3A : i32 to vector<16xi32>
    %sub3A_26 = arith.subi %div3A_4, %sub3A_25 : vector<16xi32>
    %select_n3A = arith.select %and3A, %sub3A_26, %div3A_4 : vector<16xi1>, vector<16xi32>
    %iota3A_27 = tpu.iota {dimensions = array<i32: 0>} : vector<16xi32>
    %add3A_28 = arith.constant 16 : i32
    %add3A_29 = vector.broadcast %add3A_28 : i32 to vector<16xi32>
    %add3A_30 = arith.addi %iota3A_27, %add3A_29 : vector<16xi32>
    %jit3A_31 = arith.constant 8 : i32
    %div3A_32 = vector.broadcast %jit3A_31 : i32 to vector<16xi32>
    %div3A_33 = arith.divsi %add3A_30, %div3A_32 : vector<16xi32>
    %sign3A_34 = arith.constant 0 : i32
    %sign3A_35 = vector.broadcast %sign3A_34 : i32 to vector<16xi32>
    %sign3A_36 = arith.cmpi sgt, %add3A_30, %sign3A_35 : vector<16xi32>
    %sign3A_37 = arith.extui %sign3A_36 : vector<16xi1> to vector<16xi32>
    %sign3A_38 = arith.constant 0 : i32
    %sign3A_39 = vector.broadcast %sign3A_38 : i32 to vector<16xi32>
    %sign3A_40 = arith.cmpi slt, %add3A_30, %sign3A_39 : vector<16xi32>
    %sign3A_41 = arith.extui %sign3A_40 : vector<16xi1> to vector<16xi32>
    %sign3A_42 = arith.subi %sign3A_37, %sign3A_41 : vector<16xi32>
    %sign3A_43 = arith.constant 0 : i32
    %sign3A_44 = arith.cmpi sgt, %jit3A_31, %sign3A_43 : i32
    %sign3A_45 = arith.extui %sign3A_44 : i1 to i32
    %sign3A_46 = arith.constant 0 : i32
    %sign3A_47 = arith.cmpi slt, %jit3A_31, %sign3A_46 : i32
    %sign3A_48 = arith.extui %sign3A_47 : i1 to i32
    %sign3A_49 = arith.subi %sign3A_45, %sign3A_48 : i32
    %ne3A_50 = vector.broadcast %sign3A_49 : i32 to vector<16xi32>
    %ne3A_51 = arith.cmpi ne, %sign3A_42, %ne3A_50 : vector<16xi32>
    %rem3A_52 = vector.broadcast %jit3A_31 : i32 to vector<16xi32>
    %rem3A_53 = arith.remsi %add3A_30, %rem3A_52 : vector<16xi32>
    %ne3A_54 = arith.constant 0 : i32
    %ne3A_55 = vector.broadcast %ne3A_54 : i32 to vector<16xi32>
    %ne3A_56 = arith.cmpi ne, %rem3A_53, %ne3A_55 : vector<16xi32>
    %and3A_57 = arith.andi %ne3A_51, %ne3A_56 : vector<16xi1>
    %sub3A_58 = arith.constant 1 : i32
    %sub3A_59 = vector.broadcast %sub3A_58 : i32 to vector<16xi32>
    %sub3A_60 = arith.subi %div3A_33, %sub3A_59 : vector<16xi32>
    %select_n3A_61 = arith.select %and3A_57, %sub3A_60, %div3A_33 : vector<16xi1>, vector<16xi32>
    %iota3A_62 = tpu.iota {dimensions = array<i32: 0>} : vector<16xi32>
    %add3A_63 = arith.constant 32 : i32
    %add3A_64 = vector.broadcast %add3A_63 : i32 to vector<16xi32>
    %add3A_65 = arith.addi %iota3A_62, %add3A_64 : vector<16xi32>
    %jit3A_66 = arith.constant 8 : i32
    %div3A_67 = vector.broadcast %jit3A_66 : i32 to vector<16xi32>
    %div3A_68 = arith.divsi %add3A_65, %div3A_67 : vector<16xi32>
    %sign3A_69 = arith.constant 0 : i32
    %sign3A_70 = vector.broadcast %sign3A_69 : i32 to vector<16xi32>
    %sign3A_71 = arith.cmpi sgt, %add3A_65, %sign3A_70 : vector<16xi32>
    %sign3A_72 = arith.extui %sign3A_71 : vector<16xi1> to vector<16xi32>
    %sign3A_73 = arith.constant 0 : i32
    %sign3A_74 = vector.broadcast %sign3A_73 : i32 to vector<16xi32>
    %sign3A_75 = arith.cmpi slt, %add3A_65, %sign3A_74 : vector<16xi32>
    %sign3A_76 = arith.extui %sign3A_75 : vector<16xi1> to vector<16xi32>
    %sign3A_77 = arith.subi %sign3A_72, %sign3A_76 : vector<16xi32>
    %sign3A_78 = arith.constant 0 : i32
    %sign3A_79 = arith.cmpi sgt, %jit3A_66, %sign3A_78 : i32
    %sign3A_80 = arith.extui %sign3A_79 : i1 to i32
    %sign3A_81 = arith.constant 0 : i32
    %sign3A_82 = arith.cmpi slt, %jit3A_66, %sign3A_81 : i32
    %sign3A_83 = arith.extui %sign3A_82 : i1 to i32
    %sign3A_84 = arith.subi %sign3A_80, %sign3A_83 : i32
    %ne3A_85 = vector.broadcast %sign3A_84 : i32 to vector<16xi32>
    %ne3A_86 = arith.cmpi ne, %sign3A_77, %ne3A_85 : vector<16xi32>
    %rem3A_87 = vector.broadcast %jit3A_66 : i32 to vector<16xi32>
    %rem3A_88 = arith.remsi %add3A_65, %rem3A_87 : vector<16xi32>
    %ne3A_89 = arith.constant 0 : i32
    %ne3A_90 = vector.broadcast %ne3A_89 : i32 to vector<16xi32>
    %ne3A_91 = arith.cmpi ne, %rem3A_88, %ne3A_90 : vector<16xi32>
    %and3A_92 = arith.andi %ne3A_86, %ne3A_91 : vector<16xi1>
    %sub3A_93 = arith.constant 1 : i32
    %sub3A_94 = vector.broadcast %sub3A_93 : i32 to vector<16xi32>
    %sub3A_95 = arith.subi %div3A_68, %sub3A_94 : vector<16xi32>
    %select_n3A_96 = arith.select %and3A_92, %sub3A_95, %div3A_68 : vector<16xi1>, vector<16xi32>
    %iota3A_97 = tpu.iota {dimensions = array<i32: 0>} : vector<16xi32>
    %add3A_98 = arith.constant 48 : i32
    %add3A_99 = vector.broadcast %add3A_98 : i32 to vector<16xi32>
    %add3A_100 = arith.addi %iota3A_97, %add3A_99 : vector<16xi32>
    %jit3A_101 = arith.constant 8 : i32
    %div3A_102 = vector.broadcast %jit3A_101 : i32 to vector<16xi32>
    %div3A_103 = arith.divsi %add3A_100, %div3A_102 : vector<16xi32>
    %sign3A_104 = arith.constant 0 : i32
    %sign3A_105 = vector.broadcast %sign3A_104 : i32 to vector<16xi32>
    %sign3A_106 = arith.cmpi sgt, %add3A_100, %sign3A_105 : vector<16xi32>
    %sign3A_107 = arith.extui %sign3A_106 : vector<16xi1> to vector<16xi32>
    %sign3A_108 = arith.constant 0 : i32
    %sign3A_109 = vector.broadcast %sign3A_108 : i32 to vector<16xi32>
    %sign3A_110 = arith.cmpi slt, %add3A_100, %sign3A_109 : vector<16xi32>
    %sign3A_111 = arith.extui %sign3A_110 : vector<16xi1> to vector<16xi32>
    %sign3A_112 = arith.subi %sign3A_107, %sign3A_111 : vector<16xi32>
    %sign3A_113 = arith.constant 0 : i32
    %sign3A_114 = arith.cmpi sgt, %jit3A_101, %sign3A_113 : i32
    %sign3A_115 = arith.extui %sign3A_114 : i1 to i32
    %sign3A_116 = arith.constant 0 : i32
    %sign3A_117 = arith.cmpi slt, %jit3A_101, %sign3A_116 : i32
    %sign3A_118 = arith.extui %sign3A_117 : i1 to i32
    %sign3A_119 = arith.subi %sign3A_115, %sign3A_118 : i32
    %ne3A_120 = vector.broadcast %sign3A_119 : i32 to vector<16xi32>
    %ne3A_121 = arith.cmpi ne, %sign3A_112, %ne3A_120 : vector<16xi32>
    %rem3A_122 = vector.broadcast %jit3A_101 : i32 to vector<16xi32>
    %rem3A_123 = arith.remsi %add3A_100, %rem3A_122 : vector<16xi32>
    %ne3A_124 = arith.constant 0 : i32
    %ne3A_125 = vector.broadcast %ne3A_124 : i32 to vector<16xi32>
    %ne3A_126 = arith.cmpi ne, %rem3A_123, %ne3A_125 : vector<16xi32>
    %and3A_127 = arith.andi %ne3A_121, %ne3A_126 : vector<16xi1>
    %sub3A_128 = arith.constant 1 : i32
    %sub3A_129 = vector.broadcast %sub3A_128 : i32 to vector<16xi32>
    %sub3A_130 = arith.subi %div3A_103, %sub3A_129 : vector<16xi32>
    %select_n3A_131 = arith.select %and3A_127, %sub3A_130, %div3A_103 : vector<16xi1>, vector<16xi32>
    %iota3A_132 = tpu.iota {dimensions = array<i32: 0>} : vector<16xi32>
    %add3A_133 = arith.constant 0 : i32
    %add3A_134 = vector.broadcast %add3A_133 : i32 to vector<16xi32>
    %add3A_135 = arith.addi %iota3A_132, %add3A_134 : vector<16xi32>
    %rem3A_136 = arith.constant 8 : i32
    %rem3A_137 = vector.broadcast %rem3A_136 : i32 to vector<16xi32>
    %rem3A_138 = arith.remsi %add3A_135, %rem3A_137 : vector<16xi32>
    %iota3A_139 = tpu.iota {dimensions = array<i32: 0>} : vector<16xi32>
    %add3A_140 = arith.constant 16 : i32
    %add3A_141 = vector.broadcast %add3A_140 : i32 to vector<16xi32>
    %add3A_142 = arith.addi %iota3A_139, %add3A_141 : vector<16xi32>
    %rem3A_143 = arith.constant 8 : i32
    %rem3A_144 = vector.broadcast %rem3A_143 : i32 to vector<16xi32>
    %rem3A_145 = arith.remsi %add3A_142, %rem3A_144 : vector<16xi32>
    %iota3A_146 = tpu.iota {dimensions = array<i32: 0>} : vector<16xi32>
    %add3A_147 = arith.constant 32 : i32
    %add3A_148 = vector.broadcast %add3A_147 : i32 to vector<16xi32>
    %add3A_149 = arith.addi %iota3A_146, %add3A_148 : vector<16xi32>
    %rem3A_150 = arith.constant 8 : i32
    %rem3A_151 = vector.broadcast %rem3A_150 : i32 to vector<16xi32>
    %rem3A_152 = arith.remsi %add3A_149, %rem3A_151 : vector<16xi32>
    %iota3A_153 = tpu.iota {dimensions = array<i32: 0>} : vector<16xi32>
    %add3A_154 = arith.constant 48 : i32
    %add3A_155 = vector.broadcast %add3A_154 : i32 to vector<16xi32>
    %add3A_156 = arith.addi %iota3A_153, %add3A_155 : vector<16xi32>
    %rem3A_157 = arith.constant 8 : i32
    %rem3A_158 = vector.broadcast %rem3A_157 : i32 to vector<16xi32>
    %rem3A_159 = arith.remsi %add3A_156, %rem3A_158 : vector<16xi32>
    %mul3A_160 = arith.constant 128 : i32
    %mul3A_161 = arith.muli %add3A, %mul3A_160 : i32
    %add3A_162 = arith.constant 0 : i32
    %add3A_163 = arith.addi %add3A_162, %mul3A_161 : i32
    %run_scoped3A = arith.constant 0 : i32
    "tpu.region"() ({
      %run_scoped3A_232 = tpu.sem_alloc : memref<!tpu.dma_semaphore, #tpu.memory_space<semaphore_mem>>
      %dma_start3A_233 = arith.constant 0 : i32
      %dma_start3A_234 = tpu.memref_slice %arg6[%run_scoped3A, %dma_start3A_233] : memref<2x128xi32, #tpu.memory_space<vmem>> -> memref<1x128xi32, #tpu.memory_space<vmem>>
      %dma_start3A_235 = tpu.memref_squeeze %dma_start3A_234 : memref<1x128xi32, #tpu.memory_space<vmem>> -> memref<128xi32, #tpu.memory_space<vmem>>
      %dma_start3A_236 = tpu.memref_slice %arg2[%add3A_163] : memref<819200xi32, #tpu.memory_space<hbm>> -> memref<128xi32, #tpu.memory_space<hbm>>
      %dma_start3A_237 = arith.constant 0 : i32
      %dma_start3A_238 = tpu.memref_slice %arg6[%run_scoped3A, %dma_start3A_237] : memref<2x128xi32, #tpu.memory_space<vmem>> -> memref<1x128xi32, #tpu.memory_space<vmem>>
      %dma_start3A_239 = tpu.memref_squeeze %dma_start3A_238 : memref<1x128xi32, #tpu.memory_space<vmem>> -> memref<128xi32, #tpu.memory_space<vmem>>
      %dma_start3A_240 = tpu.memref_slice %arg2[%add3A_163] : memref<819200xi32, #tpu.memory_space<hbm>> -> memref<128xi32, #tpu.memory_space<hbm>>
      tpu.enqueue_dma source(%dma_start3A_240 : memref<128xi32, #tpu.memory_space<hbm>>) target(%dma_start3A_239 : memref<128xi32, #tpu.memory_space<vmem>>) target_semaphore(%run_scoped3A_232 : memref<!tpu.dma_semaphore, #tpu.memory_space<semaphore_mem>>)
      %dma_wait3A_241 = arith.constant 0 : i32
      %dma_wait3A_242 = tpu.memref_slice %arg6[%run_scoped3A, %dma_wait3A_241] : memref<2x128xi32, #tpu.memory_space<vmem>> -> memref<1x128xi32, #tpu.memory_space<vmem>>
      %dma_wait3A_243 = tpu.memref_squeeze %dma_wait3A_242 : memref<1x128xi32, #tpu.memory_space<vmem>> -> memref<128xi32, #tpu.memory_space<vmem>>
      %dma_wait3A_244 = tpu.memref_slice %arg2[%add3A_163] : memref<819200xi32, #tpu.memory_space<hbm>> -> memref<128xi32, #tpu.memory_space<hbm>>
      %dma_wait3A_245 = arith.constant 0 : i32
      %dma_wait3A_246 = tpu.memref_slice %arg6[%run_scoped3A, %dma_wait3A_245] : memref<2x128xi32, #tpu.memory_space<vmem>> -> memref<1x128xi32, #tpu.memory_space<vmem>>
      %dma_wait3A_247 = tpu.memref_squeeze %dma_wait3A_246 : memref<1x128xi32, #tpu.memory_space<vmem>> -> memref<128xi32, #tpu.memory_space<vmem>>
      %dma_wait3A_248 = tpu.memref_slice %arg2[%add3A_163] : memref<819200xi32, #tpu.memory_space<hbm>> -> memref<128xi32, #tpu.memory_space<hbm>>
      tpu.wait_dma2 semaphore(%run_scoped3A_232 : memref<!tpu.dma_semaphore, #tpu.memory_space<semaphore_mem>>) src(%dma_wait3A_248 : memref<128xi32, #tpu.memory_space<hbm>>) dst(%dma_wait3A_247 : memref<128xi32, #tpu.memory_space<vmem>>)
      tpu.yield
    }) : () -> ()
    %dma_start3A = arith.constant 0 : i32
    %dma_start3A_164 = arith.constant 0 : i32
    %dma_start3A_165 = arith.constant 0 : i32
    %dma_start3A_166 = arith.constant 0 : i32
    %dma_start3A_167 = arith.constant 0 : i32
    %dma_start3A_168 = tpu.memref_slice %arg7[%dma_start3A_164, %dma_start3A_166, %dma_start3A_167] : memref<2x128x64xf32, #tpu.memory_space<vmem>> -> memref<1x128x64xf32, #tpu.memory_space<vmem>>
    %dma_start3A_169 = tpu.memref_squeeze %dma_start3A_168 : memref<1x128x64xf32, #tpu.memory_space<vmem>> -> memref<128x64xf32, #tpu.memory_space<vmem>>
    %dma_start3A_170 = arith.constant 0 : i32
    %dma_start3A_171 = tpu.memref_slice %arg6[%dma_start3A, %dma_start3A_170] : memref<2x128xi32, #tpu.memory_space<vmem>> -> memref<1x128xi32, #tpu.memory_space<vmem>>
    %dma_start3A_172 = tpu.memref_squeeze %dma_start3A_171 : memref<1x128xi32, #tpu.memory_space<vmem>> -> memref<128xi32, #tpu.memory_space<vmem>>
    %dma_start3A_173 = arith.constant 0 : i32
    %dma_start3A_174 = arith.constant 0 : i32
    %dma_start3A_175 = tpu.memref_slice %arg3[%dma_start3A_173, %dma_start3A_174] : memref<1000000x64xf32, #tpu.memory_space<hbm>> -> memref<1000000x64xf32, #tpu.memory_space<hbm>>
    %dma_start3A_176 = tpu.memref_slice %arg10[%dma_start3A_165] : memref<2x!tpu.dma_semaphore, #tpu.memory_space<semaphore_mem>> -> memref<1x!tpu.dma_semaphore, #tpu.memory_space<semaphore_mem>>
    %dma_start3A_177 = tpu.memref_squeeze %dma_start3A_176 : memref<1x!tpu.dma_semaphore, #tpu.memory_space<semaphore_mem>> -> memref<!tpu.dma_semaphore, #tpu.memory_space<semaphore_mem>>
    tpu.enqueue_indirect_dma source(%dma_start3A_175 : memref<1000000x64xf32, #tpu.memory_space<hbm>>) target(%dma_start3A_169 : memref<128x64xf32, #tpu.memory_space<vmem>>) offsets(%dma_start3A_172 : memref<128xi32, #tpu.memory_space<vmem>>) semaphore(%dma_start3A_177 : memref<!tpu.dma_semaphore, #tpu.memory_space<semaphore_mem>>)
    %scan3A = arith.constant 0 : i32
    %scan3A_178 = arith.constant 0 : i32
    %scan3A_179 = arith.constant 100 : i32
    %scan3A_180 = arith.addi %scan3A_178, %scan3A_179 : i32
    %scan3A_181 = arith.constant 1 : i32
    scf.for %scan3A_232 = %scan3A_178 to %scan3A_180 step %scan3A_181  : i32 {
      %mul3A_233 = arith.constant 2 : i32
      %mul3A_234 = arith.muli %mul3A_233, %scan3A_232 : i32
      %add3A_235 = arith.constant 0 : i32
      %add3A_236 = arith.addi %mul3A_234, %add3A_235 : i32
      %dma_wait3A_237 = arith.constant 0 : i32
      %dma_wait3A_238 = arith.constant 0 : i32
      %dma_wait3A_239 = arith.constant 0 : i32
      %dma_wait3A_240 = arith.constant 0 : i32
      %dma_wait3A_241 = arith.constant 0 : i32
      %dma_wait3A_242 = tpu.memref_slice %arg7[%dma_wait3A_238, %dma_wait3A_240, %dma_wait3A_241] : memref<2x128x64xf32, #tpu.memory_space<vmem>> -> memref<1x128x64xf32, #tpu.memory_space<vmem>>
      %dma_wait3A_243 = tpu.memref_squeeze %dma_wait3A_242 : memref<1x128x64xf32, #tpu.memory_space<vmem>> -> memref<128x64xf32, #tpu.memory_space<vmem>>
      %dma_wait3A_244 = arith.constant 0 : i32
      %dma_wait3A_245 = tpu.memref_slice %arg6[%dma_wait3A_237, %dma_wait3A_244] : memref<2x128xi32, #tpu.memory_space<vmem>> -> memref<1x128xi32, #tpu.memory_space<vmem>>
      %dma_wait3A_246 = tpu.memref_squeeze %dma_wait3A_245 : memref<1x128xi32, #tpu.memory_space<vmem>> -> memref<128xi32, #tpu.memory_space<vmem>>
      %dma_wait3A_247 = arith.constant 0 : i32
      %dma_wait3A_248 = arith.constant 0 : i32
      %dma_wait3A_249 = tpu.memref_slice %arg3[%dma_wait3A_247, %dma_wait3A_248] : memref<1000000x64xf32, #tpu.memory_space<hbm>> -> memref<1000000x64xf32, #tpu.memory_space<hbm>>
      %dma_wait3A_250 = tpu.memref_slice %arg10[%dma_wait3A_239] : memref<2x!tpu.dma_semaphore, #tpu.memory_space<semaphore_mem>> -> memref<1x!tpu.dma_semaphore, #tpu.memory_space<semaphore_mem>>
      %dma_wait3A_251 = tpu.memref_squeeze %dma_wait3A_250 : memref<1x!tpu.dma_semaphore, #tpu.memory_space<semaphore_mem>> -> memref<!tpu.dma_semaphore, #tpu.memory_space<semaphore_mem>>
      tpu.wait_indirect_dma semaphore(%dma_wait3A_251 : memref<!tpu.dma_semaphore, #tpu.memory_space<semaphore_mem>>) src(%dma_wait3A_249 : memref<1000000x64xf32, #tpu.memory_space<hbm>>) dst(%dma_wait3A_243 : memref<128x64xf32, #tpu.memory_space<vmem>>)
      %lt3A = arith.constant 199 : i32
      %lt3A_252 = arith.cmpi slt, %add3A_236, %lt3A : i32
      %convert_element_type3A = arith.extui %lt3A_252 : i1 to i32
      %cond3A = arith.constant 0 : i32
      %cond3A_253 = arith.cmpi ne, %convert_element_type3A, %cond3A : i32
      scf.if %cond3A_253 {
        %add3A_387 = arith.constant 1 : i32
        %add3A_388 = arith.addi %add3A_236, %add3A_387 : i32
        %mul3A_389 = arith.constant 4096 : i32
        %mul3A_390 = arith.muli %add3A_388, %mul3A_389 : i32
        %mul3A_391 = arith.constant 128 : i32
        %mul3A_392 = arith.muli %add3A, %mul3A_391 : i32
        %add3A_393 = arith.addi %mul3A_390, %mul3A_392 : i32
        %run_scoped3A_394 = arith.constant 1 : i32
        "tpu.region"() ({
          %run_scoped3A_410 = tpu.sem_alloc : memref<!tpu.dma_semaphore, #tpu.memory_space<semaphore_mem>>
          %dma_start3A_411 = arith.constant 0 : i32
          %dma_start3A_412 = tpu.memref_slice %arg6[%run_scoped3A_394, %dma_start3A_411] : memref<2x128xi32, #tpu.memory_space<vmem>> -> memref<1x128xi32, #tpu.memory_space<vmem>>
          %dma_start3A_413 = tpu.memref_squeeze %dma_start3A_412 : memref<1x128xi32, #tpu.memory_space<vmem>> -> memref<128xi32, #tpu.memory_space<vmem>>
          %dma_start3A_414 = tpu.memref_slice %arg2[%add3A_393] : memref<819200xi32, #tpu.memory_space<hbm>> -> memref<128xi32, #tpu.memory_space<hbm>>
          %dma_start3A_415 = arith.constant 0 : i32
          %dma_start3A_416 = tpu.memref_slice %arg6[%run_scoped3A_394, %dma_start3A_415] : memref<2x128xi32, #tpu.memory_space<vmem>> -> memref<1x128xi32, #tpu.memory_space<vmem>>
          %dma_start3A_417 = tpu.memref_squeeze %dma_start3A_416 : memref<1x128xi32, #tpu.memory_space<vmem>> -> memref<128xi32, #tpu.memory_space<vmem>>
          %dma_start3A_418 = tpu.memref_slice %arg2[%add3A_393] : memref<819200xi32, #tpu.memory_space<hbm>> -> memref<128xi32, #tpu.memory_space<hbm>>
          tpu.enqueue_dma source(%dma_start3A_418 : memref<128xi32, #tpu.memory_space<hbm>>) target(%dma_start3A_417 : memref<128xi32, #tpu.memory_space<vmem>>) target_semaphore(%run_scoped3A_410 : memref<!tpu.dma_semaphore, #tpu.memory_space<semaphore_mem>>)
          %dma_wait3A_419 = arith.constant 0 : i32
          %dma_wait3A_420 = tpu.memref_slice %arg6[%run_scoped3A_394, %dma_wait3A_419] : memref<2x128xi32, #tpu.memory_space<vmem>> -> memref<1x128xi32, #tpu.memory_space<vmem>>
          %dma_wait3A_421 = tpu.memref_squeeze %dma_wait3A_420 : memref<1x128xi32, #tpu.memory_space<vmem>> -> memref<128xi32, #tpu.memory_space<vmem>>
          %dma_wait3A_422 = tpu.memref_slice %arg2[%add3A_393] : memref<819200xi32, #tpu.memory_space<hbm>> -> memref<128xi32, #tpu.memory_space<hbm>>
          %dma_wait3A_423 = arith.constant 0 : i32
          %dma_wait3A_424 = tpu.memref_slice %arg6[%run_scoped3A_394, %dma_wait3A_423] : memref<2x128xi32, #tpu.memory_space<vmem>> -> memref<1x128xi32, #tpu.memory_space<vmem>>
          %dma_wait3A_425 = tpu.memref_squeeze %dma_wait3A_424 : memref<1x128xi32, #tpu.memory_space<vmem>> -> memref<128xi32, #tpu.memory_space<vmem>>
          %dma_wait3A_426 = tpu.memref_slice %arg2[%add3A_393] : memref<819200xi32, #tpu.memory_space<hbm>> -> memref<128xi32, #tpu.memory_space<hbm>>
          tpu.wait_dma2 semaphore(%run_scoped3A_410 : memref<!tpu.dma_semaphore, #tpu.memory_space<semaphore_mem>>) src(%dma_wait3A_426 : memref<128xi32, #tpu.memory_space<hbm>>) dst(%dma_wait3A_425 : memref<128xi32, #tpu.memory_space<vmem>>)
          tpu.yield
        }) : () -> ()
        %dma_start3A_395 = arith.constant 1 : i32
        %dma_start3A_396 = arith.constant 1 : i32
        %dma_start3A_397 = arith.constant 1 : i32
        %dma_start3A_398 = arith.constant 0 : i32
        %dma_start3A_399 = arith.constant 0 : i32
        %dma_start3A_400 = tpu.memref_slice %arg7[%dma_start3A_396, %dma_start3A_398, %dma_start3A_399] : memref<2x128x64xf32, #tpu.memory_space<vmem>> -> memref<1x128x64xf32, #tpu.memory_space<vmem>>
        %dma_start3A_401 = tpu.memref_squeeze %dma_start3A_400 : memref<1x128x64xf32, #tpu.memory_space<vmem>> -> memref<128x64xf32, #tpu.memory_space<vmem>>
        %dma_start3A_402 = arith.constant 0 : i32
        %dma_start3A_403 = tpu.memref_slice %arg6[%dma_start3A_395, %dma_start3A_402] : memref<2x128xi32, #tpu.memory_space<vmem>> -> memref<1x128xi32, #tpu.memory_space<vmem>>
        %dma_start3A_404 = tpu.memref_squeeze %dma_start3A_403 : memref<1x128xi32, #tpu.memory_space<vmem>> -> memref<128xi32, #tpu.memory_space<vmem>>
        %dma_start3A_405 = arith.constant 0 : i32
        %dma_start3A_406 = arith.constant 0 : i32
        %dma_start3A_407 = tpu.memref_slice %arg3[%dma_start3A_405, %dma_start3A_406] : memref<1000000x64xf32, #tpu.memory_space<hbm>> -> memref<1000000x64xf32, #tpu.memory_space<hbm>>
        %dma_start3A_408 = tpu.memref_slice %arg10[%dma_start3A_397] : memref<2x!tpu.dma_semaphore, #tpu.memory_space<semaphore_mem>> -> memref<1x!tpu.dma_semaphore, #tpu.memory_space<semaphore_mem>>
        %dma_start3A_409 = tpu.memref_squeeze %dma_start3A_408 : memref<1x!tpu.dma_semaphore, #tpu.memory_space<semaphore_mem>> -> memref<!tpu.dma_semaphore, #tpu.memory_space<semaphore_mem>>
        tpu.enqueue_indirect_dma source(%dma_start3A_407 : memref<1000000x64xf32, #tpu.memory_space<hbm>>) target(%dma_start3A_401 : memref<128x64xf32, #tpu.memory_space<vmem>>) offsets(%dma_start3A_404 : memref<128xi32, #tpu.memory_space<vmem>>) semaphore(%dma_start3A_409 : memref<!tpu.dma_semaphore, #tpu.memory_space<semaphore_mem>>)
      } else {
      }
      %ge3A = arith.constant 2 : i32
      %ge3A_254 = arith.cmpi sge, %add3A_236, %ge3A : i32
      %convert_element_type3A_255 = arith.extui %ge3A_254 : i1 to i32
      %cond3A_256 = arith.constant 0 : i32
      %cond3A_257 = arith.cmpi ne, %convert_element_type3A_255, %cond3A_256 : i32
      scf.if %cond3A_257 {
        %sub3A_387 = arith.constant 2 : i32
        %sub3A_388 = arith.subi %add3A_236, %sub3A_387 : i32
        %dma_wait3A_389 = arith.constant 0 : i32
        %dma_wait3A_390 = arith.constant 0 : i32
        %dma_wait3A_391 = arith.constant 0 : i32
        %dma_wait3A_392 = arith.constant 0 : i32
        %dma_wait3A_393 = arith.constant 0 : i32
        %dma_wait3A_394 = tpu.memref_slice %arg8[%dma_wait3A_389, %dma_wait3A_391, %dma_wait3A_392, %dma_wait3A_393] : memref<2x8x8x129xf32, #tpu.memory_space<vmem>> -> memref<1x8x8x128xf32, #tpu.memory_space<vmem>>
        %dma_wait3A_395 = tpu.memref_squeeze %dma_wait3A_394 : memref<1x8x8x128xf32, #tpu.memory_space<vmem>> -> memref<8x8x128xf32, #tpu.memory_space<vmem>>
        %dma_wait3A_396 = arith.constant 0 : i32
        %dma_wait3A_397 = arith.constant 0 : i32
        %dma_wait3A_398 = arith.constant 0 : i32
        %dma_wait3A_399 = tpu.memref_slice %arg5[%sub3A_388, %dma_wait3A_396, %add3A, %dma_wait3A_397, %dma_wait3A_398] : memref<200x8x32x8x128xf32, #tpu.memory_space<hbm>> -> memref<1x8x1x8x128xf32, #tpu.memory_space<hbm>>
        %dma_wait3A_400 = tpu.memref_squeeze %dma_wait3A_399 : memref<1x8x1x8x128xf32, #tpu.memory_space<hbm>> -> memref<8x8x128xf32, #tpu.memory_space<hbm>>
        %dma_wait3A_401 = tpu.memref_slice %arg11[%dma_wait3A_390] : memref<2x!tpu.dma_semaphore, #tpu.memory_space<semaphore_mem>> -> memref<1x!tpu.dma_semaphore, #tpu.memory_space<semaphore_mem>>
        %dma_wait3A_402 = tpu.memref_squeeze %dma_wait3A_401 : memref<1x!tpu.dma_semaphore, #tpu.memory_space<semaphore_mem>> -> memref<!tpu.dma_semaphore, #tpu.memory_space<semaphore_mem>>
        %dma_wait3A_403 = arith.constant 0 : i32
        %dma_wait3A_404 = arith.constant 0 : i32
        %dma_wait3A_405 = arith.constant 0 : i32
        %dma_wait3A_406 = tpu.memref_slice %arg5[%sub3A_388, %dma_wait3A_403, %add3A, %dma_wait3A_404, %dma_wait3A_405] : memref<200x8x32x8x128xf32, #tpu.memory_space<hbm>> -> memref<1x8x1x8x128xf32, #tpu.memory_space<hbm>>
        %dma_wait3A_407 = tpu.memref_squeeze %dma_wait3A_406 : memref<1x8x1x8x128xf32, #tpu.memory_space<hbm>> -> memref<8x8x128xf32, #tpu.memory_space<hbm>>
        %dma_wait3A_408 = arith.constant 0 : i32
        %dma_wait3A_409 = arith.constant 0 : i32
        %dma_wait3A_410 = arith.constant 0 : i32
        %dma_wait3A_411 = tpu.memref_slice %arg8[%dma_wait3A_389, %dma_wait3A_408, %dma_wait3A_409, %dma_wait3A_410] : memref<2x8x8x129xf32, #tpu.memory_space<vmem>> -> memref<1x8x8x128xf32, #tpu.memory_space<vmem>>
        %dma_wait3A_412 = tpu.memref_squeeze %dma_wait3A_411 : memref<1x8x8x128xf32, #tpu.memory_space<vmem>> -> memref<8x8x128xf32, #tpu.memory_space<vmem>>
        tpu.wait_dma2 semaphore(%dma_wait3A_402 : memref<!tpu.dma_semaphore, #tpu.memory_space<semaphore_mem>>) src(%dma_wait3A_412 : memref<8x8x128xf32, #tpu.memory_space<vmem>>) dst(%dma_wait3A_407 : memref<8x8x128xf32, #tpu.memory_space<hbm>>)
      } else {
      }
      %mul3A_258 = arith.constant 64 : i32
      %mul3A_259 = arith.muli %add3A_236, %mul3A_258 : i32
      %add3A_260 = arith.constant 0 : i32
      %add3A_261 = arith.addi %mul3A_259, %add3A_260 : i32
      %get3A = arith.index_cast %add3A_261 : i32 to index
      %get3A_262 = tpu.vector_load %arg9[%get3A] {strides = array<i32>} : memref<12800xf32, #tpu.memory_space<vmem>>, vector<16xf32>,
      %mul3A_263 = arith.constant 64 : i32
      %mul3A_264 = arith.muli %add3A_236, %mul3A_263 : i32
      %add3A_265 = arith.constant 16 : i32
      %add3A_266 = arith.addi %mul3A_264, %add3A_265 : i32
      %get3A_267 = arith.index_cast %add3A_266 : i32 to index
      %get3A_268 = tpu.vector_load %arg9[%get3A_267] {strides = array<i32>} : memref<12800xf32, #tpu.memory_space<vmem>>, vector<16xf32>,
      %mul3A_269 = arith.constant 64 : i32
      %mul3A_270 = arith.muli %add3A_236, %mul3A_269 : i32
      %add3A_271 = arith.constant 32 : i32
      %add3A_272 = arith.addi %mul3A_270, %add3A_271 : i32
      %get3A_273 = arith.index_cast %add3A_272 : i32 to index
      %get3A_274 = tpu.vector_load %arg9[%get3A_273] {strides = array<i32>} : memref<12800xf32, #tpu.memory_space<vmem>>, vector<16xf32>,
      %mul3A_275 = arith.constant 64 : i32
      %mul3A_276 = arith.muli %add3A_236, %mul3A_275 : i32
      %add3A_277 = arith.constant 48 : i32
      %add3A_278 = arith.addi %mul3A_276, %add3A_277 : i32
      %get3A_279 = arith.index_cast %add3A_278 : i32 to index
      %get3A_280 = tpu.vector_load %arg9[%get3A_279] {strides = array<i32>} : memref<12800xf32, #tpu.memory_space<vmem>>, vector<16xf32>,
      %parallel_loop3A = arith.constant 0 : i32
      %parallel_loop3A_281 = arith.constant 128 : i32
      %parallel_loop3A_282 = arith.constant 1 : i32
      scf.for %parallel_loop3A_387 = %parallel_loop3A to %parallel_loop3A_281 step %parallel_loop3A_282  : i32 {
        %parallel_loop3A_388 = vector.broadcast %parallel_loop3A_387 : i32 to vector<16xi32>
        %parallel_loop3A_389 = arith.constant 0 : i32
        %parallel_loop3A_390 = arith.index_cast %parallel_loop3A_389 : i32 to index
        %parallel_loop3A_391 = arith.index_cast %parallel_loop3A_387 : i32 to index
        %parallel_loop3A_392 = arith.constant 0 : index
        %parallel_loop3A_393 = tpu.vector_load %arg7[%parallel_loop3A_390, %parallel_loop3A_391, %parallel_loop3A_392] {strides = array<i32>} : memref<2x128x64xf32, #tpu.memory_space<vmem>>, vector<16xf32>,
        %parallel_loop3A_394 = arith.addf %parallel_loop3A_393, %get3A_262 : vector<16xf32>
        %parallel_loop3A_395 = arith.constant 0 : i32
        %parallel_loop3A_396 = arith.constant 0 : i32
        %parallel_loop3A_397 = arith.constant 0 : i32
        %parallel_loop3A_398 = arith.constant 0 : i32
        %parallel_loop3A_399 = tpu.memref_slice %arg8[%parallel_loop3A_395, %parallel_loop3A_396, %parallel_loop3A_397, %parallel_loop3A_398] : memref<2x8x8x129xf32, #tpu.memory_space<vmem>> -> memref<1x8x8x129xf32, #tpu.memory_space<vmem>>
        %parallel_loop3A_400 = tpu.memref_squeeze %parallel_loop3A_399 : memref<1x8x8x129xf32, #tpu.memory_space<vmem>> -> memref<8x8x129xf32, #tpu.memory_space<vmem>>
        tpu.vector_store_idx %parallel_loop3A_400[%select_n3A, %rem3A_138, %parallel_loop3A_388], %parallel_loop3A_394 : memref<8x8x129xf32, #tpu.memory_space<vmem>>[vector<16xi32>, vector<16xi32>, vector<16xi32>], vector<16xf32>,
        %parallel_loop3A_401 = arith.constant 0 : i32
        %parallel_loop3A_402 = arith.index_cast %parallel_loop3A_401 : i32 to index
        %parallel_loop3A_403 = arith.index_cast %parallel_loop3A_387 : i32 to index
        %parallel_loop3A_404 = arith.constant 16 : index
        %parallel_loop3A_405 = tpu.vector_load %arg7[%parallel_loop3A_402, %parallel_loop3A_403, %parallel_loop3A_404] {strides = array<i32>} : memref<2x128x64xf32, #tpu.memory_space<vmem>>, vector<16xf32>,
        %parallel_loop3A_406 = arith.addf %parallel_loop3A_405, %get3A_268 : vector<16xf32>
        %parallel_loop3A_407 = arith.constant 0 : i32
        %parallel_loop3A_408 = arith.constant 0 : i32
        %parallel_loop3A_409 = arith.constant 0 : i32
        %parallel_loop3A_410 = arith.constant 0 : i32
        %parallel_loop3A_411 = tpu.memref_slice %arg8[%parallel_loop3A_407, %parallel_loop3A_408, %parallel_loop3A_409, %parallel_loop3A_410] : memref<2x8x8x129xf32, #tpu.memory_space<vmem>> -> memref<1x8x8x129xf32, #tpu.memory_space<vmem>>
        %parallel_loop3A_412 = tpu.memref_squeeze %parallel_loop3A_411 : memref<1x8x8x129xf32, #tpu.memory_space<vmem>> -> memref<8x8x129xf32, #tpu.memory_space<vmem>>
        tpu.vector_store_idx %parallel_loop3A_412[%select_n3A_61, %rem3A_145, %parallel_loop3A_388], %parallel_loop3A_406 : memref<8x8x129xf32, #tpu.memory_space<vmem>>[vector<16xi32>, vector<16xi32>, vector<16xi32>], vector<16xf32>,
        %parallel_loop3A_413 = arith.constant 0 : i32
        %parallel_loop3A_414 = arith.index_cast %parallel_loop3A_413 : i32 to index
        %parallel_loop3A_415 = arith.index_cast %parallel_loop3A_387 : i32 to index
        %parallel_loop3A_416 = arith.constant 32 : index
        %parallel_loop3A_417 = tpu.vector_load %arg7[%parallel_loop3A_414, %parallel_loop3A_415, %parallel_loop3A_416] {strides = array<i32>} : memref<2x128x64xf32, #tpu.memory_space<vmem>>, vector<16xf32>,
        %parallel_loop3A_418 = arith.addf %parallel_loop3A_417, %get3A_274 : vector<16xf32>
        %parallel_loop3A_419 = arith.constant 0 : i32
        %parallel_loop3A_420 = arith.constant 0 : i32
        %parallel_loop3A_421 = arith.constant 0 : i32
        %parallel_loop3A_422 = arith.constant 0 : i32
        %parallel_loop3A_423 = tpu.memref_slice %arg8[%parallel_loop3A_419, %parallel_loop3A_420, %parallel_loop3A_421, %parallel_loop3A_422] : memref<2x8x8x129xf32, #tpu.memory_space<vmem>> -> memref<1x8x8x129xf32, #tpu.memory_space<vmem>>
        %parallel_loop3A_424 = tpu.memref_squeeze %parallel_loop3A_423 : memref<1x8x8x129xf32, #tpu.memory_space<vmem>> -> memref<8x8x129xf32, #tpu.memory_space<vmem>>
        tpu.vector_store_idx %parallel_loop3A_424[%select_n3A_96, %rem3A_152, %parallel_loop3A_388], %parallel_loop3A_418 : memref<8x8x129xf32, #tpu.memory_space<vmem>>[vector<16xi32>, vector<16xi32>, vector<16xi32>], vector<16xf32>,
        %parallel_loop3A_425 = arith.constant 0 : i32
        %parallel_loop3A_426 = arith.index_cast %parallel_loop3A_425 : i32 to index
        %parallel_loop3A_427 = arith.index_cast %parallel_loop3A_387 : i32 to index
        %parallel_loop3A_428 = arith.constant 48 : index
        %parallel_loop3A_429 = tpu.vector_load %arg7[%parallel_loop3A_426, %parallel_loop3A_427, %parallel_loop3A_428] {strides = array<i32>} : memref<2x128x64xf32, #tpu.memory_space<vmem>>, vector<16xf32>,
        %parallel_loop3A_430 = arith.addf %parallel_loop3A_429, %get3A_280 : vector<16xf32>
        %parallel_loop3A_431 = arith.constant 0 : i32
        %parallel_loop3A_432 = arith.constant 0 : i32
        %parallel_loop3A_433 = arith.constant 0 : i32
        %parallel_loop3A_434 = arith.constant 0 : i32
        %parallel_loop3A_435 = tpu.memref_slice %arg8[%parallel_loop3A_431, %parallel_loop3A_432, %parallel_loop3A_433, %parallel_loop3A_434] : memref<2x8x8x129xf32, #tpu.memory_space<vmem>> -> memref<1x8x8x129xf32, #tpu.memory_space<vmem>>
        %parallel_loop3A_436 = tpu.memref_squeeze %parallel_loop3A_435 : memref<1x8x8x129xf32, #tpu.memory_space<vmem>> -> memref<8x8x129xf32, #tpu.memory_space<vmem>>
        tpu.vector_store_idx %parallel_loop3A_436[%select_n3A_131, %rem3A_159, %parallel_loop3A_388], %parallel_loop3A_430 : memref<8x8x129xf32, #tpu.memory_space<vmem>>[vector<16xi32>, vector<16xi32>, vector<16xi32>], vector<16xf32>,
      } {sc.loop_unroll_factor = 8 : i64, sc.parallel_access}
      %dma_start3A_283 = arith.constant 0 : i32
      %dma_start3A_284 = arith.constant 0 : i32
      %dma_start3A_285 = arith.constant 0 : i32
      %dma_start3A_286 = arith.constant 0 : i32
      %dma_start3A_287 = arith.constant 0 : i32
      %dma_start3A_288 = tpu.memref_slice %arg8[%dma_start3A_283, %dma_start3A_285, %dma_start3A_286, %dma_start3A_287] : memref<2x8x8x129xf32, #tpu.memory_space<vmem>> -> memref<1x8x8x128xf32, #tpu.memory_space<vmem>>
      %dma_start3A_289 = tpu.memref_squeeze %dma_start3A_288 : memref<1x8x8x128xf32, #tpu.memory_space<vmem>> -> memref<8x8x128xf32, #tpu.memory_space<vmem>>
      %dma_start3A_290 = arith.constant 0 : i32
      %dma_start3A_291 = arith.constant 0 : i32
      %dma_start3A_292 = arith.constant 0 : i32
      %dma_start3A_293 = tpu.memref_slice %arg5[%add3A_236, %dma_start3A_290, %add3A, %dma_start3A_291, %dma_start3A_292] : memref<200x8x32x8x128xf32, #tpu.memory_space<hbm>> -> memref<1x8x1x8x128xf32, #tpu.memory_space<hbm>>
      %dma_start3A_294 = tpu.memref_squeeze %dma_start3A_293 : memref<1x8x1x8x128xf32, #tpu.memory_space<hbm>> -> memref<8x8x128xf32, #tpu.memory_space<hbm>>
      %dma_start3A_295 = tpu.memref_slice %arg11[%dma_start3A_284] : memref<2x!tpu.dma_semaphore, #tpu.memory_space<semaphore_mem>> -> memref<1x!tpu.dma_semaphore, #tpu.memory_space<semaphore_mem>>
      %dma_start3A_296 = tpu.memref_squeeze %dma_start3A_295 : memref<1x!tpu.dma_semaphore, #tpu.memory_space<semaphore_mem>> -> memref<!tpu.dma_semaphore, #tpu.memory_space<semaphore_mem>>
      %dma_start3A_297 = arith.constant 0 : i32
      %dma_start3A_298 = arith.constant 0 : i32
      %dma_start3A_299 = arith.constant 0 : i32
      %dma_start3A_300 = tpu.memref_slice %arg5[%add3A_236, %dma_start3A_297, %add3A, %dma_start3A_298, %dma_start3A_299] : memref<200x8x32x8x128xf32, #tpu.memory_space<hbm>> -> memref<1x8x1x8x128xf32, #tpu.memory_space<hbm>>
      %dma_start3A_301 = tpu.memref_squeeze %dma_start3A_300 : memref<1x8x1x8x128xf32, #tpu.memory_space<hbm>> -> memref<8x8x128xf32, #tpu.memory_space<hbm>>
      %dma_start3A_302 = arith.constant 0 : i32
      %dma_start3A_303 = arith.constant 0 : i32
      %dma_start3A_304 = arith.constant 0 : i32
      %dma_start3A_305 = tpu.memref_slice %arg8[%dma_start3A_283, %dma_start3A_302, %dma_start3A_303, %dma_start3A_304] : memref<2x8x8x129xf32, #tpu.memory_space<vmem>> -> memref<1x8x8x128xf32, #tpu.memory_space<vmem>>
      %dma_start3A_306 = tpu.memref_squeeze %dma_start3A_305 : memref<1x8x8x128xf32, #tpu.memory_space<vmem>> -> memref<8x8x128xf32, #tpu.memory_space<vmem>>
      tpu.enqueue_dma source(%dma_start3A_306 : memref<8x8x128xf32, #tpu.memory_space<vmem>>) target(%dma_start3A_301 : memref<8x8x128xf32, #tpu.memory_space<hbm>>) target_semaphore(%dma_start3A_296 : memref<!tpu.dma_semaphore, #tpu.memory_space<semaphore_mem>>)
      %mul3A_307 = arith.constant 2 : i32
      %mul3A_308 = arith.muli %mul3A_307, %scan3A_232 : i32
      %add3A_309 = arith.constant 1 : i32
      %add3A_310 = arith.addi %mul3A_308, %add3A_309 : i32
      %dma_wait3A_311 = arith.constant 1 : i32
      %dma_wait3A_312 = arith.constant 1 : i32
      %dma_wait3A_313 = arith.constant 1 : i32
      %dma_wait3A_314 = arith.constant 0 : i32
      %dma_wait3A_315 = arith.constant 0 : i32
      %dma_wait3A_316 = tpu.memref_slice %arg7[%dma_wait3A_312, %dma_wait3A_314, %dma_wait3A_315] : memref<2x128x64xf32, #tpu.memory_space<vmem>> -> memref<1x128x64xf32, #tpu.memory_space<vmem>>
      %dma_wait3A_317 = tpu.memref_squeeze %dma_wait3A_316 : memref<1x128x64xf32, #tpu.memory_space<vmem>> -> memref<128x64xf32, #tpu.memory_space<vmem>>
      %dma_wait3A_318 = arith.constant 0 : i32
      %dma_wait3A_319 = tpu.memref_slice %arg6[%dma_wait3A_311, %dma_wait3A_318] : memref<2x128xi32, #tpu.memory_space<vmem>> -> memref<1x128xi32, #tpu.memory_space<vmem>>
      %dma_wait3A_320 = tpu.memref_squeeze %dma_wait3A_319 : memref<1x128xi32, #tpu.memory_space<vmem>> -> memref<128xi32, #tpu.memory_space<vmem>>
      %dma_wait3A_321 = arith.constant 0 : i32
      %dma_wait3A_322 = arith.constant 0 : i32
      %dma_wait3A_323 = tpu.memref_slice %arg3[%dma_wait3A_321, %dma_wait3A_322] : memref<1000000x64xf32, #tpu.memory_space<hbm>> -> memref<1000000x64xf32, #tpu.memory_space<hbm>>
      %dma_wait3A_324 = tpu.memref_slice %arg10[%dma_wait3A_313] : memref<2x!tpu.dma_semaphore, #tpu.memory_space<semaphore_mem>> -> memref<1x!tpu.dma_semaphore, #tpu.memory_space<semaphore_mem>>
      %dma_wait3A_325 = tpu.memref_squeeze %dma_wait3A_324 : memref<1x!tpu.dma_semaphore, #tpu.memory_space<semaphore_mem>> -> memref<!tpu.dma_semaphore, #tpu.memory_space<semaphore_mem>>
      tpu.wait_indirect_dma semaphore(%dma_wait3A_325 : memref<!tpu.dma_semaphore, #tpu.memory_space<semaphore_mem>>) src(%dma_wait3A_323 : memref<1000000x64xf32, #tpu.memory_space<hbm>>) dst(%dma_wait3A_317 : memref<128x64xf32, #tpu.memory_space<vmem>>)
      %lt3A_326 = arith.constant 199 : i32
      %lt3A_327 = arith.cmpi slt, %add3A_310, %lt3A_326 : i32
      %convert_element_type3A_328 = arith.extui %lt3A_327 : i1 to i32
      %cond3A_329 = arith.constant 0 : i32
      %cond3A_330 = arith.cmpi ne, %convert_element_type3A_328, %cond3A_329 : i32
      scf.if %cond3A_330 {
        %add3A_387 = arith.constant 1 : i32
        %add3A_388 = arith.addi %add3A_310, %add3A_387 : i32
        %mul3A_389 = arith.constant 4096 : i32
        %mul3A_390 = arith.muli %add3A_388, %mul3A_389 : i32
        %mul3A_391 = arith.constant 128 : i32
        %mul3A_392 = arith.muli %add3A, %mul3A_391 : i32
        %add3A_393 = arith.addi %mul3A_390, %mul3A_392 : i32
        %run_scoped3A_394 = arith.constant 0 : i32
        "tpu.region"() ({
          %run_scoped3A_410 = tpu.sem_alloc : memref<!tpu.dma_semaphore, #tpu.memory_space<semaphore_mem>>
          %dma_start3A_411 = arith.constant 0 : i32
          %dma_start3A_412 = tpu.memref_slice %arg6[%run_scoped3A_394, %dma_start3A_411] : memref<2x128xi32, #tpu.memory_space<vmem>> -> memref<1x128xi32, #tpu.memory_space<vmem>>
          %dma_start3A_413 = tpu.memref_squeeze %dma_start3A_412 : memref<1x128xi32, #tpu.memory_space<vmem>> -> memref<128xi32, #tpu.memory_space<vmem>>
          %dma_start3A_414 = tpu.memref_slice %arg2[%add3A_393] : memref<819200xi32, #tpu.memory_space<hbm>> -> memref<128xi32, #tpu.memory_space<hbm>>
          %dma_start3A_415 = arith.constant 0 : i32
          %dma_start3A_416 = tpu.memref_slice %arg6[%run_scoped3A_394, %dma_start3A_415] : memref<2x128xi32, #tpu.memory_space<vmem>> -> memref<1x128xi32, #tpu.memory_space<vmem>>
          %dma_start3A_417 = tpu.memref_squeeze %dma_start3A_416 : memref<1x128xi32, #tpu.memory_space<vmem>> -> memref<128xi32, #tpu.memory_space<vmem>>
          %dma_start3A_418 = tpu.memref_slice %arg2[%add3A_393] : memref<819200xi32, #tpu.memory_space<hbm>> -> memref<128xi32, #tpu.memory_space<hbm>>
          tpu.enqueue_dma source(%dma_start3A_418 : memref<128xi32, #tpu.memory_space<hbm>>) target(%dma_start3A_417 : memref<128xi32, #tpu.memory_space<vmem>>) target_semaphore(%run_scoped3A_410 : memref<!tpu.dma_semaphore, #tpu.memory_space<semaphore_mem>>)
          %dma_wait3A_419 = arith.constant 0 : i32
          %dma_wait3A_420 = tpu.memref_slice %arg6[%run_scoped3A_394, %dma_wait3A_419] : memref<2x128xi32, #tpu.memory_space<vmem>> -> memref<1x128xi32, #tpu.memory_space<vmem>>
          %dma_wait3A_421 = tpu.memref_squeeze %dma_wait3A_420 : memref<1x128xi32, #tpu.memory_space<vmem>> -> memref<128xi32, #tpu.memory_space<vmem>>
          %dma_wait3A_422 = tpu.memref_slice %arg2[%add3A_393] : memref<819200xi32, #tpu.memory_space<hbm>> -> memref<128xi32, #tpu.memory_space<hbm>>
          %dma_wait3A_423 = arith.constant 0 : i32
          %dma_wait3A_424 = tpu.memref_slice %arg6[%run_scoped3A_394, %dma_wait3A_423] : memref<2x128xi32, #tpu.memory_space<vmem>> -> memref<1x128xi32, #tpu.memory_space<vmem>>
          %dma_wait3A_425 = tpu.memref_squeeze %dma_wait3A_424 : memref<1x128xi32, #tpu.memory_space<vmem>> -> memref<128xi32, #tpu.memory_space<vmem>>
          %dma_wait3A_426 = tpu.memref_slice %arg2[%add3A_393] : memref<819200xi32, #tpu.memory_space<hbm>> -> memref<128xi32, #tpu.memory_space<hbm>>
          tpu.wait_dma2 semaphore(%run_scoped3A_410 : memref<!tpu.dma_semaphore, #tpu.memory_space<semaphore_mem>>) src(%dma_wait3A_426 : memref<128xi32, #tpu.memory_space<hbm>>) dst(%dma_wait3A_425 : memref<128xi32, #tpu.memory_space<vmem>>)
          tpu.yield
        }) : () -> ()
        %dma_start3A_395 = arith.constant 0 : i32
        %dma_start3A_396 = arith.constant 0 : i32
        %dma_start3A_397 = arith.constant 0 : i32
        %dma_start3A_398 = arith.constant 0 : i32
        %dma_start3A_399 = arith.constant 0 : i32
        %dma_start3A_400 = tpu.memref_slice %arg7[%dma_start3A_396, %dma_start3A_398, %dma_start3A_399] : memref<2x128x64xf32, #tpu.memory_space<vmem>> -> memref<1x128x64xf32, #tpu.memory_space<vmem>>
        %dma_start3A_401 = tpu.memref_squeeze %dma_start3A_400 : memref<1x128x64xf32, #tpu.memory_space<vmem>> -> memref<128x64xf32, #tpu.memory_space<vmem>>
        %dma_start3A_402 = arith.constant 0 : i32
        %dma_start3A_403 = tpu.memref_slice %arg6[%dma_start3A_395, %dma_start3A_402] : memref<2x128xi32, #tpu.memory_space<vmem>> -> memref<1x128xi32, #tpu.memory_space<vmem>>
        %dma_start3A_404 = tpu.memref_squeeze %dma_start3A_403 : memref<1x128xi32, #tpu.memory_space<vmem>> -> memref<128xi32, #tpu.memory_space<vmem>>
        %dma_start3A_405 = arith.constant 0 : i32
        %dma_start3A_406 = arith.constant 0 : i32
        %dma_start3A_407 = tpu.memref_slice %arg3[%dma_start3A_405, %dma_start3A_406] : memref<1000000x64xf32, #tpu.memory_space<hbm>> -> memref<1000000x64xf32, #tpu.memory_space<hbm>>
        %dma_start3A_408 = tpu.memref_slice %arg10[%dma_start3A_397] : memref<2x!tpu.dma_semaphore, #tpu.memory_space<semaphore_mem>> -> memref<1x!tpu.dma_semaphore, #tpu.memory_space<semaphore_mem>>
        %dma_start3A_409 = tpu.memref_squeeze %dma_start3A_408 : memref<1x!tpu.dma_semaphore, #tpu.memory_space<semaphore_mem>> -> memref<!tpu.dma_semaphore, #tpu.memory_space<semaphore_mem>>
        tpu.enqueue_indirect_dma source(%dma_start3A_407 : memref<1000000x64xf32, #tpu.memory_space<hbm>>) target(%dma_start3A_401 : memref<128x64xf32, #tpu.memory_space<vmem>>) offsets(%dma_start3A_404 : memref<128xi32, #tpu.memory_space<vmem>>) semaphore(%dma_start3A_409 : memref<!tpu.dma_semaphore, #tpu.memory_space<semaphore_mem>>)
      } else {
      }
      %ge3A_331 = arith.constant 2 : i32
      %ge3A_332 = arith.cmpi sge, %add3A_310, %ge3A_331 : i32
      %convert_element_type3A_333 = arith.extui %ge3A_332 : i1 to i32
      %cond3A_334 = arith.constant 0 : i32
      %cond3A_335 = arith.cmpi ne, %convert_element_type3A_333, %cond3A_334 : i32
      scf.if %cond3A_335 {
        %sub3A_387 = arith.constant 2 : i32
        %sub3A_388 = arith.subi %add3A_310, %sub3A_387 : i32
        %dma_wait3A_389 = arith.constant 1 : i32
        %dma_wait3A_390 = arith.constant 1 : i32
        %dma_wait3A_391 = arith.constant 0 : i32
        %dma_wait3A_392 = arith.constant 0 : i32
        %dma_wait3A_393 = arith.constant 0 : i32
        %dma_wait3A_394 = tpu.memref_slice %arg8[%dma_wait3A_389, %dma_wait3A_391, %dma_wait3A_392, %dma_wait3A_393] : memref<2x8x8x129xf32, #tpu.memory_space<vmem>> -> memref<1x8x8x128xf32, #tpu.memory_space<vmem>>
        %dma_wait3A_395 = tpu.memref_squeeze %dma_wait3A_394 : memref<1x8x8x128xf32, #tpu.memory_space<vmem>> -> memref<8x8x128xf32, #tpu.memory_space<vmem>>
        %dma_wait3A_396 = arith.constant 0 : i32
        %dma_wait3A_397 = arith.constant 0 : i32
        %dma_wait3A_398 = arith.constant 0 : i32
        %dma_wait3A_399 = tpu.memref_slice %arg5[%sub3A_388, %dma_wait3A_396, %add3A, %dma_wait3A_397, %dma_wait3A_398] : memref<200x8x32x8x128xf32, #tpu.memory_space<hbm>> -> memref<1x8x1x8x128xf32, #tpu.memory_space<hbm>>
        %dma_wait3A_400 = tpu.memref_squeeze %dma_wait3A_399 : memref<1x8x1x8x128xf32, #tpu.memory_space<hbm>> -> memref<8x8x128xf32, #tpu.memory_space<hbm>>
        %dma_wait3A_401 = tpu.memref_slice %arg11[%dma_wait3A_390] : memref<2x!tpu.dma_semaphore, #tpu.memory_space<semaphore_mem>> -> memref<1x!tpu.dma_semaphore, #tpu.memory_space<semaphore_mem>>
        %dma_wait3A_402 = tpu.memref_squeeze %dma_wait3A_401 : memref<1x!tpu.dma_semaphore, #tpu.memory_space<semaphore_mem>> -> memref<!tpu.dma_semaphore, #tpu.memory_space<semaphore_mem>>
        %dma_wait3A_403 = arith.constant 0 : i32
        %dma_wait3A_404 = arith.constant 0 : i32
        %dma_wait3A_405 = arith.constant 0 : i32
        %dma_wait3A_406 = tpu.memref_slice %arg5[%sub3A_388, %dma_wait3A_403, %add3A, %dma_wait3A_404, %dma_wait3A_405] : memref<200x8x32x8x128xf32, #tpu.memory_space<hbm>> -> memref<1x8x1x8x128xf32, #tpu.memory_space<hbm>>
        %dma_wait3A_407 = tpu.memref_squeeze %dma_wait3A_406 : memref<1x8x1x8x128xf32, #tpu.memory_space<hbm>> -> memref<8x8x128xf32, #tpu.memory_space<hbm>>
        %dma_wait3A_408 = arith.constant 0 : i32
        %dma_wait3A_409 = arith.constant 0 : i32
        %dma_wait3A_410 = arith.constant 0 : i32
        %dma_wait3A_411 = tpu.memref_slice %arg8[%dma_wait3A_389, %dma_wait3A_408, %dma_wait3A_409, %dma_wait3A_410] : memref<2x8x8x129xf32, #tpu.memory_space<vmem>> -> memref<1x8x8x128xf32, #tpu.memory_space<vmem>>
        %dma_wait3A_412 = tpu.memref_squeeze %dma_wait3A_411 : memref<1x8x8x128xf32, #tpu.memory_space<vmem>> -> memref<8x8x128xf32, #tpu.memory_space<vmem>>
        tpu.wait_dma2 semaphore(%dma_wait3A_402 : memref<!tpu.dma_semaphore, #tpu.memory_space<semaphore_mem>>) src(%dma_wait3A_412 : memref<8x8x128xf32, #tpu.memory_space<vmem>>) dst(%dma_wait3A_407 : memref<8x8x128xf32, #tpu.memory_space<hbm>>)
      } else {
      }
      %mul3A_336 = arith.constant 64 : i32
      %mul3A_337 = arith.muli %add3A_310, %mul3A_336 : i32
      %add3A_338 = arith.constant 0 : i32
      %add3A_339 = arith.addi %mul3A_337, %add3A_338 : i32
      %get3A_340 = arith.index_cast %add3A_339 : i32 to index
      %get3A_341 = tpu.vector_load %arg9[%get3A_340] {strides = array<i32>} : memref<12800xf32, #tpu.memory_space<vmem>>, vector<16xf32>,
      %mul3A_342 = arith.constant 64 : i32
      %mul3A_343 = arith.muli %add3A_310, %mul3A_342 : i32
      %add3A_344 = arith.constant 16 : i32
      %add3A_345 = arith.addi %mul3A_343, %add3A_344 : i32
      %get3A_346 = arith.index_cast %add3A_345 : i32 to index
      %get3A_347 = tpu.vector_load %arg9[%get3A_346] {strides = array<i32>} : memref<12800xf32, #tpu.memory_space<vmem>>, vector<16xf32>,
      %mul3A_348 = arith.constant 64 : i32
      %mul3A_349 = arith.muli %add3A_310, %mul3A_348 : i32
      %add3A_350 = arith.constant 32 : i32
      %add3A_351 = arith.addi %mul3A_349, %add3A_350 : i32
      %get3A_352 = arith.index_cast %add3A_351 : i32 to index
      %get3A_353 = tpu.vector_load %arg9[%get3A_352] {strides = array<i32>} : memref<12800xf32, #tpu.memory_space<vmem>>, vector<16xf32>,
      %mul3A_354 = arith.constant 64 : i32
      %mul3A_355 = arith.muli %add3A_310, %mul3A_354 : i32
      %add3A_356 = arith.constant 48 : i32
      %add3A_357 = arith.addi %mul3A_355, %add3A_356 : i32
      %get3A_358 = arith.index_cast %add3A_357 : i32 to index
      %get3A_359 = tpu.vector_load %arg9[%get3A_358] {strides = array<i32>} : memref<12800xf32, #tpu.memory_space<vmem>>, vector<16xf32>,
      %parallel_loop3A_360 = arith.constant 0 : i32
      %parallel_loop3A_361 = arith.constant 128 : i32
      %parallel_loop3A_362 = arith.constant 1 : i32
      scf.for %parallel_loop3A_387 = %parallel_loop3A_360 to %parallel_loop3A_361 step %parallel_loop3A_362  : i32 {
        %parallel_loop3A_388 = vector.broadcast %parallel_loop3A_387 : i32 to vector<16xi32>
        %parallel_loop3A_389 = arith.constant 1 : i32
        %parallel_loop3A_390 = arith.index_cast %parallel_loop3A_389 : i32 to index
        %parallel_loop3A_391 = arith.index_cast %parallel_loop3A_387 : i32 to index
        %parallel_loop3A_392 = arith.constant 0 : index
        %parallel_loop3A_393 = tpu.vector_load %arg7[%parallel_loop3A_390, %parallel_loop3A_391, %parallel_loop3A_392] {strides = array<i32>} : memref<2x128x64xf32, #tpu.memory_space<vmem>>, vector<16xf32>,
        %parallel_loop3A_394 = arith.addf %parallel_loop3A_393, %get3A_341 : vector<16xf32>
        %parallel_loop3A_395 = arith.constant 1 : i32
        %parallel_loop3A_396 = arith.constant 0 : i32
        %parallel_loop3A_397 = arith.constant 0 : i32
        %parallel_loop3A_398 = arith.constant 0 : i32
        %parallel_loop3A_399 = tpu.memref_slice %arg8[%parallel_loop3A_395, %parallel_loop3A_396, %parallel_loop3A_397, %parallel_loop3A_398] : memref<2x8x8x129xf32, #tpu.memory_space<vmem>> -> memref<1x8x8x129xf32, #tpu.memory_space<vmem>>
        %parallel_loop3A_400 = tpu.memref_squeeze %parallel_loop3A_399 : memref<1x8x8x129xf32, #tpu.memory_space<vmem>> -> memref<8x8x129xf32, #tpu.memory_space<vmem>>
        tpu.vector_store_idx %parallel_loop3A_400[%select_n3A, %rem3A_138, %parallel_loop3A_388], %parallel_loop3A_394 : memref<8x8x129xf32, #tpu.memory_space<vmem>>[vector<16xi32>, vector<16xi32>, vector<16xi32>], vector<16xf32>,
        %parallel_loop3A_401 = arith.constant 1 : i32
        %parallel_loop3A_402 = arith.index_cast %parallel_loop3A_401 : i32 to index
        %parallel_loop3A_403 = arith.index_cast %parallel_loop3A_387 : i32 to index
        %parallel_loop3A_404 = arith.constant 16 : index
        %parallel_loop3A_405 = tpu.vector_load %arg7[%parallel_loop3A_402, %parallel_loop3A_403, %parallel_loop3A_404] {strides = array<i32>} : memref<2x128x64xf32, #tpu.memory_space<vmem>>, vector<16xf32>,
        %parallel_loop3A_406 = arith.addf %parallel_loop3A_405, %get3A_347 : vector<16xf32>
        %parallel_loop3A_407 = arith.constant 1 : i32
        %parallel_loop3A_408 = arith.constant 0 : i32
        %parallel_loop3A_409 = arith.constant 0 : i32
        %parallel_loop3A_410 = arith.constant 0 : i32
        %parallel_loop3A_411 = tpu.memref_slice %arg8[%parallel_loop3A_407, %parallel_loop3A_408, %parallel_loop3A_409, %parallel_loop3A_410] : memref<2x8x8x129xf32, #tpu.memory_space<vmem>> -> memref<1x8x8x129xf32, #tpu.memory_space<vmem>>
        %parallel_loop3A_412 = tpu.memref_squeeze %parallel_loop3A_411 : memref<1x8x8x129xf32, #tpu.memory_space<vmem>> -> memref<8x8x129xf32, #tpu.memory_space<vmem>>
        tpu.vector_store_idx %parallel_loop3A_412[%select_n3A_61, %rem3A_145, %parallel_loop3A_388], %parallel_loop3A_406 : memref<8x8x129xf32, #tpu.memory_space<vmem>>[vector<16xi32>, vector<16xi32>, vector<16xi32>], vector<16xf32>,
        %parallel_loop3A_413 = arith.constant 1 : i32
        %parallel_loop3A_414 = arith.index_cast %parallel_loop3A_413 : i32 to index
        %parallel_loop3A_415 = arith.index_cast %parallel_loop3A_387 : i32 to index
        %parallel_loop3A_416 = arith.constant 32 : index
        %parallel_loop3A_417 = tpu.vector_load %arg7[%parallel_loop3A_414, %parallel_loop3A_415, %parallel_loop3A_416] {strides = array<i32>} : memref<2x128x64xf32, #tpu.memory_space<vmem>>, vector<16xf32>,
        %parallel_loop3A_418 = arith.addf %parallel_loop3A_417, %get3A_353 : vector<16xf32>
        %parallel_loop3A_419 = arith.constant 1 : i32
        %parallel_loop3A_420 = arith.constant 0 : i32
        %parallel_loop3A_421 = arith.constant 0 : i32
        %parallel_loop3A_422 = arith.constant 0 : i32
        %parallel_loop3A_423 = tpu.memref_slice %arg8[%parallel_loop3A_419, %parallel_loop3A_420, %parallel_loop3A_421, %parallel_loop3A_422] : memref<2x8x8x129xf32, #tpu.memory_space<vmem>> -> memref<1x8x8x129xf32, #tpu.memory_space<vmem>>
        %parallel_loop3A_424 = tpu.memref_squeeze %parallel_loop3A_423 : memref<1x8x8x129xf32, #tpu.memory_space<vmem>> -> memref<8x8x129xf32, #tpu.memory_space<vmem>>
        tpu.vector_store_idx %parallel_loop3A_424[%select_n3A_96, %rem3A_152, %parallel_loop3A_388], %parallel_loop3A_418 : memref<8x8x129xf32, #tpu.memory_space<vmem>>[vector<16xi32>, vector<16xi32>, vector<16xi32>], vector<16xf32>,
        %parallel_loop3A_425 = arith.constant 1 : i32
        %parallel_loop3A_426 = arith.index_cast %parallel_loop3A_425 : i32 to index
        %parallel_loop3A_427 = arith.index_cast %parallel_loop3A_387 : i32 to index
        %parallel_loop3A_428 = arith.constant 48 : index
        %parallel_loop3A_429 = tpu.vector_load %arg7[%parallel_loop3A_426, %parallel_loop3A_427, %parallel_loop3A_428] {strides = array<i32>} : memref<2x128x64xf32, #tpu.memory_space<vmem>>, vector<16xf32>,
        %parallel_loop3A_430 = arith.addf %parallel_loop3A_429, %get3A_359 : vector<16xf32>
        %parallel_loop3A_431 = arith.constant 1 : i32
        %parallel_loop3A_432 = arith.constant 0 : i32
        %parallel_loop3A_433 = arith.constant 0 : i32
        %parallel_loop3A_434 = arith.constant 0 : i32
        %parallel_loop3A_435 = tpu.memref_slice %arg8[%parallel_loop3A_431, %parallel_loop3A_432, %parallel_loop3A_433, %parallel_loop3A_434] : memref<2x8x8x129xf32, #tpu.memory_space<vmem>> -> memref<1x8x8x129xf32, #tpu.memory_space<vmem>>
        %parallel_loop3A_436 = tpu.memref_squeeze %parallel_loop3A_435 : memref<1x8x8x129xf32, #tpu.memory_space<vmem>> -> memref<8x8x129xf32, #tpu.memory_space<vmem>>
        tpu.vector_store_idx %parallel_loop3A_436[%select_n3A_131, %rem3A_159, %parallel_loop3A_388], %parallel_loop3A_430 : memref<8x8x129xf32, #tpu.memory_space<vmem>>[vector<16xi32>, vector<16xi32>, vector<16xi32>], vector<16xf32>,
      } {sc.loop_unroll_factor = 8 : i64, sc.parallel_access}
      %dma_start3A_363 = arith.constant 1 : i32
      %dma_start3A_364 = arith.constant 1 : i32
      %dma_start3A_365 = arith.constant 0 : i32
      %dma_start3A_366 = arith.constant 0 : i32
      %dma_start3A_367 = arith.constant 0 : i32
      %dma_start3A_368 = tpu.memref_slice %arg8[%dma_start3A_363, %dma_start3A_365, %dma_start3A_366, %dma_start3A_367] : memref<2x8x8x129xf32, #tpu.memory_space<vmem>> -> memref<1x8x8x128xf32, #tpu.memory_space<vmem>>
      %dma_start3A_369 = tpu.memref_squeeze %dma_start3A_368 : memref<1x8x8x128xf32, #tpu.memory_space<vmem>> -> memref<8x8x128xf32, #tpu.memory_space<vmem>>
      %dma_start3A_370 = arith.constant 0 : i32
      %dma_start3A_371 = arith.constant 0 : i32
      %dma_start3A_372 = arith.constant 0 : i32
      %dma_start3A_373 = tpu.memref_slice %arg5[%add3A_310, %dma_start3A_370, %add3A, %dma_start3A_371, %dma_start3A_372] : memref<200x8x32x8x128xf32, #tpu.memory_space<hbm>> -> memref<1x8x1x8x128xf32, #tpu.memory_space<hbm>>
      %dma_start3A_374 = tpu.memref_squeeze %dma_start3A_373 : memref<1x8x1x8x128xf32, #tpu.memory_space<hbm>> -> memref<8x8x128xf32, #tpu.memory_space<hbm>>
      %dma_start3A_375 = tpu.memref_slice %arg11[%dma_start3A_364] : memref<2x!tpu.dma_semaphore, #tpu.memory_space<semaphore_mem>> -> memref<1x!tpu.dma_semaphore, #tpu.memory_space<semaphore_mem>>
      %dma_start3A_376 = tpu.memref_squeeze %dma_start3A_375 : memref<1x!tpu.dma_semaphore, #tpu.memory_space<semaphore_mem>> -> memref<!tpu.dma_semaphore, #tpu.memory_space<semaphore_mem>>
      %dma_start3A_377 = arith.constant 0 : i32
      %dma_start3A_378 = arith.constant 0 : i32
      %dma_start3A_379 = arith.constant 0 : i32
      %dma_start3A_380 = tpu.memref_slice %arg5[%add3A_310, %dma_start3A_377, %add3A, %dma_start3A_378, %dma_start3A_379] : memref<200x8x32x8x128xf32, #tpu.memory_space<hbm>> -> memref<1x8x1x8x128xf32, #tpu.memory_space<hbm>>
      %dma_start3A_381 = tpu.memref_squeeze %dma_start3A_380 : memref<1x8x1x8x128xf32, #tpu.memory_space<hbm>> -> memref<8x8x128xf32, #tpu.memory_space<hbm>>
      %dma_start3A_382 = arith.constant 0 : i32
      %dma_start3A_383 = arith.constant 0 : i32
      %dma_start3A_384 = arith.constant 0 : i32
      %dma_start3A_385 = tpu.memref_slice %arg8[%dma_start3A_363, %dma_start3A_382, %dma_start3A_383, %dma_start3A_384] : memref<2x8x8x129xf32, #tpu.memory_space<vmem>> -> memref<1x8x8x128xf32, #tpu.memory_space<vmem>>
      %dma_start3A_386 = tpu.memref_squeeze %dma_start3A_385 : memref<1x8x8x128xf32, #tpu.memory_space<vmem>> -> memref<8x8x128xf32, #tpu.memory_space<vmem>>
      tpu.enqueue_dma source(%dma_start3A_386 : memref<8x8x128xf32, #tpu.memory_space<vmem>>) target(%dma_start3A_381 : memref<8x8x128xf32, #tpu.memory_space<hbm>>) target_semaphore(%dma_start3A_376 : memref<!tpu.dma_semaphore, #tpu.memory_space<semaphore_mem>>)
    }
    %scan3A_182 = arith.constant 100 : i32
    %dma_wait3A = arith.constant 0 : i32
    %dma_wait3A_183 = arith.constant 198 : i32
    %dma_wait3A_184 = arith.constant 0 : i32
    %dma_wait3A_185 = arith.constant 0 : i32
    %dma_wait3A_186 = arith.constant 0 : i32
    %dma_wait3A_187 = arith.constant 0 : i32
    %dma_wait3A_188 = tpu.memref_slice %arg8[%dma_wait3A, %dma_wait3A_185, %dma_wait3A_186, %dma_wait3A_187] : memref<2x8x8x129xf32, #tpu.memory_space<vmem>> -> memref<1x8x8x128xf32, #tpu.memory_space<vmem>>
    %dma_wait3A_189 = tpu.memref_squeeze %dma_wait3A_188 : memref<1x8x8x128xf32, #tpu.memory_space<vmem>> -> memref<8x8x128xf32, #tpu.memory_space<vmem>>
    %dma_wait3A_190 = arith.constant 0 : i32
    %dma_wait3A_191 = arith.constant 0 : i32
    %dma_wait3A_192 = arith.constant 0 : i32
    %dma_wait3A_193 = tpu.memref_slice %arg5[%dma_wait3A_183, %dma_wait3A_190, %add3A, %dma_wait3A_191, %dma_wait3A_192] : memref<200x8x32x8x128xf32, #tpu.memory_space<hbm>> -> memref<1x8x1x8x128xf32, #tpu.memory_space<hbm>>
    %dma_wait3A_194 = tpu.memref_squeeze %dma_wait3A_193 : memref<1x8x1x8x128xf32, #tpu.memory_space<hbm>> -> memref<8x8x128xf32, #tpu.memory_space<hbm>>
    %dma_wait3A_195 = tpu.memref_slice %arg11[%dma_wait3A_184] : memref<2x!tpu.dma_semaphore, #tpu.memory_space<semaphore_mem>> -> memref<1x!tpu.dma_semaphore, #tpu.memory_space<semaphore_mem>>
    %dma_wait3A_196 = tpu.memref_squeeze %dma_wait3A_195 : memref<1x!tpu.dma_semaphore, #tpu.memory_space<semaphore_mem>> -> memref<!tpu.dma_semaphore, #tpu.memory_space<semaphore_mem>>
    %dma_wait3A_197 = arith.constant 0 : i32
    %dma_wait3A_198 = arith.constant 0 : i32
    %dma_wait3A_199 = arith.constant 0 : i32
    %dma_wait3A_200 = tpu.memref_slice %arg5[%dma_wait3A_183, %dma_wait3A_197, %add3A, %dma_wait3A_198, %dma_wait3A_199] : memref<200x8x32x8x128xf32, #tpu.memory_space<hbm>> -> memref<1x8x1x8x128xf32, #tpu.memory_space<hbm>>
    %dma_wait3A_201 = tpu.memref_squeeze %dma_wait3A_200 : memref<1x8x1x8x128xf32, #tpu.memory_space<hbm>> -> memref<8x8x128xf32, #tpu.memory_space<hbm>>
    %dma_wait3A_202 = arith.constant 0 : i32
    %dma_wait3A_203 = arith.constant 0 : i32
    %dma_wait3A_204 = arith.constant 0 : i32
    %dma_wait3A_205 = tpu.memref_slice %arg8[%dma_wait3A, %dma_wait3A_202, %dma_wait3A_203, %dma_wait3A_204] : memref<2x8x8x129xf32, #tpu.memory_space<vmem>> -> memref<1x8x8x128xf32, #tpu.memory_space<vmem>>
    %dma_wait3A_206 = tpu.memref_squeeze %dma_wait3A_205 : memref<1x8x8x128xf32, #tpu.memory_space<vmem>> -> memref<8x8x128xf32, #tpu.memory_space<vmem>>
    tpu.wait_dma2 semaphore(%dma_wait3A_196 : memref<!tpu.dma_semaphore, #tpu.memory_space<semaphore_mem>>) src(%dma_wait3A_206 : memref<8x8x128xf32, #tpu.memory_space<vmem>>) dst(%dma_wait3A_201 : memref<8x8x128xf32, #tpu.memory_space<hbm>>)
    %dma_wait3A_207 = arith.constant 1 : i32
    %dma_wait3A_208 = arith.constant 199 : i32
    %dma_wait3A_209 = arith.constant 1 : i32
    %dma_wait3A_210 = arith.constant 0 : i32
    %dma_wait3A_211 = arith.constant 0 : i32
    %dma_wait3A_212 = arith.constant 0 : i32
    %dma_wait3A_213 = tpu.memref_slice %arg8[%dma_wait3A_207, %dma_wait3A_210, %dma_wait3A_211, %dma_wait3A_212] : memref<2x8x8x129xf32, #tpu.memory_space<vmem>> -> memref<1x8x8x128xf32, #tpu.memory_space<vmem>>
    %dma_wait3A_214 = tpu.memref_squeeze %dma_wait3A_213 : memref<1x8x8x128xf32, #tpu.memory_space<vmem>> -> memref<8x8x128xf32, #tpu.memory_space<vmem>>
    %dma_wait3A_215 = arith.constant 0 : i32
    %dma_wait3A_216 = arith.constant 0 : i32
    %dma_wait3A_217 = arith.constant 0 : i32
    %dma_wait3A_218 = tpu.memref_slice %arg5[%dma_wait3A_208, %dma_wait3A_215, %add3A, %dma_wait3A_216, %dma_wait3A_217] : memref<200x8x32x8x128xf32, #tpu.memory_space<hbm>> -> memref<1x8x1x8x128xf32, #tpu.memory_space<hbm>>
    %dma_wait3A_219 = tpu.memref_squeeze %dma_wait3A_218 : memref<1x8x1x8x128xf32, #tpu.memory_space<hbm>> -> memref<8x8x128xf32, #tpu.memory_space<hbm>>
    %dma_wait3A_220 = tpu.memref_slice %arg11[%dma_wait3A_209] : memref<2x!tpu.dma_semaphore, #tpu.memory_space<semaphore_mem>> -> memref<1x!tpu.dma_semaphore, #tpu.memory_space<semaphore_mem>>
    %dma_wait3A_221 = tpu.memref_squeeze %dma_wait3A_220 : memref<1x!tpu.dma_semaphore, #tpu.memory_space<semaphore_mem>> -> memref<!tpu.dma_semaphore, #tpu.memory_space<semaphore_mem>>
    %dma_wait3A_222 = arith.constant 0 : i32
    %dma_wait3A_223 = arith.constant 0 : i32
    %dma_wait3A_224 = arith.constant 0 : i32
    %dma_wait3A_225 = tpu.memref_slice %arg5[%dma_wait3A_208, %dma_wait3A_222, %add3A, %dma_wait3A_223, %dma_wait3A_224] : memref<200x8x32x8x128xf32, #tpu.memory_space<hbm>> -> memref<1x8x1x8x128xf32, #tpu.memory_space<hbm>>
    %dma_wait3A_226 = tpu.memref_squeeze %dma_wait3A_225 : memref<1x8x1x8x128xf32, #tpu.memory_space<hbm>> -> memref<8x8x128xf32, #tpu.memory_space<hbm>>
    %dma_wait3A_227 = arith.constant 0 : i32
    %dma_wait3A_228 = arith.constant 0 : i32
    %dma_wait3A_229 = arith.constant 0 : i32
    %dma_wait3A_230 = tpu.memref_slice %arg8[%dma_wait3A_207, %dma_wait3A_227, %dma_wait3A_228, %dma_wait3A_229] : memref<2x8x8x129xf32, #tpu.memory_space<vmem>> -> memref<1x8x8x128xf32, #tpu.memory_space<vmem>>
    %dma_wait3A_231 = tpu.memref_squeeze %dma_wait3A_230 : memref<1x8x8x128xf32, #tpu.memory_space<vmem>> -> memref<8x8x128xf32, #tpu.memory_space<vmem>>
    tpu.wait_dma2 semaphore(%dma_wait3A_221 : memref<!tpu.dma_semaphore, #tpu.memory_space<semaphore_mem>>) src(%dma_wait3A_231 : memref<8x8x128xf32, #tpu.memory_space<vmem>>) dst(%dma_wait3A_226 : memref<8x8x128xf32, #tpu.memory_space<hbm>>)
    return
  }
}

</mosaic_0001>

<sc_bundles>
// kernel: kernel.4.cloned.1.call-start
scs
__scs_entry_jumppad:
0x0: {  	(pc) =	sbr.rel $0x88, $3  }
0x1: {  	(tag) =	ssettag $0x0;
	lr =	simm.s32 $0x1  }
0x2: {  	[smem:$0x3F9E] =	sst lr;
	_ =	strace $0xD0000000  }
0x3: {  	_ = 	snop  }
0x4: {  	_ = 	snop  }
0x5: {  	_ = 	snop  }
0x6: {  	_ = 	snop  }
0x7: {  	_ = 	snop  }
__scs_overlays_trampoline_lowered:
0x8: {  	[smem:$0x3FAD] =	sst s0  }
0x9: {  	[smem:$0x3FAE] =	sst s1  }
0xa: {  	[smem:$0x3FAF] =	sst s2  }
0xb: {  	[smem:$0x3FB0] =	sst s3  }
0xc: {  	[smem:$0x3FB1] =	sst s4  }
0xd: {  	[smem:$0x3FB2] =	sst s5  }
0xe: {  	[smem:$0x3FB3] =	sst s6  }
0xf: {  	[smem:$0x3FB4] =	sst s7  }
0x10: {  	[smem:$0x3FB5] =	sst s8  }
0x11: {  	[smem:$0x3FB6] =	sst s9;
	s0 =	simm.s32 @!p0 $0x0  }
0x12: {  	s1 =	sld [smem:$0x3F9C];
	s0 =	simm.s32 @p0 $0x1  }
0x13: {  	[smem:$0x3FB7] =	sst s0;
	s0 =	simm.s32 @!p1 $0x0  }
0x14: {  	s2 =	sld [smem:$0x3F9B];
	s0 =	simm.s32 @p1 $0x1  }
0x15: {  	[smem:$0x3FB8] =	sst s0;
	s0 =	simm.s32 @!p2 $0x0  }
0x16: {  	s3 =	sld [smem:$0x3FDB];
	s0 =	simm.s32 @p2 $0x1  }
0x17: {  	s4 =	simm.s32 $0x1BF5;
	[smem:$0x3FBA] =	sst s0  }
0x18: {  	s0 =	sld [smem:$0x3F9D];
	_ =	swait.ge [sflag:s4], $0x0  }
0x19: {  	s7 =	sld [smem:$0x3F9E]  }
0x1a: {  	s8 =	sadd.s32 $0xFFFFE003, lr  }
0x1b: {  	s9 =	sadd.s32 $0xFFFFFEF7, lr;
	s5 =	simm.s32 $0xFFFFFFFF;
	p2 =	slt.u32 s8, $0xFFFFF086  }
0x1c: {  	p1 =	slt.u32 s9, $0xF7A;
	s5 =	simm.s32 @!p2 $0x0  }
0x1d: {  	s5 =	simm.s32 @p1 $0x1;
	p0 =	seq.s32 s7, s2  }
0x1e: {  	s7 =	smul.u32 @!p0 $0xF7A, s2;
	p2 =	seq.s32 @!p0 s5, $0x0  }
0x1f: {  	s9 =	smul.u32 $0xF7A, s1;
	s8 =	simm.s32 @!p0 $0x1BF5;
	p2 =	por !p2, p0  }
0x20: {  	[sflag:s8] =	ssyncset.s32 @!p0 $0xFFFFF086;
	s6 =	sadd.s32 @!p0 s3, s7;
	s7 =	simm.s32 @!p0 $0x108  }
0x21: {  	s3 =	sadd.s32 s3, s9;
	s6 =	sadd.s32 @!p0 $0x88, s6;
	s7 =	simm.s32 @p2 $0x1082  }
0x22: {  	[simem:s7], [sflag:s8] =	dma.local @!p0 [hbm:s6], $0xF7A  }
0x23: {  	s9 =	sor.u32 $0xD0000000, s2;
	s6 =	simm.s32 $0x108;
	_ =	swait.ge @!p0 [sflag:s8], $0x0  }
0x24: {  	s3 =	sadd.s32 $0x88, s3;
	s6 =	simm.s32 @!p1 $0x1082;
	[sflag:s4] =	ssyncset.s32 $0xFFFFF086  }
0x25: {  	[simem:s6], [sflag:s4] =	dma.local [hbm:s3], $0xF7A  }
0x26: {  	[smem:$0x3F9E] =	sst s1;
	(tag) =	ssettag s2;
	_ =	strace s9  }
0x27: {  	s1 =	sld [smem:$0x3FAE]  }
0x28: {  	s2 =	sld [smem:$0x3FAF]  }
0x29: {  	s4 =	sld [smem:$0x3FB1]  }
0x2a: {  	p0 =	seq.s32 s5, $0x0;
	s5 =	sld [smem:$0x3FB2]  }
0x2b: {  	s6 =	sld [smem:$0x3FB3]  }
0x2c: {  	s7 =	sld [smem:$0x3FB4]  }
0x2d: {  	s3 =	simm.s32 $0x108;
	s8 =	sld [smem:$0x3FB5]  }
0x2e: {  	s3 =	simm.s32 @!p0 $0x1082;
	s9 =	sld [smem:$0x3FB6]  }
0x2f: {  	lr =	sadd.s32 s0, s3;
	s0 =	sld [smem:$0x3FAD]  }
0x30: {  	s3 =	sld [smem:$0x3FB0]  }
0x31: {  	[smem:$0x3FB9] =	sst s10  }
0x32: {  	s10 =	sld [smem:$0x3FB7];
	_ =	sdelay $0x3  }
0x33: {  	p0 =	seq.s32 s10, $0x1;
	s10 =	sld [smem:$0x3FB9];
	_ =	sdelay $0x3  }
0x34: {  	[smem:$0x3FB9] =	sst s10  }
0x35: {  	s10 =	sld [smem:$0x3FB8];
	_ =	sdelay $0x3  }
0x36: {  	p1 =	seq.s32 s10, $0x1;
	s10 =	sld [smem:$0x3FB9];
	_ =	sdelay $0x3  }
0x37: {  	[smem:$0x3FB9] =	sst s10  }
0x38: {  	s10 =	sld [smem:$0x3FBA]  }
0x39: {  	_ = 	snop;
	(pc) =	sbr.ind lr, $3  }
0x3a: {  	_ = 	snop  }
0x3b: {  	_ = 	snop  }
0x3c: {  	p2 =	seq.s32 s10, $0x1;
	s10 =	sld [smem:$0x3FB9]  }
0x3d: {  	_ =	shalt  }
0x3e: {  	_ =	shalt  }
0x3f: {  	_ =	shalt  }
0x40: {  	_ =	shalt  }
0x41: {  	_ =	shalt  }
0x42: {  	_ =	shalt  }
0x43: {  	_ =	shalt  }
0x44: {  	_ =	shalt  }
0x45: {  	_ =	shalt  }
0x46: {  	_ =	shalt  }
0x47: {  	_ =	shalt  }
0x48: {  	_ =	shalt  }
0x49: {  	_ =	shalt  }
0x4a: {  	_ =	shalt  }
0x4b: {  	_ =	shalt  }
0x4c: {  	_ =	shalt  }
0x4d: {  	_ =	shalt  }
0x4e: {  	_ =	shalt  }
0x4f: {  	_ =	shalt  }
0x50: {  	_ =	shalt  }
0x51: {  	_ =	shalt  }
0x52: {  	_ =	shalt  }
0x53: {  	_ =	shalt  }
0x54: {  	_ =	shalt  }
0x55: {  	_ =	shalt  }
0x56: {  	_ =	shalt  }
0x57: {  	_ =	shalt  }
0x58: {  	_ =	shalt  }
0x59: {  	_ =	shalt  }
0x5a: {  	_ =	shalt  }
0x5b: {  	_ =	shalt  }
0x5c: {  	_ =	shalt  }
0x5d: {  	_ =	shalt  }
0x5e: {  	_ =	shalt  }
0x5f: {  	_ =	shalt  }
0x60: {  	_ =	shalt  }
0x61: {  	_ =	shalt  }
0x62: {  	_ =	shalt  }
0x63: {  	_ =	shalt  }
0x64: {  	_ =	shalt  }
0x65: {  	_ =	shalt  }
0x66: {  	_ =	shalt  }
0x67: {  	_ =	shalt  }
0x68: {  	_ =	shalt  }
0x69: {  	_ =	shalt  }
0x6a: {  	_ =	shalt  }
0x6b: {  	_ =	shalt  }
0x6c: {  	_ =	shalt  }
0x6d: {  	_ =	shalt  }
0x6e: {  	_ =	shalt  }
0x6f: {  	_ =	shalt  }
0x70: {  	_ =	shalt  }
0x71: {  	_ =	shalt  }
0x72: {  	_ =	shalt  }
0x73: {  	_ =	shalt  }
0x74: {  	_ =	shalt  }
0x75: {  	_ =	shalt  }
0x76: {  	_ =	shalt  }
0x77: {  	_ =	shalt  }
0x78: {  	_ =	shalt  }
0x79: {  	_ =	shalt  }
0x7a: {  	_ =	shalt  }
0x7b: {  	_ =	shalt  }
0x7c: {  	_ =	shalt  }
0x7d: {  	_ =	shalt  }
0x7e: {  	_ =	shalt  }
0x7f: {  	_ =	shalt  }
0x80: {  	_ =	shalt  }
0x81: {  	_ =	shalt  }
0x82: {  	_ =	shalt  }
0x83: {  	_ =	shalt  }
0x84: {  	_ =	shalt  }
0x85: {  	_ =	shalt  }
0x86: {  	_ =	shalt  }
0x87: {  	_ =	shalt  }
.Lfunc_end0:
.L_simem_size_0:
called_computation_lowered:
.L_overlay_start_0:
0x88: {  	s2 =	sld [smem:$0x3FD9]  }
0x89: {  	s3 =	sld [smem:$0x3FFE];
	_ =	sdelay $0x1  }
0x8a: {  	s1 =	srdreg.scid  }
0x8b: {  	s0 =	sand.u32 $0x1, s1  }
0x8c: {  	s17 =	sshll.u32 s0, $0xA;
	s2 =	sadd.s32 s3, s2  }
0x8d: {  	s2 =	sadd.s32 s2, s17  }
0x8e: {  	[smem:$0x3FC5] =	sst s2  }
0x8f: {  	_ = 	snop  }
0x90: {  	s2 =	sld [smem:$0x3FC8]  }
0x91: {  	s18 =	sld [smem:$0x3FD0];
	(tm) =	ssettm $0x1  }
0x92: {  	s4 =	sld [smem:$0x3FFB];
	_ =	sdelay $0x3  }
0x93: {  	_ =	strace s4  }
0x94: {  	s4 =	sld [smem:$0x3FFC];
	_ =	sdelay $0x3  }
0x95: {  	_ =	strace s4  }
0x96: {  	s4 =	sld [smem:$0x3FFD];
	_ =	sdelay $0x3  }
0x97: {  	_ =	strace s4  }
0x98: {  	_ =	strace $0x8FFFFFFF  }
0x99: {  	s19 =	sld [smem:$0x3FDB];
	_ =	sdelay $0x1  }
0x9a: {  	s5 =	simm.s32 $_scs_section_size  }
0x9b: {  	s6 =	simm.s32 $_size__tile_overlayer_lowered;
	s7 =	simm.s32 $_tile_overlayer_lowered  }
0x9c: {  	s22 =	simm.s32 $0x1BFF;
	s21 =	sshll.u32 s7, $0x1;
	s4 =	sadd.s32 s5, s19  }
0x9d: {  	s8 =	simm.s32 $0x0;
	s20 =	sshll.u32 s6, $0x1;
	s6 =	sadd.s32 s21, s4  }
0x9e: {  	[timem:s8], [sflag:s22] =	dma.local [hbm:s6], s20  }
0x9f: {  	_ =	swait.ge [sflag:s22], s20  }
0xa0: {  	s5 =	ssub.s32 $0x0, s20;
	[sflag:s22] =	ssyncset.done $0x0  }
0xa1: {  	[sflag:s22] =	ssyncadd.s32 s5;
	_ =	sdelay $0x1  }
0xa2: {  	s23 =	simm.s32 $0x1B8B  }
0xa3: {  	_ =	swait.ge [sflag:s23], $0x1  }
0xa4: {  	[sflag:s23] =	ssyncset.done $0x0  }
0xa5: {  	s25 =	simm.s32 $0x1B8E;
	s24 =	sld [smem:$0x3FFE];
	[sflag:s23] =	ssyncadd.s32 $0xFFFFFFFF  }
0xa6: {  	s26 =	simm.s32 $execute0_lowered;
	[smem:$0x3FD2] =	sst s25  }
0xa7: {  	s6 =	sshll.u32 s26, $0x1;
	_ =	strace $0x80000046;
	[dreg:$0x1] =	wrdreg $0xFFFFFFFF  }
0xa8: {  	s28 =	simm.s32 $_size_execute0_lowered;
	s4 =	sadd.s32 s4, s6;
	[dreg:$0x0] =	wrdreg $0x0  }
0xa9: {  	s6 =	sshll.u32 s28, $0x1;
	[dreg:$0x2] =	wrdreg s4  }
0xaa: {  	[dreg:$0x3] =	wrdreg s6  }
0xab: {  	[dreg:$0x4] =	wrdreg $0xC0  }
0xac: {  	_ =	task [dreg:s8], $0x5FFFF  }
0xad: {  	[dreg:$0x1] =	wrdreg $0xFFFFFFFF  }
0xae: {  	[dreg:$0x0] =	wrdreg $0x60  }
0xaf: {  	[dreg:$0x2] =	wrdreg s2  }
0xb0: {  	[dreg:$0x3] =	wrdreg s18  }
0xb1: {  	[dreg:$0x4] =	wrdreg s24  }
0xb2: {  	[dreg:$0x5] =	wrdreg $0x9  }
0xb3: {  	_ =	task.clear_ibuf [dreg:s8], $0x6FFFF;
	_ =	strace $0x90000046  }
0xb4: {  	s29 =	simm.s32 $0x9;
	_ =	strace $0x80000048  }
0xb5: {  	_ =	swait.ge [sflag:s29], $0x1  }
0xb6: {  	[sflag:s29] =	ssyncadd.s32 $0xFFFFFFFF  }
0xb7: {  	_ =	strace $0x90000048  }
0xb8: {  	_ =	sfence  }
0xb9: {  	s30 =	sld [smem:$0x0];
	_ =	sdelay $0x2  }
0xba: {  	s31 =	sshll.u32 s1, $0xD;
	s1 =	sshrl.u32 s1, $0x2  }
0xbb: {  	s3 =	sand.u32 $0x4000, s31;
	s1 =	sadd.s32 s1, s30  }
0xbc: {  	s0 =	sor.u32 s3, s0;
	s1 =	sshll.u32 s1, $0x11  }
0xbd: {  	s0 =	sor.u32 s1, s0  }
0xbe: {  	s0 =	sadd.s32 $0x8F2B, s0  }
0xbf: {  	[sflag:s0] =	ssyncadd.remote.s32 $0x1  }
0xc0: {  	_ =	sfence.sel $0xFFFF  }
0xc1: {  	[dreg:$0x0] =	wrdreg $0xFFFFFFFF;
	(pc) =	sbr.abs _section_cstart, $3  }
0xc2: {  	[dreg:$0x1] =	wrdreg $0xFFFFFFFF  }
0xc3: {  	_ =	task.clear_ibuf [dreg:s8], $0x2FFFF;
	_ =	strace $0x9FFFFFFF  }
0xc4: {  	(tm) =	ssettm $0x7FFFFFFF  }
0xc5: {  	_ =	shalt  }
tec
execute0_lowered:
.L_overlay_start_1:
0x0: {  	(tag) =	ssettag $0x1  }
0x1: {  	s0 =	rddreg [dreg:$0x0]  }
0x2: {  	s1 =	rddreg [dreg:$0x2]  }
0x3: {  	s2 =	srdreg.scid;
	s4 =	stileid.u32;
	s3 =	simm.s32 $0x0  }
0x4: {  	s11 =	simm.s32 $0x7A1400;
	s13 =	simm.s32 $0x1;
	s14 =	simm.s32 $0x4000  }
0x5: {  	s15 =	simm.s32 $0x8100;
	s16 =	simm.s32 $0x2;
	s17 =	simm.s32 $0x6080  }
0x6: {  	s18 =	simm.s32 $0xA100;
	s19 =	simm.s32 $0x3;
	s20 =	simm.s32 $0x4  }
0x7: {  	s21 =	simm.s32 $0x0;
	s2 =	sand.u32 $0x1, s2;
	s4 =	sshll.u32 s4, $0x1  }
0x8: {  	v0 =	vlaneseq.u32;
	[smem:$0x7FF] =	sst s3;
	s8 =	sadd.s32 $0x7A1C00, s1;
	s10 =	sor.u32 s2, s4  }
.Ltmp0:
0x9: {  	v0 =	vmul.u32 $0x41, v0;
	_ =	strace $0x80000047;
	s2 =	ssub.s32 $0x2, s2;
	(pc) =	sbr.rel .LBB2_1-.Ltmp0, $4  }
0xa: {  	s4 =	sshll.u32 s10, $0xA;
	s31 =	sshrl.u32 s2, $0x1;
	s5 =	sshll.u32 s10, $0x7  }
0xb: {  	s6 =	ssub.s32 $0x1EA3, s10;
	v1 =	vadd.s32 $0x410, v0;
	p0 =	sne.s32 s10, $0x0;
	s7 =	sadd.s32 s4, s1  }
0xc: {  	v2 =	vadd.s32 $0x820, v0;
	v3 =	vadd.s32 $0xC30, v0;
	v4 =	vadd.s32 $0x1040, v0;
	s2 =	ssub.s32 s2, s31;
	s4 =	sadd.s32 s0, s5;
	s5 =	sshrl.u32 s6, $0x5  }
0xd: {  	v5 =	vadd.s32 $0x1450, v0;
	v6 =	vadd.s32 $0x1860, v0;
	v7 =	vadd.s32 $0x1C70, v0;
	s6 =	sadd.s32 $0x1000, s4;
	s7 =	sadd.s32 $0xC00, s7;
	s9 =	smax.u32 s2, $0x1  }
.LBB2_23:
0xe: {  	_ =	swait.ge [sflag:s19], $0x2000  }
0xf: {  	[sflag:s19] =	ssyncset.done $0x0  }
0x10: {  	[sflag:s19] =	ssyncadd.s32 $0xFFFFE000  }
0x11: {  	_ =	swait.ge [sflag:s20], $0x2000  }
0x12: {  	[sflag:s20] =	ssyncset.done $0x0  }
0x13: {  	[sflag:s20] =	ssyncadd.s32 $0xFFFFE000  }
0x14: {  	s0 =	simm.s32 @!p0 $0x0;
	s1 =	simm.s32 @!p0 $0x4000;
	s2 =	rddreg [dreg:$0x1]  }
0x15: {  	[tilespmem:s1], [sflag:$0x5] =	stream.linear.gather @!p0 [hbm4b:s2+s0], $0x1000, $0x38;
	[tilespmem:$0xC100] =	vst v63  }
0x16: {  	s2 =	simm.s32 @!p0 $0x5  }
0x17: {  	s21 =	sadd.s32 $0x1, s21;
	_ =	swait.ge @!p0 [sflag:s2], $0x1000  }
0x18: {  	p1 =	sne.s32 s21, s9;
	[sflag:s2] =	ssyncset.done @!p0 $0x0  }
.Ltmp1:
0x19: {  	[sflag:s2] =	ssyncadd.s32 @!p0 $0xFFFFF000;
	(pc) =	sbr.rel @!p1 .LBB2_24-.Ltmp1, $4  }
0x1a: {  	[hbm4b:s8+s0] =	stream.linear.scatter @!p0 [tilespmem:s1], [sflag:$0x5], $0x1000, $0x38;
	[tilespmem:$0xC100] =	vst v63  }
0x1b: {  	_ =	swait.ge @!p0 [sflag:s2], $0x1000  }
0x1c: {  	[sflag:s2] =	ssyncset.done @!p0 $0x0  }
0x1d: {  	[sflag:s2] =	ssyncadd.s32 @!p0 $0xFFFFF000  }
.LBB2_1:
.Ltmp2:
0x1e: {  	(pc) =	sbr.rel .LBB2_2-.Ltmp2, $4  }
0x1f: {  	s0 =	simm.s32 $0x400  }
0x20: {  	[tilespmem:s3], [sflag:$0x1] =	stream.strided.gather [hbm4b:s4+s0], $0x2000, s11, s0, $0x38;
	[tilespmem:$0xC100] =	vst v63  }
0x21: {  	s1 =	simm.s32 $0x2000;
	s22 =	simm.s32 $0x0  }
0x22: {  	[tilespmem:s1], [sflag:$0x2] =	stream.strided.gather [hbm4b:s6+s0], $0x2000, s11, s0, $0x38;
	[tilespmem:$0xC100] =	vst v63  }
.LBB2_16:
0x23: {  	_ = 	snop  }
.LBB2_21:
0x24: {  	v13 =	vld [tilespmem:s10+$0xFFFFFF9E]  }
0x25: {  	s2 =	sor.u32 $0x60, s1  }
0x26: {  	[tilespmem:s2+$0xA100] =	vst v8  }
0x27: {  	[tilespmem:s28+$0xA100] =	vst v9;
	v8 =	vld [tilespmem:s10+$0x71]  }
0x28: {  	v9 =	vld [tilespmem:s10+$0xFFFFFFEF];
	[tilespmem:s0+$0x20] =	vst v10  }
0x29: {  	v63 =	vld [tilespmem:s10+$0x30];
	[tilespmem:s0+$0xFFFFFFA0] =	vst v13  }
0x2a: {  	[tilespmem:s26+$0xFFFFFFB0] =	vst @p1 v11;
	v62 =	vld [tilespmem:s10+$0xFFFFFFAE]  }
0x2b: {  	s29 =	sor.u32 $0x70, s1;
	[tilespmem:s26+$0x30] =	vst @p1 v12  }
0x2c: {  	[tilespmem:s29+$0xA100] =	vst v8  }
0x2d: {  	[tilespmem:s25+$0xA100] =	vst v9  }
0x2e: {  	s30 =	sshll.u32 s24, $0xF;
	[tilespmem:s0+$0x30] =	vst v63  }
0x2f: {  	s31 =	sadd.s32 s30, s7;
	[tilespmem:s0+$0xFFFFFFB0] =	vst v62;
	s0 =	sadd.s32 $0x3, s23  }
0x30: {  	[hbm4b:s31+s3] =	stream.linear.scatter [tilespmem:s18], [sflag:$0x4], $0x2000, $0x38;
	[tilespmem:$0xC100] =	vst v63  }
0x31: {  	p1 =	sge.u32 s0, s5  }
0x32: {  	s0 =	sshll.u32 @!p1 s0, $0xC;
	s1 =	simm.s32 @!p1 $0x400  }
0x33: {  	s2 =	simm.s32 @!p1 $0x7A1400;
	s10 =	simm.s32 @!p1 $0x2000;
	s0 =	sadd.s32 @!p1 s0, s4  }
0x34: {  	[tilespmem:s10], [sflag:$0x2] =	stream.strided.gather @!p1 [hbm4b:s0+s1], $0x2000, s2, s1, $0x38;
	[tilespmem:$0xC100] =	vst v63  }
.LBB2_22:
0x35: {  	s22 =	sadd.s32 $0x1, s22  }
0x36: {  	p1 =	sne.s32 s22, $0x7B  }
.Ltmp3:
0x37: {  	_ = 	snop;
	(pc) =	sbr.rel @!p1 .LBB2_23-.Ltmp3, $1  }
0x38: {  	_ =	sdelay $0x3  }
.LBB2_2:
0x39: {  	s23 =	sshll.u32 s22, $0x1  }
0x3a: {  	p2 =	sge.u32 s23, s5  }
.Ltmp4:
0x3b: {  	_ = 	snop;
	(pc) =	sbr.rel @p2 .LBB2_12-.Ltmp4, $2  }
0x3c: {  	_ =	sdelay $0x2  }
0x3d: {  	p1 =	seq.s32 s22, $0x0  }
0x3e: {  	_ =	swait.ge [sflag:s13], $0x2000  }
0x3f: {  	[sflag:s13] =	ssyncset.done $0x0  }
0x40: {  	s0 =	simm.s32 @!p1 $0x3;
	[sflag:s13] =	ssyncadd.s32 $0xFFFFE000  }
0x41: {  	_ =	swait.ge @!p1 [sflag:s0], $0x2000  }
0x42: {  	[sflag:s0] =	ssyncset.done @!p1 $0x0  }
0x43: {  	s10 =	simm.s32 $0x100;
	s12 =	simm.s32 $0x3;
	[sflag:s0] =	ssyncadd.s32 @!p1 $0xFFFFE000  }
0x44: {  	s31 =	simm.s32 $0x2;
	v9 =	vadd.s32 s12, v0;
	v8 =	vld [tilespmem:s10+$0x80]  }
0x45: {  	s2 =	simm.s32 $0x1;
	v13 =	vadd.s32 s31, v0;
	v12 =	vld [tilespmem:s10+$0x0]  }
0x46: {  	v11 =	vadd.s32 s2, v0;
	v10 =	vld [tilespmem:s10+$0xFFFFFF80];
	_ =	sdelay $0x1  }
0x47: {  	s1 =	simm.s32 $0x0  }
0x48: {  	v15 =	vadd.s32 s1, v0;
	v14 =	vld [tilespmem:s10+$0xFFFFFF00];
	[tilespmem:v9+s14+$0x0] =	vst.idx.msk $0xffff, v8  }
0x49: {  	v9 =	vadd.s32 s12, v1;
	[tilespmem:v13+s14+$0x0] =	vst.idx.msk $0xffff, v12;
	v8 =	vld [tilespmem:s10+$0x90]  }
0x4a: {  	[tilespmem:v11+s14+$0x0] =	vst.idx.msk $0xffff, v10;
	v13 =	vadd.s32 s31, v1;
	v12 =	vld [tilespmem:s10+$0x10]  }
0x4b: {  	v11 =	vadd.s32 s2, v1;
	v10 =	vld [tilespmem:s10+$0xFFFFFF90];
	_ =	sdelay $0x1  }
0x4c: {  	[tilespmem:v15+s14+$0x0] =	vst.idx.msk $0xffff, v14  }
0x4d: {  	v15 =	vadd.s32 s1, v1;
	v14 =	vld [tilespmem:s10+$0xFFFFFF10];
	[tilespmem:v9+s14+$0x0] =	vst.idx.msk $0xffff, v8  }
0x4e: {  	v9 =	vadd.s32 s12, v2;
	[tilespmem:v13+s14+$0x0] =	vst.idx.msk $0xffff, v12;
	v8 =	vld [tilespmem:s10+$0xA0]  }
0x4f: {  	[tilespmem:v11+s14+$0x0] =	vst.idx.msk $0xffff, v10;
	v13 =	vadd.s32 s31, v2;
	v12 =	vld [tilespmem:s10+$0x20]  }
0x50: {  	v11 =	vadd.s32 s2, v2;
	v10 =	vld [tilespmem:s10+$0xFFFFFFA0];
	_ =	sdelay $0x1  }
0x51: {  	[tilespmem:v15+s14+$0x0] =	vst.idx.msk $0xffff, v14  }
0x52: {  	v15 =	vadd.s32 s1, v2;
	v14 =	vld [tilespmem:s10+$0xFFFFFF20];
	[tilespmem:v9+s14+$0x0] =	vst.idx.msk $0xffff, v8  }
0x53: {  	v9 =	vadd.s32 s12, v3;
	[tilespmem:v13+s14+$0x0] =	vst.idx.msk $0xffff, v12;
	v8 =	vld [tilespmem:s10+$0xB0]  }
0x54: {  	[tilespmem:v11+s14+$0x0] =	vst.idx.msk $0xffff, v10;
	v13 =	vadd.s32 s31, v3;
	v12 =	vld [tilespmem:s10+$0x30]  }
0x55: {  	v11 =	vadd.s32 s2, v3;
	v10 =	vld [tilespmem:s10+$0xFFFFFFB0];
	_ =	sdelay $0x1  }
0x56: {  	[tilespmem:v15+s14+$0x0] =	vst.idx.msk $0xffff, v14  }
0x57: {  	v15 =	vadd.s32 s1, v3;
	v14 =	vld [tilespmem:s10+$0xFFFFFF30];
	[tilespmem:v9+s14+$0x0] =	vst.idx.msk $0xffff, v8  }
0x58: {  	v9 =	vadd.s32 s12, v4;
	[tilespmem:v13+s14+$0x0] =	vst.idx.msk $0xffff, v12;
	v8 =	vld [tilespmem:s10+$0xC0]  }
0x59: {  	[tilespmem:v11+s14+$0x0] =	vst.idx.msk $0xffff, v10;
	v13 =	vadd.s32 s31, v4;
	v12 =	vld [tilespmem:s10+$0x40]  }
0x5a: {  	v11 =	vadd.s32 s2, v4;
	v10 =	vld [tilespmem:s10+$0xFFFFFFC0]  }
0x5b: {  	s29 =	simm.s32 $0x7;
	s24 =	simm.s32 $0x300  }
0x5c: {  	v17 =	vadd.s32 s29, v0;
	v16 =	vld [tilespmem:s24+$0x80];
	[tilespmem:v15+s14+$0x0] =	vst.idx.msk $0xffff, v14  }
0x5d: {  	s28 =	simm.s32 $0x5;
	v15 =	vadd.s32 s1, v4;
	v14 =	vld [tilespmem:s10+$0xFFFFFF40];
	[tilespmem:v9+s14+$0x0] =	vst.idx.msk $0xffff, v8  }
0x5e: {  	[tilespmem:v13+s14+$0x0] =	vst.idx.msk $0xffff, v12;
	v12 =	vld [tilespmem:s24+$0xFFFFFF80];
	v13 =	vadd.s32 s28, v0  }
0x5f: {  	[tilespmem:v11+s14+$0x0] =	vst.idx.msk $0xffff, v10;
	v9 =	vadd.s32 s12, v5;
	v8 =	vld [tilespmem:s10+$0xD0]  }
0x60: {  	v11 =	vadd.s32 s2, v5;
	v10 =	vld [tilespmem:s10+$0xFFFFFFD0]  }
0x61: {  	s26 =	simm.s32 $0x6;
	[tilespmem:v17+s14+$0x0] =	vst.idx.msk $0xffff, v16  }
0x62: {  	s25 =	simm.s32 $0x4;
	[tilespmem:v15+s14+$0x0] =	vst.idx.msk $0xffff, v14;
	v14 =	vld [tilespmem:s24+$0x0];
	v15 =	vadd.s32 s26, v0  }
0x63: {  	v19 =	vadd.s32 s25, v0;
	v18 =	vld [tilespmem:s24+$0xFFFFFF00];
	[tilespmem:v13+s14+$0x0] =	vst.idx.msk $0xffff, v12  }
0x64: {  	v12 =	vld [tilespmem:s24+$0x90];
	v13 =	vadd.s32 s29, v1;
	[tilespmem:v9+s14+$0x0] =	vst.idx.msk $0xffff, v8  }
0x65: {  	[tilespmem:v11+s14+$0x0] =	vst.idx.msk $0xffff, v10;
	v10 =	vld [tilespmem:s10+$0x50];
	v11 =	vadd.s32 s31, v5  }
0x66: {  	v9 =	vadd.s32 s12, v6;
	v8 =	vld [tilespmem:s10+$0xE0]  }
0x67: {  	v17 =	vadd.s32 s28, v1;
	[tilespmem:v15+s14+$0x0] =	vst.idx.msk $0xffff, v14;
	v16 =	vld [tilespmem:s24+$0xFFFFFF90]  }
0x68: {  	[tilespmem:v19+s14+$0x0] =	vst.idx.msk $0xffff, v18;
	v15 =	vadd.s32 s26, v1;
	v14 =	vld [tilespmem:s24+$0x10]  }
0x69: {  	v19 =	vadd.s32 s25, v1;
	v18 =	vld [tilespmem:s24+$0xFFFFFF10];
	[tilespmem:v13+s14+$0x0] =	vst.idx.msk $0xffff, v12  }
0x6a: {  	v13 =	vadd.s32 s29, v2;
	[tilespmem:v11+s14+$0x0] =	vst.idx.msk $0xffff, v10;
	v12 =	vld [tilespmem:s24+$0xA0]  }
0x6b: {  	v10 =	vld [tilespmem:s10+$0xFFFFFF50];
	v11 =	vadd.s32 s1, v5;
	[tilespmem:v9+s14+$0x0] =	vst.idx.msk $0xffff, v8  }
0x6c: {  	[tilespmem:v17+s14+$0x0] =	vst.idx.msk $0xffff, v16;
	v9 =	vadd.s32 s12, v7;
	v8 =	vld [tilespmem:s10+$0xF0]  }
0x6d: {  	v17 =	vadd.s32 s28, v2;
	[tilespmem:v15+s14+$0x0] =	vst.idx.msk $0xffff, v14;
	v16 =	vld [tilespmem:s24+$0xFFFFFFA0]  }
0x6e: {  	[tilespmem:v19+s14+$0x0] =	vst.idx.msk $0xffff, v18;
	v15 =	vadd.s32 s26, v2;
	v14 =	vld [tilespmem:s24+$0x20]  }
0x6f: {  	v19 =	vadd.s32 s25, v2;
	v18 =	vld [tilespmem:s24+$0xFFFFFF20];
	[tilespmem:v13+s14+$0x0] =	vst.idx.msk $0xffff, v12  }
0x70: {  	[tilespmem:v11+s14+$0x0] =	vst.idx.msk $0xffff, v10;
	v13 =	vadd.s32 s29, v3;
	v12 =	vld [tilespmem:s24+$0xB0]  }
0x71: {  	[tilespmem:v9+s14+$0x0] =	vst.idx.msk $0xffff, v8;
	v8 =	vld [tilespmem:s10+$0xFFFFFFE0];
	v9 =	vadd.s32 s2, v6  }
0x72: {  	v10 =	vld [tilespmem:s10+$0x60];
	v11 =	vadd.s32 s31, v6;
	[tilespmem:v17+s14+$0x0] =	vst.idx.msk $0xffff, v16  }
0x73: {  	v17 =	vadd.s32 s28, v3;
	[tilespmem:v15+s14+$0x0] =	vst.idx.msk $0xffff, v14;
	v16 =	vld [tilespmem:s24+$0xFFFFFFB0]  }
0x74: {  	[tilespmem:v19+s14+$0x0] =	vst.idx.msk $0xffff, v18;
	v15 =	vadd.s32 s26, v3;
	v14 =	vld [tilespmem:s24+$0x30]  }
0x75: {  	v19 =	vadd.s32 s25, v3;
	v18 =	vld [tilespmem:s24+$0xFFFFFF30];
	[tilespmem:v13+s14+$0x0] =	vst.idx.msk $0xffff, v12  }
0x76: {  	[tilespmem:v9+s14+$0x0] =	vst.idx.msk $0xffff, v8;
	v8 =	vld [tilespmem:s10+$0xFFFFFF60];
	v9 =	vadd.s32 s1, v6  }
0x77: {  	[tilespmem:v11+s14+$0x0] =	vst.idx.msk $0xffff, v10;
	v13 =	vadd.s32 s29, v4;
	v12 =	vld [tilespmem:s24+$0xC0]  }
0x78: {  	v11 =	vadd.s32 s2, v7;
	[tilespmem:v17+s14+$0x0] =	vst.idx.msk $0xffff, v16;
	v10 =	vld [tilespmem:s10+$0xFFFFFFF0]  }
0x79: {  	v21 =	vadd.s32 s28, v4;
	[tilespmem:v15+s14+$0x0] =	vst.idx.msk $0xffff, v14;
	v20 =	vld [tilespmem:s24+$0xFFFFFFC0]  }
0x7a: {  	[tilespmem:v19+s14+$0x0] =	vst.idx.msk $0xffff, v18;
	v19 =	vadd.s32 s26, v4;
	v18 =	vld [tilespmem:s24+$0x40]  }
0x7b: {  	v16 =	vld [tilespmem:s24+$0xFFFFFF40];
	v17 =	vadd.s32 s25, v4;
	[tilespmem:v9+s14+$0x0] =	vst.idx.msk $0xffff, v8  }
0x7c: {  	v15 =	vadd.s32 s31, v7;
	v9 =	vld [tilespmem:s10+$0x70];
	[tilespmem:v13+s14+$0x0] =	vst.idx.msk $0xffff, v12  }
0x7d: {  	v14 =	vadd.s32 s1, v7;
	[tilespmem:v11+s14+$0x0] =	vst.idx.msk $0xffff, v10;
	v11 =	vld [tilespmem:s10+$0xFFFFFF70]  }
0x7e: {  	s30 =	simm.s32 $0x8;
	[tilespmem:v21+s14+$0x0] =	vst.idx.msk $0xffff, v20;
	v8 =	vld [tilespmem:s24+$0xD0];
	v10 =	vadd.s32 s29, v5  }
0x7f: {  	s0 =	simm.s32 $0xB;
	s1 =	simm.s32 $0xC;
	s31 =	simm.s32 $0x500;
	v13 =	vadd.s32 s28, v5;
	[tilespmem:v19+s14+$0x0] =	vst.idx.msk $0xffff, v18;
	v12 =	vld [tilespmem:s24+$0xFFFFFFD0]  }
.LBB2_4:
0x80: {  	p2 =	slt.u32 s1, $0x3C;
	s12 =	sadd.s32 $0x1, s30;
	v18 =	vld [tilespmem:s31+$0x80];
	v19 =	vadd.s32 s0, v0;
	[tilespmem:v17+s14+$0x0] =	vst.idx.msk $0xffff, v16  }
0x81: {  	s2 =	sadd.s32 $0x2, s30;
	v16 =	vld [tilespmem:s31+$0xFFFFFF80];
	v17 =	vadd.s32 s12, v0;
	[tilespmem:v15+s14+$0x0] =	vst.idx.msk $0xffff, v9  }
0x82: {  	v15 =	vadd.s32 s2, v0;
	v9 =	vld [tilespmem:s31+$0x0];
	[tilespmem:v14+s14+$0x0] =	vst.idx.msk $0xffff, v11  }
0x83: {  	v14 =	vadd.s32 s30, v0;
	v11 =	vld [tilespmem:s31+$0xFFFFFF00];
	[tilespmem:v10+s14+$0x0] =	vst.idx.msk $0xffff, v8  }
0x84: {  	v10 =	vadd.s32 s29, v6;
	[tilespmem:v13+s14+$0x0] =	vst.idx.msk $0xffff, v12;
	v8 =	vld [tilespmem:s24+$0xE0]  }
0x85: {  	v13 =	vadd.s32 s26, v5;
	[tilespmem:v19+s14+$0x0] =	vst.idx.msk $0xffff, v18;
	v12 =	vld [tilespmem:s24+$0x50]  }
0x86: {  	[tilespmem:v17+s14+$0x0] =	vst.idx.msk $0xffff, v16;
	v16 =	vld [tilespmem:s31+$0x90];
	v17 =	vadd.s32 s0, v1  }
0x87: {  	v19 =	vadd.s32 s12, v1;
	v18 =	vld [tilespmem:s31+$0xFFFFFF90];
	[tilespmem:v15+s14+$0x0] =	vst.idx.msk $0xffff, v9  }
0x88: {  	[tilespmem:v14+s14+$0x0] =	vst.idx.msk $0xffff, v11;
	v9 =	vld [tilespmem:s31+$0x10];
	v11 =	vadd.s32 s2, v1  }
0x89: {  	v15 =	vadd.s32 s30, v1;
	v14 =	vld [tilespmem:s31+$0xFFFFFF10];
	[tilespmem:v10+s14+$0x0] =	vst.idx.msk $0xffff, v8  }
0x8a: {  	v10 =	vadd.s32 s29, v7;
	s29 =	smov.u32 s0;
	[tilespmem:v13+s14+$0x0] =	vst.idx.msk $0xffff, v12;
	v8 =	vld [tilespmem:s24+$0xF0]  }
0x8b: {  	v13 =	vadd.s32 s25, v5;
	[tilespmem:v17+s14+$0x0] =	vst.idx.msk $0xffff, v16;
	v12 =	vld [tilespmem:s24+$0xFFFFFF50]  }
0x8c: {  	v17 =	vadd.s32 s29, v2;
	[tilespmem:v19+s14+$0x0] =	vst.idx.msk $0xffff, v18;
	v16 =	vld [tilespmem:s31+$0xA0]  }
0x8d: {  	v19 =	vadd.s32 s12, v2;
	v18 =	vld [tilespmem:s31+$0xFFFFFFA0];
	[tilespmem:v11+s14+$0x0] =	vst.idx.msk $0xffff, v9  }
0x8e: {  	v11 =	vadd.s32 s2, v2;
	[tilespmem:v15+s14+$0x0] =	vst.idx.msk $0xffff, v14;
	v9 =	vld [tilespmem:s31+$0x20]  }
0x8f: {  	v15 =	vadd.s32 s30, v2;
	v14 =	vld [tilespmem:s31+$0xFFFFFF20];
	[tilespmem:v10+s14+$0x0] =	vst.idx.msk $0xffff, v8  }
0x90: {  	v10 =	vadd.s32 s28, v6;
	[tilespmem:v13+s14+$0x0] =	vst.idx.msk $0xffff, v12;
	v8 =	vld [tilespmem:s24+$0xFFFFFFE0]  }
0x91: {  	v13 =	vadd.s32 s26, v6;
	[tilespmem:v17+s14+$0x0] =	vst.idx.msk $0xffff, v16;
	v12 =	vld [tilespmem:s24+$0x60]  }
0x92: {  	v17 =	vadd.s32 s29, v3;
	[tilespmem:v19+s14+$0x0] =	vst.idx.msk $0xffff, v18;
	v16 =	vld [tilespmem:s31+$0xB0]  }
0x93: {  	v19 =	vadd.s32 s12, v3;
	v18 =	vld [tilespmem:s31+$0xFFFFFFB0];
	[tilespmem:v11+s14+$0x0] =	vst.idx.msk $0xffff, v9  }
0x94: {  	v11 =	vadd.s32 s2, v3;
	[tilespmem:v15+s14+$0x0] =	vst.idx.msk $0xffff, v14;
	v9 =	vld [tilespmem:s31+$0x30]  }
0x95: {  	v15 =	vadd.s32 s30, v3;
	v14 =	vld [tilespmem:s31+$0xFFFFFF30];
	[tilespmem:v10+s14+$0x0] =	vst.idx.msk $0xffff, v8  }
0x96: {  	v10 =	vadd.s32 s25, v6;
	v8 =	vld [tilespmem:s24+$0xFFFFFF60];
	[tilespmem:v13+s14+$0x0] =	vst.idx.msk $0xffff, v12  }
0x97: {  	v13 =	vadd.s32 s28, v7;
	s28 =	smov.u32 s12;
	[tilespmem:v17+s14+$0x0] =	vst.idx.msk $0xffff, v16;
	v12 =	vld [tilespmem:s24+$0xFFFFFFF0]  }
0x98: {  	[tilespmem:v19+s14+$0x0] =	vst.idx.msk $0xffff, v18;
	v18 =	vld [tilespmem:s31+$0xC0];
	v19 =	vadd.s32 s29, v4  }
0x99: {  	v21 =	vadd.s32 s28, v4;
	v20 =	vld [tilespmem:s31+$0xFFFFFFC0];
	[tilespmem:v11+s14+$0x0] =	vst.idx.msk $0xffff, v9  }
0x9a: {  	v23 =	vadd.s32 s2, v4;
	[tilespmem:v15+s14+$0x0] =	vst.idx.msk $0xffff, v14;
	v22 =	vld [tilespmem:s31+$0x40]  }
.Ltmp5:
0x9b: {  	v17 =	vadd.s32 s30, v4;
	v16 =	vld [tilespmem:s31+$0xFFFFFF40];
	[tilespmem:v10+s14+$0x0] =	vst.idx.msk $0xffff, v8;
	(pc) =	sbr.rel @p2 .LBB2_4-.Ltmp5, $4  }
0x9c: {  	v15 =	vadd.s32 s26, v7;
	s26 =	smov.u32 s2;
	[tilespmem:v13+s14+$0x0] =	vst.idx.msk $0xffff, v12;
	v9 =	vld [tilespmem:s24+$0x70]  }
0x9d: {  	v14 =	vadd.s32 s25, v7;
	s25 =	smov.u32 s30;
	s30 =	smov.u32 s1;
	[tilespmem:v19+s14+$0x0] =	vst.idx.msk $0xffff, v18;
	v11 =	vld [tilespmem:s24+$0xFFFFFF70];
	s24 =	smov.u32 s31  }
0x9e: {  	v10 =	vadd.s32 s29, v5;
	[tilespmem:v21+s14+$0x0] =	vst.idx.msk $0xffff, v20;
	v8 =	vld [tilespmem:s31+$0xD0]  }
0x9f: {  	s1 =	sadd.s32 $0x4, s1;
	s0 =	sadd.s32 $0x3, s30;
	v13 =	vadd.s32 s28, v5;
	s31 =	sadd.s32 $0x200, s31;
	v12 =	vld [tilespmem:s24+$0xFFFFFFD0];
	[tilespmem:v23+s14+$0x0] =	vst.idx.msk $0xffff, v22  }
0xa0: {  	v18 =	vld [tilespmem:s31+$0x80];
	v19 =	vadd.s32 s0, v0  }
0xa1: {  	s1 =	sadd.s32 $0x1, s30;
	v24 =	vld [tilespmem:s31+$0xFFFFFF00];
	v25 =	vadd.s32 s30, v0  }
0xa2: {  	v20 =	vld [tilespmem:s31+$0xFFFFFF80];
	s2 =	sadd.s32 $0x2, s30;
	v21 =	vadd.s32 s1, v0  }
0xa3: {  	v22 =	vld [tilespmem:s31+$0x0];
	v23 =	vadd.s32 s2, v0  }
0xa4: {  	[tilespmem:v15+s14+$0x0] =	vst.idx.msk $0xffff, v9  }
0xa5: {  	[tilespmem:v19+s14+$0x0] =	vst.idx.msk $0xffff, v18  }
0xa6: {  	v59 =	vadd.s32 s0, v1;
	[tilespmem:v25+s14+$0x0] =	vst.idx.msk $0xffff, v24;
	v58 =	vld [tilespmem:s31+$0x90]  }
0xa7: {  	v24 =	vadd.s32 s30, v1;
	[tilespmem:v21+s14+$0x0] =	vst.idx.msk $0xffff, v20;
	v9 =	vld [tilespmem:s31+$0xFFFFFF10]  }
0xa8: {  	v61 =	vadd.s32 s1, v1;
	[tilespmem:v23+s14+$0x0] =	vst.idx.msk $0xffff, v22;
	v60 =	vld [tilespmem:s31+$0xFFFFFF90]  }
0xa9: {  	v63 =	vadd.s32 s2, v1;
	[tilespmem:v14+s14+$0x0] =	vst.idx.msk $0xffff, v11;
	v62 =	vld [tilespmem:s31+$0x10]  }
0xaa: {  	[tilespmem:v10+s14+$0x0] =	vst.idx.msk $0xffff, v8  }
0xab: {  	[tilespmem:v59+s14+$0x0] =	vst.idx.msk $0xffff, v58  }
0xac: {  	v25 =	vadd.s32 s0, v2;
	[tilespmem:v24+s14+$0x0] =	vst.idx.msk $0xffff, v9;
	v11 =	vld [tilespmem:s31+$0xA0]  }
0xad: {  	v10 =	vadd.s32 s30, v2;
	[tilespmem:v61+s14+$0x0] =	vst.idx.msk $0xffff, v60;
	v8 =	vld [tilespmem:s31+$0xFFFFFF20]  }
0xae: {  	v27 =	vadd.s32 s1, v2;
	[tilespmem:v63+s14+$0x0] =	vst.idx.msk $0xffff, v62;
	v26 =	vld [tilespmem:s31+$0xFFFFFFA0]  }
0xaf: {  	[tilespmem:v17+s14+$0x0] =	vst.idx.msk $0xffff, v16;
	v28 =	vadd.s32 s2, v2;
	v9 =	vld [tilespmem:s31+$0x20]  }
0xb0: {  	v31 =	vld [tilespmem:s24+$0x50];
	v32 =	vadd.s32 s26, v5;
	[tilespmem:v13+s14+$0x0] =	vst.idx.msk $0xffff, v12  }
0xb1: {  	v38 =	vadd.s32 s25, v5;
	v37 =	vld [tilespmem:s24+$0xFFFFFF50];
	[tilespmem:v25+s14+$0x0] =	vst.idx.msk $0xffff, v11  }
0xb2: {  	v33 =	vadd.s32 s0, v3;
	[tilespmem:v10+s14+$0x0] =	vst.idx.msk $0xffff, v8;
	v11 =	vld [tilespmem:s31+$0xB0]  }
0xb3: {  	v35 =	vadd.s32 s30, v3;
	[tilespmem:v27+s14+$0x0] =	vst.idx.msk $0xffff, v26;
	v10 =	vld [tilespmem:s31+$0xFFFFFF30]  }
0xb4: {  	v34 =	vadd.s32 s1, v3;
	[tilespmem:v28+s14+$0x0] =	vst.idx.msk $0xffff, v9;
	v16 =	vld [tilespmem:s31+$0xFFFFFFB0]  }
0xb5: {  	[tilespmem:v32+s14+$0x0] =	vst.idx.msk $0xffff, v31;
	v9 =	vadd.s32 s2, v3;
	v8 =	vld [tilespmem:s31+$0x30]  }
0xb6: {  	v30 =	vadd.s32 s29, v6;
	v29 =	vld [tilespmem:s24+$0xE0];
	[tilespmem:v38+s14+$0x0] =	vst.idx.msk $0xffff, v37  }
0xb7: {  	v43 =	vadd.s32 s28, v6;
	v42 =	vld [tilespmem:s24+$0xFFFFFFE0];
	[tilespmem:v33+s14+$0x0] =	vst.idx.msk $0xffff, v11  }
0xb8: {  	v39 =	vadd.s32 s0, v4;
	[tilespmem:v35+s14+$0x0] =	vst.idx.msk $0xffff, v10;
	v11 =	vld [tilespmem:s31+$0xC0]  }
0xb9: {  	v41 =	vadd.s32 s30, v4;
	[tilespmem:v34+s14+$0x0] =	vst.idx.msk $0xffff, v16;
	v10 =	vld [tilespmem:s31+$0xFFFFFF40]  }
0xba: {  	v40 =	vadd.s32 s1, v4;
	[tilespmem:v9+s14+$0x0] =	vst.idx.msk $0xffff, v8;
	v16 =	vld [tilespmem:s31+$0xFFFFFFC0]  }
0xbb: {  	[tilespmem:v30+s14+$0x0] =	vst.idx.msk $0xffff, v29;
	v9 =	vadd.s32 s2, v4;
	v8 =	vld [tilespmem:s31+$0x40]  }
0xbc: {  	v45 =	vadd.s32 s26, v6;
	v44 =	vld [tilespmem:s24+$0x60];
	[tilespmem:v43+s14+$0x0] =	vst.idx.msk $0xffff, v42  }
0xbd: {  	v50 =	vadd.s32 s25, v6;
	v49 =	vld [tilespmem:s24+$0xFFFFFF60];
	[tilespmem:v39+s14+$0x0] =	vst.idx.msk $0xffff, v11  }
0xbe: {  	v46 =	vadd.s32 s0, v5;
	[tilespmem:v41+s14+$0x0] =	vst.idx.msk $0xffff, v10;
	v11 =	vld [tilespmem:s31+$0xD0]  }
0xbf: {  	v48 =	vadd.s32 s30, v5;
	[tilespmem:v40+s14+$0x0] =	vst.idx.msk $0xffff, v16;
	v10 =	vld [tilespmem:s31+$0xFFFFFF50]  }
0xc0: {  	v47 =	vadd.s32 s1, v5;
	[tilespmem:v9+s14+$0x0] =	vst.idx.msk $0xffff, v8;
	v16 =	vld [tilespmem:s31+$0xFFFFFFD0]  }
0xc1: {  	[tilespmem:v45+s14+$0x0] =	vst.idx.msk $0xffff, v44;
	v9 =	vadd.s32 s2, v5;
	v8 =	vld [tilespmem:s31+$0x50]  }
0xc2: {  	v36 =	vadd.s32 s29, v7;
	v13 =	vld [tilespmem:s24+$0xF0];
	[tilespmem:v50+s14+$0x0] =	vst.idx.msk $0xffff, v49  }
0xc3: {  	v52 =	vadd.s32 s28, v7;
	v51 =	vld [tilespmem:s24+$0xFFFFFFF0];
	[tilespmem:v46+s14+$0x0] =	vst.idx.msk $0xffff, v11  }
0xc4: {  	v53 =	vadd.s32 s0, v6;
	[tilespmem:v48+s14+$0x0] =	vst.idx.msk $0xffff, v10;
	v11 =	vld [tilespmem:s31+$0xE0]  }
0xc5: {  	v56 =	vadd.s32 s30, v6;
	[tilespmem:v47+s14+$0x0] =	vst.idx.msk $0xffff, v16;
	v55 =	vld [tilespmem:s31+$0xFFFFFF60]  }
0xc6: {  	[tilespmem:v9+s14+$0x0] =	vst.idx.msk $0xffff, v8;
	v9 =	vadd.s32 s1, v6;
	v8 =	vld [tilespmem:s31+$0xFFFFFFE0]  }
0xc7: {  	v54 =	vadd.s32 s2, v6;
	[tilespmem:v36+s14+$0x0] =	vst.idx.msk $0xffff, v13;
	v10 =	vld [tilespmem:s31+$0x60]  }
0xc8: {  	v58 =	vadd.s32 s26, v7;
	v57 =	vld [tilespmem:s24+$0x70];
	[tilespmem:v52+s14+$0x0] =	vst.idx.msk $0xffff, v51  }
0xc9: {  	v60 =	vadd.s32 s25, v7;
	v59 =	vld [tilespmem:s24+$0xFFFFFF70];
	[tilespmem:v53+s14+$0x0] =	vst.idx.msk $0xffff, v11  }
0xca: {  	v61 =	vadd.s32 s0, v7;
	[tilespmem:v56+s14+$0x0] =	vst.idx.msk $0xffff, v55;
	v11 =	vld [tilespmem:s31+$0xF0]  }
0xcb: {  	v63 =	vadd.s32 s30, v7;
	[tilespmem:v9+s14+$0x0] =	vst.idx.msk $0xffff, v8;
	v13 =	vld [tilespmem:s31+$0xFFFFFF70]  }
0xcc: {  	[tilespmem:v54+s14+$0x0] =	vst.idx.msk $0xffff, v10;
	v9 =	vadd.s32 s1, v7;
	v8 =	vld [tilespmem:s31+$0xFFFFFFF0]  }
0xcd: {  	v62 =	vadd.s32 s2, v7;
	[tilespmem:v58+s14+$0x0] =	vst.idx.msk $0xffff, v57;
	v10 =	vld [tilespmem:s31+$0x70]  }
0xce: {  	[tilespmem:v60+s14+$0x0] =	vst.idx.msk $0xffff, v59  }
0xcf: {  	[tilespmem:v61+s14+$0x0] =	vst.idx.msk $0xffff, v11  }
0xd0: {  	[tilespmem:v63+s14+$0x0] =	vst.idx.msk $0xffff, v13  }
0xd1: {  	[tilespmem:v9+s14+$0x0] =	vst.idx.msk $0xffff, v8  }
0xd2: {  	s10 =	simm.s32 $0x4082;
	[tilespmem:v62+s14+$0x0] =	vst.idx.msk $0xffff, v10  }
0xd3: {  	v8 =	vld [tilespmem:s10+$0x41]  }
0xd4: {  	v9 =	vld [tilespmem:s10+$0xFFFFFFBF]  }
0xd5: {  	v10 =	vld [tilespmem:s10+$0x0]  }
0xd6: {  	v11 =	vld [tilespmem:s10+$0xFFFFFF7E]  }
0xd7: {  	s0 =	simm.s32 $0x8180  }
0xd8: {  	[tilespmem:s0+$0x40] =	vst v8  }
0xd9: {  	[tilespmem:s0+$0xFFFFFFC0] =	vst v9;
	v8 =	vld [tilespmem:s10+$0x51]  }
0xda: {  	[tilespmem:s0+$0x0] =	vst v10;
	v9 =	vld [tilespmem:s10+$0xFFFFFFCF]  }
0xdb: {  	[tilespmem:s0+$0xFFFFFF80] =	vst v11;
	v10 =	vld [tilespmem:s10+$0x10]  }
0xdc: {  	p3 =	por $0x1, $0x1;
	s1 =	simm.s32 $0xC0;
	v11 =	vld [tilespmem:s10+$0xFFFFFF8E]  }
.Ltmp6:
0xdd: {  	s30 =	simm.s32 $0x40;
	s12 =	sor.u32 $0x50, s1;
	(pc) =	sbr.rel @!p3 .LBB2_6-.Ltmp6, $4  }
0xde: {  	s31 =	sor.u32 $0x50, s30;
	[tilespmem:s12+$0x8100] =	vst v8  }
0xdf: {  	[tilespmem:s31+$0x8100] =	vst v9;
	v8 =	vld [tilespmem:s10+$0x61]  }
0xe0: {  	p2 =	por $0x0, $0x0;
	[tilespmem:s0+$0x10] =	vst v10;
	v9 =	vld [tilespmem:s10+$0xFFFFFFDF]  }
0xe1: {  	s26 =	sor.u32 $0x60, s30;
	s24 =	sor.u32 $0x70, s30;
	s2 =	simm.s32 $0x4186;
	[tilespmem:s0+$0xFFFFFF90] =	vst v11;
	v10 =	vld [tilespmem:s10+$0x20]  }
0xe2: {  	v11 =	vld [tilespmem:s2+$0x41]  }
0xe3: {  	s12 =	sor.u32 $0x60, s1;
	v12 =	vld [tilespmem:s2+$0xFFFFFFBF]  }
0xe4: {  	v13 =	vld [tilespmem:s2+$0xFFFFFF7E];
	[tilespmem:s12+$0x8100] =	vst v8  }
0xe5: {  	[tilespmem:s26+$0x8100] =	vst v9;
	v9 =	vld [tilespmem:s2+$0x0]  }
0xe6: {  	s12 =	simm.s32 $0x8280;
	v8 =	vld [tilespmem:s10+$0x71];
	[tilespmem:s0+$0x20] =	vst v10  }
0xe7: {  	v10 =	vld [tilespmem:s10+$0xFFFFFF9E];
	[tilespmem:s12+$0x40] =	vst v11  }
0xe8: {  	[tilespmem:s12+$0xFFFFFFC0] =	vst v12;
	v11 =	vld [tilespmem:s2+$0x51]  }
0xe9: {  	[tilespmem:s12+$0xFFFFFF80] =	vst v13;
	v12 =	vld [tilespmem:s2+$0xFFFFFFCF]  }
0xea: {  	s30 =	sor.u32 $0x70, s1;
	v14 =	vld [tilespmem:s10+$0xFFFFFFEF];
	[tilespmem:s12+$0x0] =	vst v9  }
0xeb: {  	s1 =	simm.s32 $0x1C0;
	[tilespmem:s30+$0x8100] =	vst v8;
	v13 =	vld [tilespmem:s2+$0x10]  }
0xec: {  	s28 =	simm.s32 $0x140;
	p3 =	por $0x1, $0x1;
	s25 =	sor.u32 $0x50, s1;
	v15 =	vld [tilespmem:s2+$0xFFFFFF8E];
	[tilespmem:s0+$0xFFFFFFA0] =	vst v10  }
.Ltmp7:
0xed: {  	s31 =	sor.u32 $0x50, s28;
	[tilespmem:s25+$0x8100] =	vst v11;
	v11 =	vld [tilespmem:s10+$0xFFFFFFAE];
	(pc) =	sbr.rel @!p3 .LBB2_8-.Ltmp7, $4  }
0xee: {  	[tilespmem:s31+$0x8100] =	vst v12;
	v8 =	vld [tilespmem:s2+$0x61]  }
0xef: {  	[tilespmem:s24+$0x8100] =	vst v14;
	v9 =	vld [tilespmem:s2+$0xFFFFFFDF]  }
0xf0: {  	p2 =	por $0x1, $0x1;
	s26 =	sor.u32 $0x60, s28;
	v12 =	vld [tilespmem:s10+$0x30];
	[tilespmem:s12+$0x10] =	vst v13  }
0xf1: {  	s24 =	sor.u32 $0x70, s28;
	s25 =	simm.s32 $0x4;
	[tilespmem:s12+$0xFFFFFF90] =	vst v15;
	s10 =	simm.s32 $0x428A;
	v10 =	vld [tilespmem:s2+$0x20]  }
.LBB2_9:
0xf2: {  	v13 =	vld [tilespmem:s10+$0x41];
	s25 =	sadd.s32 $0x4, s25;
	s28 =	sor.u32 $0x60, s1;
	[tilespmem:s0+$0xFFFFFFB0] =	vst v11  }
0xf3: {  	v11 =	vld [tilespmem:s10+$0xFFFFFFBF];
	p3 =	slt.u32 s25, $0x7C;
	[tilespmem:s28+$0x8100] =	vst v8  }
0xf4: {  	[tilespmem:s26+$0x8100] =	vst v9;
	v8 =	vld [tilespmem:s2+$0x71]  }
0xf5: {  	v9 =	vld [tilespmem:s10+$0x0];
	[tilespmem:s0+$0x30] =	vst v12;
	s0 =	smov.u32 s12  }
0xf6: {  	s12 =	sadd.s32 $0x100, s12;
	v12 =	vld [tilespmem:s10+$0xFFFFFF7E];
	[tilespmem:s0+$0x20] =	vst v10  }
0xf7: {  	[tilespmem:s12+$0x40] =	vst v13;
	v10 =	vld [tilespmem:s2+$0xFFFFFF9E]  }
0xf8: {  	s26 =	sor.u32 $0x70, s1;
	[tilespmem:s12+$0xFFFFFFC0] =	vst v11;
	v11 =	vld [tilespmem:s10+$0x51]  }
0xf9: {  	v13 =	vld [tilespmem:s10+$0xFFFFFFCF];
	[tilespmem:s26+$0x8100] =	vst v8  }
0xfa: {  	s1 =	sadd.s32 $0x100, s1;
	[tilespmem:s12+$0x0] =	vst v9;
	v14 =	vld [tilespmem:s2+$0xFFFFFFEF]  }
0xfb: {  	s28 =	sadd.s32 $0xFFFFFF80, s1;
	[tilespmem:s12+$0xFFFFFF80] =	vst v12;
	v12 =	vld [tilespmem:s10+$0x10]  }
0xfc: {  	s29 =	sor.u32 $0x50, s1;
	s30 =	sor.u32 $0x50, s28;
	v15 =	vld [tilespmem:s10+$0xFFFFFF8E];
	[tilespmem:s0+$0xFFFFFFA0] =	vst v10  }
.Ltmp8:
0xfd: {  	s26 =	sor.u32 $0x60, s28;
	s28 =	sor.u32 $0x70, s28;
	[tilespmem:s29+$0x8100] =	vst v11;
	v11 =	vld [tilespmem:s2+$0xFFFFFFAE];
	(pc) =	sbr.rel @p3 .LBB2_9-.Ltmp8, $4  }
0xfe: {  	[tilespmem:s30+$0x8100] =	vst v13;
	v8 =	vld [tilespmem:s10+$0x61]  }
0xff: {  	v9 =	vld [tilespmem:s10+$0xFFFFFFDF];
	[tilespmem:s24+$0x8100] =	vst v14;
	s24 =	smov.u32 s28  }
0x100: {  	[tilespmem:s12+$0x10] =	vst v12;
	v12 =	vld [tilespmem:s2+$0x30];
	s2 =	smov.u32 s10  }
0x101: {  	s10 =	sadd.s32 $0x104, s10;
	[tilespmem:s12+$0xFFFFFF90] =	vst v15;
	v10 =	vld [tilespmem:s2+$0x20]  }
0x102: {  	s25 =	smov.u32 s0;
	s10 =	smov.u32 s2;
	s0 =	smov.u32 s12  }
.LBB2_11:
0x103: {  	v13 =	vld [tilespmem:s10+$0xFFFFFF9E]  }
0x104: {  	s2 =	sor.u32 $0x60, s1  }
0x105: {  	[tilespmem:s2+$0x8100] =	vst v8  }
0x106: {  	[tilespmem:s26+$0x8100] =	vst v9;
	v8 =	vld [tilespmem:s10+$0x71]  }
0x107: {  	v9 =	vld [tilespmem:s10+$0xFFFFFFEF];
	[tilespmem:s0+$0x20] =	vst v10  }
0x108: {  	v63 =	vld [tilespmem:s10+$0x30];
	[tilespmem:s0+$0xFFFFFFA0] =	vst v13  }
0x109: {  	[tilespmem:s25+$0xFFFFFFB0] =	vst @p2 v11;
	v62 =	vld [tilespmem:s10+$0xFFFFFFAE]  }
0x10a: {  	s29 =	sor.u32 $0x70, s1;
	[tilespmem:s25+$0x30] =	vst @p2 v12  }
0x10b: {  	[tilespmem:s29+$0x8100] =	vst v8  }
0x10c: {  	[tilespmem:s24+$0x8100] =	vst v9  }
0x10d: {  	s30 =	sshll.u32 s22, $0x10;
	[tilespmem:s0+$0x30] =	vst v63  }
0x10e: {  	s31 =	sadd.s32 s30, s7;
	[tilespmem:s0+$0xFFFFFFB0] =	vst v62;
	s0 =	sadd.s32 $0x2, s23  }
0x10f: {  	[hbm4b:s31+s3] =	stream.linear.scatter [tilespmem:s15], [sflag:$0x3], $0x2000, $0x38;
	[tilespmem:$0xC100] =	vst v63  }
0x110: {  	p2 =	sge.u32 s0, s5  }
0x111: {  	s0 =	sshll.u32 @!p2 s0, $0xC;
	s1 =	simm.s32 @!p2 $0x400  }
0x112: {  	s2 =	simm.s32 @!p2 $0x7A1400;
	s10 =	simm.s32 @!p2 $0x0;
	s0 =	sadd.s32 @!p2 s0, s4  }
0x113: {  	[tilespmem:s10], [sflag:$0x1] =	stream.strided.gather @!p2 [hbm4b:s0+s1], $0x2000, s2, s1, $0x38;
	[tilespmem:$0xC100] =	vst v63  }
.LBB2_12:
0x114: {  	s24 =	sor.u32 $0x1, s23  }
0x115: {  	p2 =	sge.u32 s24, s5  }
.Ltmp9:
0x116: {  	_ = 	snop;
	(pc) =	sbr.rel @p2 .LBB2_22-.Ltmp9, $1  }
0x117: {  	_ =	sdelay $0x3  }
0x118: {  	_ =	swait.ge [sflag:s16], $0x2000  }
0x119: {  	[sflag:s16] =	ssyncset.done $0x0  }
0x11a: {  	s0 =	simm.s32 @!p1 $0x4;
	[sflag:s16] =	ssyncadd.s32 $0xFFFFE000  }
0x11b: {  	_ =	swait.ge @!p1 [sflag:s0], $0x2000  }
0x11c: {  	[sflag:s0] =	ssyncset.done @!p1 $0x0  }
0x11d: {  	s10 =	simm.s32 $0x2100;
	s12 =	simm.s32 $0x3;
	[sflag:s0] =	ssyncadd.s32 @!p1 $0xFFFFE000  }
0x11e: {  	s2 =	simm.s32 $0x2;
	v9 =	vadd.s32 s12, v0;
	v8 =	vld [tilespmem:s10+$0x80]  }
0x11f: {  	s31 =	simm.s32 $0x1;
	v13 =	vadd.s32 s2, v0;
	v12 =	vld [tilespmem:s10+$0x0]  }
0x120: {  	v11 =	vadd.s32 s31, v0;
	v10 =	vld [tilespmem:s10+$0xFFFFFF80];
	_ =	sdelay $0x1  }
0x121: {  	s1 =	simm.s32 $0x0  }
0x122: {  	v15 =	vadd.s32 s1, v0;
	v14 =	vld [tilespmem:s10+$0xFFFFFF00];
	[tilespmem:v9+s17+$0x0] =	vst.idx.msk $0xffff, v8  }
0x123: {  	v9 =	vadd.s32 s12, v1;
	[tilespmem:v13+s17+$0x0] =	vst.idx.msk $0xffff, v12;
	v8 =	vld [tilespmem:s10+$0x90]  }
0x124: {  	[tilespmem:v11+s17+$0x0] =	vst.idx.msk $0xffff, v10;
	v13 =	vadd.s32 s2, v1;
	v12 =	vld [tilespmem:s10+$0x10]  }
0x125: {  	v11 =	vadd.s32 s31, v1;
	v10 =	vld [tilespmem:s10+$0xFFFFFF90];
	_ =	sdelay $0x1  }
0x126: {  	[tilespmem:v15+s17+$0x0] =	vst.idx.msk $0xffff, v14  }
0x127: {  	v15 =	vadd.s32 s1, v1;
	v14 =	vld [tilespmem:s10+$0xFFFFFF10];
	[tilespmem:v9+s17+$0x0] =	vst.idx.msk $0xffff, v8  }
0x128: {  	v9 =	vadd.s32 s12, v2;
	[tilespmem:v13+s17+$0x0] =	vst.idx.msk $0xffff, v12;
	v8 =	vld [tilespmem:s10+$0xA0]  }
0x129: {  	[tilespmem:v11+s17+$0x0] =	vst.idx.msk $0xffff, v10;
	v13 =	vadd.s32 s2, v2;
	v12 =	vld [tilespmem:s10+$0x20]  }
0x12a: {  	v11 =	vadd.s32 s31, v2;
	v10 =	vld [tilespmem:s10+$0xFFFFFFA0];
	_ =	sdelay $0x1  }
0x12b: {  	[tilespmem:v15+s17+$0x0] =	vst.idx.msk $0xffff, v14  }
0x12c: {  	v15 =	vadd.s32 s1, v2;
	v14 =	vld [tilespmem:s10+$0xFFFFFF20];
	[tilespmem:v9+s17+$0x0] =	vst.idx.msk $0xffff, v8  }
0x12d: {  	v9 =	vadd.s32 s12, v3;
	[tilespmem:v13+s17+$0x0] =	vst.idx.msk $0xffff, v12;
	v8 =	vld [tilespmem:s10+$0xB0]  }
0x12e: {  	[tilespmem:v11+s17+$0x0] =	vst.idx.msk $0xffff, v10;
	v13 =	vadd.s32 s2, v3;
	v12 =	vld [tilespmem:s10+$0x30]  }
0x12f: {  	v11 =	vadd.s32 s31, v3;
	v10 =	vld [tilespmem:s10+$0xFFFFFFB0];
	_ =	sdelay $0x1  }
0x130: {  	[tilespmem:v15+s17+$0x0] =	vst.idx.msk $0xffff, v14  }
0x131: {  	v15 =	vadd.s32 s1, v3;
	v14 =	vld [tilespmem:s10+$0xFFFFFF30];
	[tilespmem:v9+s17+$0x0] =	vst.idx.msk $0xffff, v8  }
0x132: {  	v9 =	vadd.s32 s12, v4;
	[tilespmem:v13+s17+$0x0] =	vst.idx.msk $0xffff, v12;
	v8 =	vld [tilespmem:s10+$0xC0]  }
0x133: {  	[tilespmem:v11+s17+$0x0] =	vst.idx.msk $0xffff, v10;
	v13 =	vadd.s32 s2, v4;
	v12 =	vld [tilespmem:s10+$0x40]  }
0x134: {  	v11 =	vadd.s32 s31, v4;
	v10 =	vld [tilespmem:s10+$0xFFFFFFC0]  }
0x135: {  	s30 =	simm.s32 $0x7;
	s25 =	simm.s32 $0x2300  }
0x136: {  	v17 =	vadd.s32 s30, v0;
	v16 =	vld [tilespmem:s25+$0x80];
	[tilespmem:v15+s17+$0x0] =	vst.idx.msk $0xffff, v14  }
0x137: {  	s29 =	simm.s32 $0x5;
	v15 =	vadd.s32 s1, v4;
	v14 =	vld [tilespmem:s10+$0xFFFFFF40];
	[tilespmem:v9+s17+$0x0] =	vst.idx.msk $0xffff, v8  }
0x138: {  	[tilespmem:v13+s17+$0x0] =	vst.idx.msk $0xffff, v12;
	v12 =	vld [tilespmem:s25+$0xFFFFFF80];
	v13 =	vadd.s32 s29, v0  }
0x139: {  	[tilespmem:v11+s17+$0x0] =	vst.idx.msk $0xffff, v10;
	v9 =	vadd.s32 s12, v5;
	v8 =	vld [tilespmem:s10+$0xD0]  }
0x13a: {  	v11 =	vadd.s32 s31, v5;
	v10 =	vld [tilespmem:s10+$0xFFFFFFD0]  }
0x13b: {  	s28 =	simm.s32 $0x6;
	[tilespmem:v17+s17+$0x0] =	vst.idx.msk $0xffff, v16  }
0x13c: {  	s26 =	simm.s32 $0x4;
	[tilespmem:v15+s17+$0x0] =	vst.idx.msk $0xffff, v14;
	v14 =	vld [tilespmem:s25+$0x0];
	v15 =	vadd.s32 s28, v0  }
0x13d: {  	v19 =	vadd.s32 s26, v0;
	v18 =	vld [tilespmem:s25+$0xFFFFFF00];
	[tilespmem:v13+s17+$0x0] =	vst.idx.msk $0xffff, v12  }
0x13e: {  	v12 =	vld [tilespmem:s25+$0x90];
	v13 =	vadd.s32 s30, v1;
	[tilespmem:v9+s17+$0x0] =	vst.idx.msk $0xffff, v8  }
0x13f: {  	[tilespmem:v11+s17+$0x0] =	vst.idx.msk $0xffff, v10;
	v10 =	vld [tilespmem:s10+$0x50];
	v11 =	vadd.s32 s2, v5  }
0x140: {  	v9 =	vadd.s32 s12, v6;
	v8 =	vld [tilespmem:s10+$0xE0]  }
0x141: {  	v17 =	vadd.s32 s29, v1;
	[tilespmem:v15+s17+$0x0] =	vst.idx.msk $0xffff, v14;
	v16 =	vld [tilespmem:s25+$0xFFFFFF90]  }
0x142: {  	[tilespmem:v19+s17+$0x0] =	vst.idx.msk $0xffff, v18;
	v15 =	vadd.s32 s28, v1;
	v14 =	vld [tilespmem:s25+$0x10]  }
0x143: {  	v19 =	vadd.s32 s26, v1;
	v18 =	vld [tilespmem:s25+$0xFFFFFF10];
	[tilespmem:v13+s17+$0x0] =	vst.idx.msk $0xffff, v12  }
0x144: {  	v13 =	vadd.s32 s30, v2;
	[tilespmem:v11+s17+$0x0] =	vst.idx.msk $0xffff, v10;
	v12 =	vld [tilespmem:s25+$0xA0]  }
0x145: {  	v10 =	vld [tilespmem:s10+$0xFFFFFF50];
	v11 =	vadd.s32 s1, v5;
	[tilespmem:v9+s17+$0x0] =	vst.idx.msk $0xffff, v8  }
0x146: {  	[tilespmem:v17+s17+$0x0] =	vst.idx.msk $0xffff, v16;
	v9 =	vadd.s32 s12, v7;
	v8 =	vld [tilespmem:s10+$0xF0]  }
0x147: {  	v17 =	vadd.s32 s29, v2;
	[tilespmem:v15+s17+$0x0] =	vst.idx.msk $0xffff, v14;
	v16 =	vld [tilespmem:s25+$0xFFFFFFA0]  }
0x148: {  	[tilespmem:v19+s17+$0x0] =	vst.idx.msk $0xffff, v18;
	v15 =	vadd.s32 s28, v2;
	v14 =	vld [tilespmem:s25+$0x20]  }
0x149: {  	v19 =	vadd.s32 s26, v2;
	v18 =	vld [tilespmem:s25+$0xFFFFFF20];
	[tilespmem:v13+s17+$0x0] =	vst.idx.msk $0xffff, v12  }
0x14a: {  	[tilespmem:v11+s17+$0x0] =	vst.idx.msk $0xffff, v10;
	v13 =	vadd.s32 s30, v3;
	v12 =	vld [tilespmem:s25+$0xB0]  }
0x14b: {  	[tilespmem:v9+s17+$0x0] =	vst.idx.msk $0xffff, v8;
	v8 =	vld [tilespmem:s10+$0xFFFFFFE0];
	v9 =	vadd.s32 s31, v6  }
0x14c: {  	v10 =	vld [tilespmem:s10+$0x60];
	v11 =	vadd.s32 s2, v6;
	[tilespmem:v17+s17+$0x0] =	vst.idx.msk $0xffff, v16  }
0x14d: {  	v17 =	vadd.s32 s29, v3;
	[tilespmem:v15+s17+$0x0] =	vst.idx.msk $0xffff, v14;
	v16 =	vld [tilespmem:s25+$0xFFFFFFB0]  }
0x14e: {  	[tilespmem:v19+s17+$0x0] =	vst.idx.msk $0xffff, v18;
	v15 =	vadd.s32 s28, v3;
	v14 =	vld [tilespmem:s25+$0x30]  }
0x14f: {  	v19 =	vadd.s32 s26, v3;
	v18 =	vld [tilespmem:s25+$0xFFFFFF30];
	[tilespmem:v13+s17+$0x0] =	vst.idx.msk $0xffff, v12  }
0x150: {  	[tilespmem:v9+s17+$0x0] =	vst.idx.msk $0xffff, v8;
	v8 =	vld [tilespmem:s10+$0xFFFFFF60];
	v9 =	vadd.s32 s1, v6  }
0x151: {  	[tilespmem:v11+s17+$0x0] =	vst.idx.msk $0xffff, v10;
	v13 =	vadd.s32 s30, v4;
	v12 =	vld [tilespmem:s25+$0xC0]  }
0x152: {  	v11 =	vadd.s32 s31, v7;
	[tilespmem:v17+s17+$0x0] =	vst.idx.msk $0xffff, v16;
	v10 =	vld [tilespmem:s10+$0xFFFFFFF0]  }
0x153: {  	v21 =	vadd.s32 s29, v4;
	[tilespmem:v15+s17+$0x0] =	vst.idx.msk $0xffff, v14;
	v20 =	vld [tilespmem:s25+$0xFFFFFFC0]  }
0x154: {  	[tilespmem:v19+s17+$0x0] =	vst.idx.msk $0xffff, v18;
	v19 =	vadd.s32 s28, v4;
	v18 =	vld [tilespmem:s25+$0x40]  }
0x155: {  	v16 =	vld [tilespmem:s25+$0xFFFFFF40];
	v17 =	vadd.s32 s26, v4;
	[tilespmem:v9+s17+$0x0] =	vst.idx.msk $0xffff, v8  }
0x156: {  	v15 =	vadd.s32 s2, v7;
	v9 =	vld [tilespmem:s10+$0x70];
	[tilespmem:v13+s17+$0x0] =	vst.idx.msk $0xffff, v12  }
0x157: {  	v14 =	vadd.s32 s1, v7;
	[tilespmem:v11+s17+$0x0] =	vst.idx.msk $0xffff, v10;
	v11 =	vld [tilespmem:s10+$0xFFFFFF70]  }
0x158: {  	s0 =	simm.s32 $0x2500;
	[tilespmem:v21+s17+$0x0] =	vst.idx.msk $0xffff, v20;
	v8 =	vld [tilespmem:s25+$0xD0];
	v10 =	vadd.s32 s30, v5  }
0x159: {  	s31 =	simm.s32 $0x8;
	s1 =	simm.s32 $0xB;
	s2 =	simm.s32 $0xC;
	v13 =	vadd.s32 s29, v5;
	[tilespmem:v19+s17+$0x0] =	vst.idx.msk $0xffff, v18;
	v12 =	vld [tilespmem:s25+$0xFFFFFFD0]  }
.LBB2_14:
0x15a: {  	p1 =	slt.u32 s2, $0x3C;
	s10 =	sadd.s32 $0x1, s31;
	v18 =	vld [tilespmem:s0+$0x80];
	v19 =	vadd.s32 s1, v0;
	[tilespmem:v17+s17+$0x0] =	vst.idx.msk $0xffff, v16  }
0x15b: {  	s12 =	sadd.s32 $0x2, s31;
	v16 =	vld [tilespmem:s0+$0xFFFFFF80];
	v17 =	vadd.s32 s10, v0;
	[tilespmem:v15+s17+$0x0] =	vst.idx.msk $0xffff, v9  }
0x15c: {  	v15 =	vadd.s32 s12, v0;
	v9 =	vld [tilespmem:s0+$0x0];
	[tilespmem:v14+s17+$0x0] =	vst.idx.msk $0xffff, v11  }
0x15d: {  	v14 =	vadd.s32 s31, v0;
	v11 =	vld [tilespmem:s0+$0xFFFFFF00];
	[tilespmem:v10+s17+$0x0] =	vst.idx.msk $0xffff, v8  }
0x15e: {  	v10 =	vadd.s32 s30, v6;
	[tilespmem:v13+s17+$0x0] =	vst.idx.msk $0xffff, v12;
	v8 =	vld [tilespmem:s25+$0xE0]  }
0x15f: {  	v13 =	vadd.s32 s28, v5;
	[tilespmem:v19+s17+$0x0] =	vst.idx.msk $0xffff, v18;
	v12 =	vld [tilespmem:s25+$0x50]  }
0x160: {  	[tilespmem:v17+s17+$0x0] =	vst.idx.msk $0xffff, v16;
	v16 =	vld [tilespmem:s0+$0x90];
	v17 =	vadd.s32 s1, v1  }
0x161: {  	v19 =	vadd.s32 s10, v1;
	v18 =	vld [tilespmem:s0+$0xFFFFFF90];
	[tilespmem:v15+s17+$0x0] =	vst.idx.msk $0xffff, v9  }
0x162: {  	[tilespmem:v14+s17+$0x0] =	vst.idx.msk $0xffff, v11;
	v9 =	vld [tilespmem:s0+$0x10];
	v11 =	vadd.s32 s12, v1  }
0x163: {  	v15 =	vadd.s32 s31, v1;
	v14 =	vld [tilespmem:s0+$0xFFFFFF10];
	[tilespmem:v10+s17+$0x0] =	vst.idx.msk $0xffff, v8  }
0x164: {  	v10 =	vadd.s32 s30, v7;
	s30 =	smov.u32 s1;
	[tilespmem:v13+s17+$0x0] =	vst.idx.msk $0xffff, v12;
	v8 =	vld [tilespmem:s25+$0xF0]  }
0x165: {  	v13 =	vadd.s32 s26, v5;
	[tilespmem:v17+s17+$0x0] =	vst.idx.msk $0xffff, v16;
	v12 =	vld [tilespmem:s25+$0xFFFFFF50]  }
0x166: {  	v17 =	vadd.s32 s30, v2;
	[tilespmem:v19+s17+$0x0] =	vst.idx.msk $0xffff, v18;
	v16 =	vld [tilespmem:s0+$0xA0]  }
0x167: {  	v19 =	vadd.s32 s10, v2;
	v18 =	vld [tilespmem:s0+$0xFFFFFFA0];
	[tilespmem:v11+s17+$0x0] =	vst.idx.msk $0xffff, v9  }
0x168: {  	v11 =	vadd.s32 s12, v2;
	[tilespmem:v15+s17+$0x0] =	vst.idx.msk $0xffff, v14;
	v9 =	vld [tilespmem:s0+$0x20]  }
0x169: {  	v15 =	vadd.s32 s31, v2;
	v14 =	vld [tilespmem:s0+$0xFFFFFF20];
	[tilespmem:v10+s17+$0x0] =	vst.idx.msk $0xffff, v8  }
0x16a: {  	v10 =	vadd.s32 s29, v6;
	[tilespmem:v13+s17+$0x0] =	vst.idx.msk $0xffff, v12;
	v8 =	vld [tilespmem:s25+$0xFFFFFFE0]  }
0x16b: {  	v13 =	vadd.s32 s28, v6;
	[tilespmem:v17+s17+$0x0] =	vst.idx.msk $0xffff, v16;
	v12 =	vld [tilespmem:s25+$0x60]  }
0x16c: {  	v17 =	vadd.s32 s30, v3;
	[tilespmem:v19+s17+$0x0] =	vst.idx.msk $0xffff, v18;
	v16 =	vld [tilespmem:s0+$0xB0]  }
0x16d: {  	v19 =	vadd.s32 s10, v3;
	v18 =	vld [tilespmem:s0+$0xFFFFFFB0];
	[tilespmem:v11+s17+$0x0] =	vst.idx.msk $0xffff, v9  }
0x16e: {  	v11 =	vadd.s32 s12, v3;
	[tilespmem:v15+s17+$0x0] =	vst.idx.msk $0xffff, v14;
	v9 =	vld [tilespmem:s0+$0x30]  }
0x16f: {  	v15 =	vadd.s32 s31, v3;
	v14 =	vld [tilespmem:s0+$0xFFFFFF30];
	[tilespmem:v10+s17+$0x0] =	vst.idx.msk $0xffff, v8  }
0x170: {  	v10 =	vadd.s32 s26, v6;
	v8 =	vld [tilespmem:s25+$0xFFFFFF60];
	[tilespmem:v13+s17+$0x0] =	vst.idx.msk $0xffff, v12  }
0x171: {  	v13 =	vadd.s32 s29, v7;
	s29 =	smov.u32 s10;
	[tilespmem:v17+s17+$0x0] =	vst.idx.msk $0xffff, v16;
	v12 =	vld [tilespmem:s25+$0xFFFFFFF0]  }
0x172: {  	[tilespmem:v19+s17+$0x0] =	vst.idx.msk $0xffff, v18;
	v18 =	vld [tilespmem:s0+$0xC0];
	v19 =	vadd.s32 s30, v4  }
0x173: {  	v21 =	vadd.s32 s29, v4;
	v20 =	vld [tilespmem:s0+$0xFFFFFFC0];
	[tilespmem:v11+s17+$0x0] =	vst.idx.msk $0xffff, v9  }
0x174: {  	v23 =	vadd.s32 s12, v4;
	[tilespmem:v15+s17+$0x0] =	vst.idx.msk $0xffff, v14;
	v22 =	vld [tilespmem:s0+$0x40]  }
.Ltmp10:
0x175: {  	v17 =	vadd.s32 s31, v4;
	v16 =	vld [tilespmem:s0+$0xFFFFFF40];
	[tilespmem:v10+s17+$0x0] =	vst.idx.msk $0xffff, v8;
	(pc) =	sbr.rel @p1 .LBB2_14-.Ltmp10, $4  }
0x176: {  	v15 =	vadd.s32 s28, v7;
	s28 =	smov.u32 s12;
	[tilespmem:v13+s17+$0x0] =	vst.idx.msk $0xffff, v12;
	v9 =	vld [tilespmem:s25+$0x70]  }
0x177: {  	v14 =	vadd.s32 s26, v7;
	s26 =	smov.u32 s31;
	s31 =	smov.u32 s2;
	[tilespmem:v19+s17+$0x0] =	vst.idx.msk $0xffff, v18;
	v11 =	vld [tilespmem:s25+$0xFFFFFF70];
	s25 =	smov.u32 s0  }
0x178: {  	v10 =	vadd.s32 s30, v5;
	[tilespmem:v21+s17+$0x0] =	vst.idx.msk $0xffff, v20;
	v8 =	vld [tilespmem:s0+$0xD0]  }
0x179: {  	s2 =	sadd.s32 $0x4, s2;
	s1 =	sadd.s32 $0x3, s31;
	v13 =	vadd.s32 s29, v5;
	s0 =	sadd.s32 $0x200, s0;
	v12 =	vld [tilespmem:s25+$0xFFFFFFD0];
	[tilespmem:v23+s17+$0x0] =	vst.idx.msk $0xffff, v22  }
0x17a: {  	v18 =	vld [tilespmem:s0+$0x80];
	v19 =	vadd.s32 s1, v0  }
0x17b: {  	s2 =	sadd.s32 $0x1, s31;
	v24 =	vld [tilespmem:s0+$0xFFFFFF00];
	v25 =	vadd.s32 s31, v0  }
0x17c: {  	v20 =	vld [tilespmem:s0+$0xFFFFFF80];
	s12 =	sadd.s32 $0x2, s31;
	v21 =	vadd.s32 s2, v0  }
0x17d: {  	v22 =	vld [tilespmem:s0+$0x0];
	v23 =	vadd.s32 s12, v0  }
0x17e: {  	[tilespmem:v15+s17+$0x0] =	vst.idx.msk $0xffff, v9  }
0x17f: {  	[tilespmem:v19+s17+$0x0] =	vst.idx.msk $0xffff, v18  }
0x180: {  	v59 =	vadd.s32 s1, v1;
	[tilespmem:v25+s17+$0x0] =	vst.idx.msk $0xffff, v24;
	v58 =	vld [tilespmem:s0+$0x90]  }
0x181: {  	v24 =	vadd.s32 s31, v1;
	[tilespmem:v21+s17+$0x0] =	vst.idx.msk $0xffff, v20;
	v9 =	vld [tilespmem:s0+$0xFFFFFF10]  }
0x182: {  	v61 =	vadd.s32 s2, v1;
	[tilespmem:v23+s17+$0x0] =	vst.idx.msk $0xffff, v22;
	v60 =	vld [tilespmem:s0+$0xFFFFFF90]  }
0x183: {  	v63 =	vadd.s32 s12, v1;
	[tilespmem:v14+s17+$0x0] =	vst.idx.msk $0xffff, v11;
	v62 =	vld [tilespmem:s0+$0x10]  }
0x184: {  	[tilespmem:v10+s17+$0x0] =	vst.idx.msk $0xffff, v8  }
0x185: {  	[tilespmem:v59+s17+$0x0] =	vst.idx.msk $0xffff, v58  }
0x186: {  	v25 =	vadd.s32 s1, v2;
	[tilespmem:v24+s17+$0x0] =	vst.idx.msk $0xffff, v9;
	v11 =	vld [tilespmem:s0+$0xA0]  }
0x187: {  	v10 =	vadd.s32 s31, v2;
	[tilespmem:v61+s17+$0x0] =	vst.idx.msk $0xffff, v60;
	v8 =	vld [tilespmem:s0+$0xFFFFFF20]  }
0x188: {  	v27 =	vadd.s32 s2, v2;
	[tilespmem:v63+s17+$0x0] =	vst.idx.msk $0xffff, v62;
	v26 =	vld [tilespmem:s0+$0xFFFFFFA0]  }
0x189: {  	[tilespmem:v17+s17+$0x0] =	vst.idx.msk $0xffff, v16;
	v28 =	vadd.s32 s12, v2;
	v9 =	vld [tilespmem:s0+$0x20]  }
0x18a: {  	v31 =	vld [tilespmem:s25+$0x50];
	v32 =	vadd.s32 s28, v5;
	[tilespmem:v13+s17+$0x0] =	vst.idx.msk $0xffff, v12  }
0x18b: {  	v38 =	vadd.s32 s26, v5;
	v37 =	vld [tilespmem:s25+$0xFFFFFF50];
	[tilespmem:v25+s17+$0x0] =	vst.idx.msk $0xffff, v11  }
0x18c: {  	v33 =	vadd.s32 s1, v3;
	[tilespmem:v10+s17+$0x0] =	vst.idx.msk $0xffff, v8;
	v11 =	vld [tilespmem:s0+$0xB0]  }
0x18d: {  	v35 =	vadd.s32 s31, v3;
	[tilespmem:v27+s17+$0x0] =	vst.idx.msk $0xffff, v26;
	v10 =	vld [tilespmem:s0+$0xFFFFFF30]  }
0x18e: {  	v34 =	vadd.s32 s2, v3;
	[tilespmem:v28+s17+$0x0] =	vst.idx.msk $0xffff, v9;
	v16 =	vld [tilespmem:s0+$0xFFFFFFB0]  }
0x18f: {  	[tilespmem:v32+s17+$0x0] =	vst.idx.msk $0xffff, v31;
	v9 =	vadd.s32 s12, v3;
	v8 =	vld [tilespmem:s0+$0x30]  }
0x190: {  	v30 =	vadd.s32 s30, v6;
	v29 =	vld [tilespmem:s25+$0xE0];
	[tilespmem:v38+s17+$0x0] =	vst.idx.msk $0xffff, v37  }
0x191: {  	v43 =	vadd.s32 s29, v6;
	v42 =	vld [tilespmem:s25+$0xFFFFFFE0];
	[tilespmem:v33+s17+$0x0] =	vst.idx.msk $0xffff, v11  }
0x192: {  	v39 =	vadd.s32 s1, v4;
	[tilespmem:v35+s17+$0x0] =	vst.idx.msk $0xffff, v10;
	v11 =	vld [tilespmem:s0+$0xC0]  }
0x193: {  	v41 =	vadd.s32 s31, v4;
	[tilespmem:v34+s17+$0x0] =	vst.idx.msk $0xffff, v16;
	v10 =	vld [tilespmem:s0+$0xFFFFFF40]  }
0x194: {  	v40 =	vadd.s32 s2, v4;
	[tilespmem:v9+s17+$0x0] =	vst.idx.msk $0xffff, v8;
	v16 =	vld [tilespmem:s0+$0xFFFFFFC0]  }
0x195: {  	[tilespmem:v30+s17+$0x0] =	vst.idx.msk $0xffff, v29;
	v9 =	vadd.s32 s12, v4;
	v8 =	vld [tilespmem:s0+$0x40]  }
0x196: {  	v45 =	vadd.s32 s28, v6;
	v44 =	vld [tilespmem:s25+$0x60];
	[tilespmem:v43+s17+$0x0] =	vst.idx.msk $0xffff, v42  }
0x197: {  	v50 =	vadd.s32 s26, v6;
	v49 =	vld [tilespmem:s25+$0xFFFFFF60];
	[tilespmem:v39+s17+$0x0] =	vst.idx.msk $0xffff, v11  }
0x198: {  	v46 =	vadd.s32 s1, v5;
	[tilespmem:v41+s17+$0x0] =	vst.idx.msk $0xffff, v10;
	v11 =	vld [tilespmem:s0+$0xD0]  }
0x199: {  	v48 =	vadd.s32 s31, v5;
	[tilespmem:v40+s17+$0x0] =	vst.idx.msk $0xffff, v16;
	v10 =	vld [tilespmem:s0+$0xFFFFFF50]  }
0x19a: {  	v47 =	vadd.s32 s2, v5;
	[tilespmem:v9+s17+$0x0] =	vst.idx.msk $0xffff, v8;
	v16 =	vld [tilespmem:s0+$0xFFFFFFD0]  }
0x19b: {  	[tilespmem:v45+s17+$0x0] =	vst.idx.msk $0xffff, v44;
	v9 =	vadd.s32 s12, v5;
	v8 =	vld [tilespmem:s0+$0x50]  }
0x19c: {  	v36 =	vadd.s32 s30, v7;
	v13 =	vld [tilespmem:s25+$0xF0];
	[tilespmem:v50+s17+$0x0] =	vst.idx.msk $0xffff, v49  }
0x19d: {  	v52 =	vadd.s32 s29, v7;
	v51 =	vld [tilespmem:s25+$0xFFFFFFF0];
	[tilespmem:v46+s17+$0x0] =	vst.idx.msk $0xffff, v11  }
0x19e: {  	v53 =	vadd.s32 s1, v6;
	[tilespmem:v48+s17+$0x0] =	vst.idx.msk $0xffff, v10;
	v11 =	vld [tilespmem:s0+$0xE0]  }
0x19f: {  	v56 =	vadd.s32 s31, v6;
	[tilespmem:v47+s17+$0x0] =	vst.idx.msk $0xffff, v16;
	v55 =	vld [tilespmem:s0+$0xFFFFFF60]  }
0x1a0: {  	[tilespmem:v9+s17+$0x0] =	vst.idx.msk $0xffff, v8;
	v9 =	vadd.s32 s2, v6;
	v8 =	vld [tilespmem:s0+$0xFFFFFFE0]  }
0x1a1: {  	v54 =	vadd.s32 s12, v6;
	[tilespmem:v36+s17+$0x0] =	vst.idx.msk $0xffff, v13;
	v10 =	vld [tilespmem:s0+$0x60]  }
0x1a2: {  	v58 =	vadd.s32 s28, v7;
	v57 =	vld [tilespmem:s25+$0x70];
	[tilespmem:v52+s17+$0x0] =	vst.idx.msk $0xffff, v51  }
0x1a3: {  	v60 =	vadd.s32 s26, v7;
	v59 =	vld [tilespmem:s25+$0xFFFFFF70];
	[tilespmem:v53+s17+$0x0] =	vst.idx.msk $0xffff, v11  }
0x1a4: {  	v61 =	vadd.s32 s1, v7;
	[tilespmem:v56+s17+$0x0] =	vst.idx.msk $0xffff, v55;
	v11 =	vld [tilespmem:s0+$0xF0]  }
0x1a5: {  	v63 =	vadd.s32 s31, v7;
	[tilespmem:v9+s17+$0x0] =	vst.idx.msk $0xffff, v8;
	v13 =	vld [tilespmem:s0+$0xFFFFFF70]  }
0x1a6: {  	[tilespmem:v54+s17+$0x0] =	vst.idx.msk $0xffff, v10;
	v9 =	vadd.s32 s2, v7;
	v8 =	vld [tilespmem:s0+$0xFFFFFFF0]  }
0x1a7: {  	v62 =	vadd.s32 s12, v7;
	[tilespmem:v58+s17+$0x0] =	vst.idx.msk $0xffff, v57;
	v10 =	vld [tilespmem:s0+$0x70]  }
0x1a8: {  	[tilespmem:v60+s17+$0x0] =	vst.idx.msk $0xffff, v59  }
0x1a9: {  	[tilespmem:v61+s17+$0x0] =	vst.idx.msk $0xffff, v11  }
0x1aa: {  	[tilespmem:v63+s17+$0x0] =	vst.idx.msk $0xffff, v13  }
0x1ab: {  	[tilespmem:v9+s17+$0x0] =	vst.idx.msk $0xffff, v8  }
0x1ac: {  	s10 =	simm.s32 $0x6102;
	[tilespmem:v62+s17+$0x0] =	vst.idx.msk $0xffff, v10  }
0x1ad: {  	v8 =	vld [tilespmem:s10+$0x41]  }
0x1ae: {  	v9 =	vld [tilespmem:s10+$0xFFFFFFBF]  }
0x1af: {  	v10 =	vld [tilespmem:s10+$0x0]  }
0x1b0: {  	v11 =	vld [tilespmem:s10+$0xFFFFFF7E]  }
0x1b1: {  	s0 =	simm.s32 $0xA180  }
0x1b2: {  	[tilespmem:s0+$0x40] =	vst v8  }
0x1b3: {  	[tilespmem:s0+$0xFFFFFFC0] =	vst v9;
	v8 =	vld [tilespmem:s10+$0x51]  }
0x1b4: {  	[tilespmem:s0+$0x0] =	vst v10;
	v9 =	vld [tilespmem:s10+$0xFFFFFFCF]  }
0x1b5: {  	[tilespmem:s0+$0xFFFFFF80] =	vst v11;
	v10 =	vld [tilespmem:s10+$0x10]  }
0x1b6: {  	p2 =	por $0x1, $0x1;
	s1 =	simm.s32 $0xC0;
	v11 =	vld [tilespmem:s10+$0xFFFFFF8E]  }
.Ltmp11:
0x1b7: {  	s29 =	simm.s32 $0x40;
	s30 =	sor.u32 $0x50, s1;
	(pc) =	sbr.rel @!p2 .LBB2_16-.Ltmp11, $4  }
0x1b8: {  	s31 =	sor.u32 $0x50, s29;
	[tilespmem:s30+$0xA100] =	vst v8  }
0x1b9: {  	[tilespmem:s31+$0xA100] =	vst v9;
	v8 =	vld [tilespmem:s10+$0x61]  }
0x1ba: {  	p1 =	por $0x0, $0x0;
	[tilespmem:s0+$0x10] =	vst v10;
	v9 =	vld [tilespmem:s10+$0xFFFFFFDF]  }
0x1bb: {  	s28 =	sor.u32 $0x60, s29;
	s25 =	sor.u32 $0x70, s29;
	s2 =	simm.s32 $0x6206;
	[tilespmem:s0+$0xFFFFFF90] =	vst v11;
	v10 =	vld [tilespmem:s10+$0x20]  }
0x1bc: {  	v11 =	vld [tilespmem:s2+$0x41]  }
0x1bd: {  	s12 =	sor.u32 $0x60, s1;
	v12 =	vld [tilespmem:s2+$0xFFFFFFBF]  }
0x1be: {  	v13 =	vld [tilespmem:s2+$0xFFFFFF7E];
	[tilespmem:s12+$0xA100] =	vst v8  }
0x1bf: {  	[tilespmem:s28+$0xA100] =	vst v9;
	v9 =	vld [tilespmem:s2+$0x0]  }
0x1c0: {  	s12 =	simm.s32 $0xA280;
	v8 =	vld [tilespmem:s10+$0x71];
	[tilespmem:s0+$0x20] =	vst v10  }
0x1c1: {  	v10 =	vld [tilespmem:s10+$0xFFFFFF9E];
	[tilespmem:s12+$0x40] =	vst v11  }
0x1c2: {  	[tilespmem:s12+$0xFFFFFFC0] =	vst v12;
	v11 =	vld [tilespmem:s2+$0x51]  }
0x1c3: {  	[tilespmem:s12+$0xFFFFFF80] =	vst v13;
	v12 =	vld [tilespmem:s2+$0xFFFFFFCF]  }
0x1c4: {  	s31 =	sor.u32 $0x70, s1;
	v14 =	vld [tilespmem:s10+$0xFFFFFFEF];
	[tilespmem:s12+$0x0] =	vst v9  }
0x1c5: {  	s1 =	simm.s32 $0x1C0;
	[tilespmem:s31+$0xA100] =	vst v8;
	v13 =	vld [tilespmem:s2+$0x10]  }
0x1c6: {  	s29 =	simm.s32 $0x140;
	p2 =	por $0x1, $0x1;
	s26 =	sor.u32 $0x50, s1;
	v15 =	vld [tilespmem:s2+$0xFFFFFF8E];
	[tilespmem:s0+$0xFFFFFFA0] =	vst v10  }
.Ltmp12:
0x1c7: {  	s28 =	sor.u32 $0x50, s29;
	[tilespmem:s26+$0xA100] =	vst v11;
	v11 =	vld [tilespmem:s10+$0xFFFFFFAE];
	(pc) =	sbr.rel @!p2 .LBB2_18-.Ltmp12, $4  }
0x1c8: {  	[tilespmem:s28+$0xA100] =	vst v12;
	v8 =	vld [tilespmem:s2+$0x61]  }
0x1c9: {  	[tilespmem:s25+$0xA100] =	vst v14;
	v9 =	vld [tilespmem:s2+$0xFFFFFFDF]  }
0x1ca: {  	p1 =	por $0x1, $0x1;
	s25 =	sor.u32 $0x70, s29;
	v12 =	vld [tilespmem:s10+$0x30];
	[tilespmem:s12+$0x10] =	vst v13  }
0x1cb: {  	s26 =	simm.s32 $0x4;
	s28 =	sor.u32 $0x60, s29;
	[tilespmem:s12+$0xFFFFFF90] =	vst v15;
	s10 =	simm.s32 $0x630A;
	v10 =	vld [tilespmem:s2+$0x20]  }
.LBB2_19:
0x1cc: {  	v13 =	vld [tilespmem:s10+$0x41];
	s26 =	sadd.s32 $0x4, s26;
	s29 =	sor.u32 $0x60, s1;
	[tilespmem:s0+$0xFFFFFFB0] =	vst v11  }
0x1cd: {  	v11 =	vld [tilespmem:s10+$0xFFFFFFBF];
	p2 =	slt.u32 s26, $0x7C;
	[tilespmem:s29+$0xA100] =	vst v8  }
0x1ce: {  	[tilespmem:s28+$0xA100] =	vst v9;
	v8 =	vld [tilespmem:s2+$0x71]  }
0x1cf: {  	v9 =	vld [tilespmem:s10+$0x0];
	[tilespmem:s0+$0x30] =	vst v12;
	s0 =	smov.u32 s12  }
0x1d0: {  	s12 =	sadd.s32 $0x100, s12;
	v12 =	vld [tilespmem:s10+$0xFFFFFF7E];
	[tilespmem:s0+$0x20] =	vst v10  }
0x1d1: {  	[tilespmem:s12+$0x40] =	vst v13;
	v10 =	vld [tilespmem:s2+$0xFFFFFF9E]  }
0x1d2: {  	s28 =	sor.u32 $0x70, s1;
	[tilespmem:s12+$0xFFFFFFC0] =	vst v11;
	v11 =	vld [tilespmem:s10+$0x51]  }
0x1d3: {  	v13 =	vld [tilespmem:s10+$0xFFFFFFCF];
	[tilespmem:s28+$0xA100] =	vst v8  }
0x1d4: {  	s1 =	sadd.s32 $0x100, s1;
	[tilespmem:s12+$0x0] =	vst v9;
	v14 =	vld [tilespmem:s2+$0xFFFFFFEF]  }
0x1d5: {  	s29 =	sadd.s32 $0xFFFFFF80, s1;
	[tilespmem:s12+$0xFFFFFF80] =	vst v12;
	v12 =	vld [tilespmem:s10+$0x10]  }
0x1d6: {  	s30 =	sor.u32 $0x50, s1;
	s31 =	sor.u32 $0x50, s29;
	v15 =	vld [tilespmem:s10+$0xFFFFFF8E];
	[tilespmem:s0+$0xFFFFFFA0] =	vst v10  }
.Ltmp13:
0x1d7: {  	s28 =	sor.u32 $0x60, s29;
	s29 =	sor.u32 $0x70, s29;
	[tilespmem:s30+$0xA100] =	vst v11;
	v11 =	vld [tilespmem:s2+$0xFFFFFFAE];
	(pc) =	sbr.rel @p2 .LBB2_19-.Ltmp13, $4  }
0x1d8: {  	[tilespmem:s31+$0xA100] =	vst v13;
	v8 =	vld [tilespmem:s10+$0x61]  }
0x1d9: {  	v9 =	vld [tilespmem:s10+$0xFFFFFFDF];
	[tilespmem:s25+$0xA100] =	vst v14;
	s25 =	smov.u32 s29  }
0x1da: {  	[tilespmem:s12+$0x10] =	vst v12;
	v12 =	vld [tilespmem:s2+$0x30];
	s2 =	smov.u32 s10  }
0x1db: {  	s10 =	sadd.s32 $0x104, s10;
	[tilespmem:s12+$0xFFFFFF90] =	vst v15;
	v10 =	vld [tilespmem:s2+$0x20]  }
.Ltmp14:
0x1dc: {  	(pc) =	sbr.rel .LBB2_21-.Ltmp14, $2  }
0x1dd: {  	_ =	sdelay $0x2  }
0x1de: {  	s26 =	smov.u32 s0;
	s10 =	smov.u32 s2;
	s0 =	smov.u32 s12  }
.LBB2_6:
.Ltmp15:
0x1df: {  	(pc) =	sbr.rel .LBB2_11-.Ltmp15, $2  }
0x1e0: {  	_ =	sdelay $0x2  }
0x1e1: {  	_ = 	snop  }
.LBB2_8:
.Ltmp16:
0x1e2: {  	(pc) =	sbr.rel .LBB2_11-.Ltmp16, $2  }
0x1e3: {  	_ =	sdelay $0x2  }
0x1e4: {  	s25 =	simm.s32 $0x8180;
	s10 =	simm.s32 $0x4186;
	s0 =	simm.s32 $0x8280  }
.LBB2_18:
.Ltmp17:
0x1e5: {  	(pc) =	sbr.rel .LBB2_21-.Ltmp17, $2  }
0x1e6: {  	_ =	sdelay $0x2  }
0x1e7: {  	s26 =	simm.s32 $0xA180;
	s10 =	simm.s32 $0x6206;
	s0 =	simm.s32 $0xA280  }
.LBB2_24:
0x1e8: {  	_ =	sfence.sel $0x180000  }
0x1e9: {  	[bflag:$0x0] =	sbarrier.arrive $0xFFFF  }
0x1ea: {  	_ =	strace $0x90000047  }
0x1eb: {  	s0 =	stileid.u32;
	[bflag:$0x2] =	sbarrier.arrive $0xFFFF  }
0x1ec: {  	p0 =	sne.s32 s0, $0x0;
	s0 =	rddreg [dreg:$0x3]  }
0x1ed: {  	s0 =	sadd.s32 @!p0 $0x100000, s0  }
0x1ee: {  	[sflag:s0] =	ssyncadd.tile.s32 @!p0 $0x1;
	_ =	shalt  }
.Lfunc_end2:
_tile_overlayer_lowered:
.L_overlay_start_2:
0x1ef: {  	(tag) =	ssettag $0x2  }
0x1f0: {  	s0 =	rddreg [dreg:$0x0];
	s2 =	stileid.u32  }
0x1f1: {  	s1 =	rddreg [dreg:$0x1];
	p0 =	sne.s32 s2, $0x0  }
0x1f2: {  	s3 =	rddreg [dreg:$0x2];
	[bflag:$0x3] =	sbarrier.arrive $0xFFFF;
	s2 =	simm.s32 @!p0 $0x1C05  }
0x1f3: {  	[timem:s3], [sflag:s2] =	dma.local @!p0 [hbm:s0], s1  }
0x1f4: {  	s0 =	simm.s32 @!p0 $0x5  }
0x1f5: {  	_ =	swait.ge @!p0 [sflag:s0], s1  }
0x1f6: {  	s1 =	ssub.s32 @!p0 $0x0, s1;
	[sflag:s0] =	ssyncset.done @!p0 $0x0  }
0x1f7: {  	[sflag:s0] =	ssyncadd.s32 @!p0 s1  }
0x1f8: {  	[bflag:$0x3] =	sbarrier.arrive $0xFFFF  }
0x1f9: {  	_ =	shalt  }

// kernel: kernel.7.cloned.1.call-start
scs
__scs_entry_jumppad:
0x0: {  	(pc) =	sbr.rel $0x88, $3  }
0x1: {  	(tag) =	ssettag $0x0;
	lr =	simm.s32 $0x1  }
0x2: {  	[smem:$0x3F9E] =	sst lr;
	_ =	strace $0xD0000000  }
0x3: {  	_ = 	snop  }
0x4: {  	_ = 	snop  }
0x5: {  	_ = 	snop  }
0x6: {  	_ = 	snop  }
0x7: {  	_ = 	snop  }
__scs_overlays_trampoline_lowered:
0x8: {  	[smem:$0x3FAD] =	sst s0  }
0x9: {  	[smem:$0x3FAE] =	sst s1  }
0xa: {  	[smem:$0x3FAF] =	sst s2  }
0xb: {  	[smem:$0x3FB0] =	sst s3  }
0xc: {  	[smem:$0x3FB1] =	sst s4  }
0xd: {  	[smem:$0x3FB2] =	sst s5  }
0xe: {  	[smem:$0x3FB3] =	sst s6  }
0xf: {  	[smem:$0x3FB4] =	sst s7  }
0x10: {  	[smem:$0x3FB5] =	sst s8  }
0x11: {  	[smem:$0x3FB6] =	sst s9;
	s0 =	simm.s32 @!p0 $0x0  }
0x12: {  	s1 =	sld [smem:$0x3F9C];
	s0 =	simm.s32 @p0 $0x1  }
0x13: {  	[smem:$0x3FB7] =	sst s0;
	s0 =	simm.s32 @!p1 $0x0  }
0x14: {  	s2 =	sld [smem:$0x3F9B];
	s0 =	simm.s32 @p1 $0x1  }
0x15: {  	[smem:$0x3FB8] =	sst s0;
	s0 =	simm.s32 @!p2 $0x0  }
0x16: {  	s3 =	sld [smem:$0x3FDB];
	s0 =	simm.s32 @p2 $0x1  }
0x17: {  	s4 =	simm.s32 $0x1BF5;
	[smem:$0x3FBA] =	sst s0  }
0x18: {  	s0 =	sld [smem:$0x3F9D];
	_ =	swait.ge [sflag:s4], $0x0  }
0x19: {  	s7 =	sld [smem:$0x3F9E]  }
0x1a: {  	s8 =	sadd.s32 $0xFFFFE003, lr  }
0x1b: {  	s9 =	sadd.s32 $0xFFFFFEF7, lr;
	s5 =	simm.s32 $0xFFFFFFFF;
	p2 =	slt.u32 s8, $0xFFFFF086  }
0x1c: {  	p1 =	slt.u32 s9, $0xF7A;
	s5 =	simm.s32 @!p2 $0x0  }
0x1d: {  	s5 =	simm.s32 @p1 $0x1;
	p0 =	seq.s32 s7, s2  }
0x1e: {  	s7 =	smul.u32 @!p0 $0xF7A, s2;
	p2 =	seq.s32 @!p0 s5, $0x0  }
0x1f: {  	s9 =	smul.u32 $0xF7A, s1;
	s8 =	simm.s32 @!p0 $0x1BF5;
	p2 =	por !p2, p0  }
0x20: {  	[sflag:s8] =	ssyncset.s32 @!p0 $0xFFFFF086;
	s6 =	sadd.s32 @!p0 s3, s7;
	s7 =	simm.s32 @!p0 $0x108  }
0x21: {  	s3 =	sadd.s32 s3, s9;
	s6 =	sadd.s32 @!p0 $0x88, s6;
	s7 =	simm.s32 @p2 $0x1082  }
0x22: {  	[simem:s7], [sflag:s8] =	dma.local @!p0 [hbm:s6], $0xF7A  }
0x23: {  	s9 =	sor.u32 $0xD0000000, s2;
	s6 =	simm.s32 $0x108;
	_ =	swait.ge @!p0 [sflag:s8], $0x0  }
0x24: {  	s3 =	sadd.s32 $0x88, s3;
	s6 =	simm.s32 @!p1 $0x1082;
	[sflag:s4] =	ssyncset.s32 $0xFFFFF086  }
0x25: {  	[simem:s6], [sflag:s4] =	dma.local [hbm:s3], $0xF7A  }
0x26: {  	[smem:$0x3F9E] =	sst s1;
	(tag) =	ssettag s2;
	_ =	strace s9  }
0x27: {  	s1 =	sld [smem:$0x3FAE]  }
0x28: {  	s2 =	sld [smem:$0x3FAF]  }
0x29: {  	s4 =	sld [smem:$0x3FB1]  }
0x2a: {  	p0 =	seq.s32 s5, $0x0;
	s5 =	sld [smem:$0x3FB2]  }
0x2b: {  	s6 =	sld [smem:$0x3FB3]  }
0x2c: {  	s7 =	sld [smem:$0x3FB4]  }
0x2d: {  	s3 =	simm.s32 $0x108;
	s8 =	sld [smem:$0x3FB5]  }
0x2e: {  	s3 =	simm.s32 @!p0 $0x1082;
	s9 =	sld [smem:$0x3FB6]  }
0x2f: {  	lr =	sadd.s32 s0, s3;
	s0 =	sld [smem:$0x3FAD]  }
0x30: {  	s3 =	sld [smem:$0x3FB0]  }
0x31: {  	[smem:$0x3FB9] =	sst s10  }
0x32: {  	s10 =	sld [smem:$0x3FB7];
	_ =	sdelay $0x3  }
0x33: {  	p0 =	seq.s32 s10, $0x1;
	s10 =	sld [smem:$0x3FB9];
	_ =	sdelay $0x3  }
0x34: {  	[smem:$0x3FB9] =	sst s10  }
0x35: {  	s10 =	sld [smem:$0x3FB8];
	_ =	sdelay $0x3  }
0x36: {  	p1 =	seq.s32 s10, $0x1;
	s10 =	sld [smem:$0x3FB9];
	_ =	sdelay $0x3  }
0x37: {  	[smem:$0x3FB9] =	sst s10  }
0x38: {  	s10 =	sld [smem:$0x3FBA]  }
0x39: {  	_ = 	snop;
	(pc) =	sbr.ind lr, $3  }
0x3a: {  	_ = 	snop  }
0x3b: {  	_ = 	snop  }
0x3c: {  	p2 =	seq.s32 s10, $0x1;
	s10 =	sld [smem:$0x3FB9]  }
0x3d: {  	_ =	shalt  }
0x3e: {  	_ =	shalt  }
0x3f: {  	_ =	shalt  }
0x40: {  	_ =	shalt  }
0x41: {  	_ =	shalt  }
0x42: {  	_ =	shalt  }
0x43: {  	_ =	shalt  }
0x44: {  	_ =	shalt  }
0x45: {  	_ =	shalt  }
0x46: {  	_ =	shalt  }
0x47: {  	_ =	shalt  }
0x48: {  	_ =	shalt  }
0x49: {  	_ =	shalt  }
0x4a: {  	_ =	shalt  }
0x4b: {  	_ =	shalt  }
0x4c: {  	_ =	shalt  }
0x4d: {  	_ =	shalt  }
0x4e: {  	_ =	shalt  }
0x4f: {  	_ =	shalt  }
0x50: {  	_ =	shalt  }
0x51: {  	_ =	shalt  }
0x52: {  	_ =	shalt  }
0x53: {  	_ =	shalt  }
0x54: {  	_ =	shalt  }
0x55: {  	_ =	shalt  }
0x56: {  	_ =	shalt  }
0x57: {  	_ =	shalt  }
0x58: {  	_ =	shalt  }
0x59: {  	_ =	shalt  }
0x5a: {  	_ =	shalt  }
0x5b: {  	_ =	shalt  }
0x5c: {  	_ =	shalt  }
0x5d: {  	_ =	shalt  }
0x5e: {  	_ =	shalt  }
0x5f: {  	_ =	shalt  }
0x60: {  	_ =	shalt  }
0x61: {  	_ =	shalt  }
0x62: {  	_ =	shalt  }
0x63: {  	_ =	shalt  }
0x64: {  	_ =	shalt  }
0x65: {  	_ =	shalt  }
0x66: {  	_ =	shalt  }
0x67: {  	_ =	shalt  }
0x68: {  	_ =	shalt  }
0x69: {  	_ =	shalt  }
0x6a: {  	_ =	shalt  }
0x6b: {  	_ =	shalt  }
0x6c: {  	_ =	shalt  }
0x6d: {  	_ =	shalt  }
0x6e: {  	_ =	shalt  }
0x6f: {  	_ =	shalt  }
0x70: {  	_ =	shalt  }
0x71: {  	_ =	shalt  }
0x72: {  	_ =	shalt  }
0x73: {  	_ =	shalt  }
0x74: {  	_ =	shalt  }
0x75: {  	_ =	shalt  }
0x76: {  	_ =	shalt  }
0x77: {  	_ =	shalt  }
0x78: {  	_ =	shalt  }
0x79: {  	_ =	shalt  }
0x7a: {  	_ =	shalt  }
0x7b: {  	_ =	shalt  }
0x7c: {  	_ =	shalt  }
0x7d: {  	_ =	shalt  }
0x7e: {  	_ =	shalt  }
0x7f: {  	_ =	shalt  }
0x80: {  	_ =	shalt  }
0x81: {  	_ =	shalt  }
0x82: {  	_ =	shalt  }
0x83: {  	_ =	shalt  }
0x84: {  	_ =	shalt  }
0x85: {  	_ =	shalt  }
0x86: {  	_ =	shalt  }
0x87: {  	_ =	shalt  }
.Lfunc_end0:
.L_simem_size_0:
called_computation.1_lowered:
.L_overlay_start_0:
0x88: {  	s2 =	sld [smem:$0x3FD9]  }
0x89: {  	s3 =	sld [smem:$0x3FFE];
	_ =	sdelay $0x1  }
0x8a: {  	s1 =	srdreg.scid  }
0x8b: {  	s0 =	sand.u32 $0x1, s1  }
0x8c: {  	s17 =	sshll.u32 s0, $0xA;
	s2 =	sadd.s32 s3, s2  }
0x8d: {  	s2 =	sadd.s32 s2, s17  }
0x8e: {  	[smem:$0x3FC5] =	sst s2  }
0x8f: {  	_ = 	snop  }
0x90: {  	s2 =	sld [smem:$0x3FD0];
	(tm) =	ssettm $0x1  }
0x91: {  	s18 =	sld [smem:$0x3FFB];
	_ =	sdelay $0x3  }
0x92: {  	_ =	strace s18  }
0x93: {  	s3 =	sld [smem:$0x3FFC];
	_ =	sdelay $0x3  }
0x94: {  	_ =	strace s3  }
0x95: {  	s3 =	sld [smem:$0x3FFD];
	_ =	sdelay $0x3  }
0x96: {  	_ =	strace s3  }
0x97: {  	_ =	strace $0x8FFFFFFF  }
0x98: {  	s19 =	sld [smem:$0x3FDB];
	_ =	sdelay $0x1  }
0x99: {  	s4 =	simm.s32 $_scs_section_size  }
0x9a: {  	s5 =	simm.s32 $_size__tile_overlayer_lowered;
	s6 =	simm.s32 $_tile_overlayer_lowered  }
0x9b: {  	s22 =	simm.s32 $0x1BFF;
	s21 =	sshll.u32 s6, $0x1;
	s3 =	sadd.s32 s4, s19  }
0x9c: {  	s7 =	simm.s32 $0x0;
	s20 =	sshll.u32 s5, $0x1;
	s5 =	sadd.s32 s21, s3  }
0x9d: {  	[timem:s7], [sflag:s22] =	dma.local [hbm:s5], s20  }
0x9e: {  	_ =	swait.ge [sflag:s22], s20  }
0x9f: {  	s4 =	ssub.s32 $0x0, s20;
	[sflag:s22] =	ssyncset.done $0x0  }
0xa0: {  	[sflag:s22] =	ssyncadd.s32 s4;
	_ =	sdelay $0x1  }
0xa1: {  	s23 =	simm.s32 $0x1B8B  }
0xa2: {  	_ =	swait.ge [sflag:s23], $0x1  }
0xa3: {  	[sflag:s23] =	ssyncset.done $0x0  }
0xa4: {  	s25 =	simm.s32 $0x1B8E;
	s24 =	sld [smem:$0x3FFE];
	[sflag:s23] =	ssyncadd.s32 $0xFFFFFFFF  }
0xa5: {  	s26 =	simm.s32 $execute0_lowered;
	[smem:$0x3FD2] =	sst s25  }
0xa6: {  	s5 =	sshll.u32 s26, $0x1;
	_ =	strace $0x80000049;
	[dreg:$0x1] =	wrdreg $0xFFFFFFFF  }
0xa7: {  	s28 =	simm.s32 $_size_execute0_lowered;
	s3 =	sadd.s32 s3, s5;
	[dreg:$0x0] =	wrdreg $0x0  }
0xa8: {  	s5 =	sshll.u32 s28, $0x1;
	[dreg:$0x2] =	wrdreg s3  }
0xa9: {  	[dreg:$0x3] =	wrdreg s5  }
0xaa: {  	[dreg:$0x4] =	wrdreg $0xC0  }
0xab: {  	_ =	task [dreg:s7], $0x5FFFF  }
0xac: {  	[dreg:$0x1] =	wrdreg $0xFFFFFFFF  }
0xad: {  	[dreg:$0x0] =	wrdreg $0x60  }
0xae: {  	[dreg:$0x2] =	wrdreg s24  }
0xaf: {  	[dreg:$0x3] =	wrdreg s2  }
0xb0: {  	[dreg:$0x4] =	wrdreg $0x9  }
0xb1: {  	_ =	task.clear_ibuf [dreg:s7], $0x5FFFF;
	_ =	strace $0x90000049  }
0xb2: {  	s29 =	simm.s32 $0x9;
	_ =	strace $0x8000004B  }
0xb3: {  	_ =	swait.ge [sflag:s29], $0x1  }
0xb4: {  	[sflag:s29] =	ssyncadd.s32 $0xFFFFFFFF  }
0xb5: {  	_ =	strace $0x9000004B  }
0xb6: {  	_ =	sfence  }
0xb7: {  	s30 =	sld [smem:$0x0];
	_ =	sdelay $0x2  }
0xb8: {  	s31 =	sshll.u32 s1, $0xD;
	s1 =	sshrl.u32 s1, $0x2  }
0xb9: {  	s3 =	sand.u32 $0x4000, s31;
	s1 =	sadd.s32 s1, s30  }
0xba: {  	s0 =	sor.u32 s3, s0;
	s1 =	sshll.u32 s1, $0x11  }
0xbb: {  	s0 =	sor.u32 s1, s0  }
0xbc: {  	s0 =	sadd.s32 $0x8F2B, s0  }
0xbd: {  	[sflag:s0] =	ssyncadd.remote.s32 $0x1  }
0xbe: {  	_ =	sfence.sel $0xFFFF  }
0xbf: {  	[dreg:$0x0] =	wrdreg $0xFFFFFFFF;
	(pc) =	sbr.abs _section_cstart, $3  }
0xc0: {  	[dreg:$0x1] =	wrdreg $0xFFFFFFFF  }
0xc1: {  	_ =	task.clear_ibuf [dreg:s7], $0x2FFFF;
	_ =	strace $0x9FFFFFFF  }
0xc2: {  	(tm) =	ssettm $0x7FFFFFFF  }
0xc3: {  	_ =	shalt  }
tec
execute0_lowered:
.L_overlay_start_1:
0x0: {  	(tag) =	ssettag $0x1  }
0x1: {  	v0 =	vlaneseq.u32  }
0x2: {  	s0 =	rddreg [dreg:$0x0];
	s2 =	simm.s32 $0x0;
	v25 =	vmul.u32 $0x88, v0  }
0x3: {  	vm0 =	vcmask $0x300;
	[smem:$0x7FF] =	sst s2;
	v0 =	vimm.s32 $0x0  }
0x4: {  	s1 =	rddreg [dreg:$0x1];
	_ =	strace $0x8000004A;
	v1 =	vsel vm0, $0x3, v0;
	v0 =	vadd.s32 $0x1983, v25;
	[tilespmem:$0x1FFD0] =	vst v25  }
0x5: {  	v4 =	vadd.s32 $0x1980, v25;
	[tilespmem:$0x1FE10] =	vst v0  }
0x6: {  	v18 =	vadd.s32 $0x882, v25;
	[tilespmem:$0x1FE70] =	vst v4  }
0x7: {  	v3 =	vadd.s32 $0x1982, v25;
	[tilespmem:$0x1FE80] =	vst v18  }
0x8: {  	v15 =	vor.u32 $0x3, v25;
	[tilespmem:$0x1FE90] =	vst v3  }
0x9: {  	v19 =	vadd.s32 $0x883, v25;
	[tilespmem:$0x1FEA0] =	vst v15  }
0xa: {  	v20 =	vadd.s32 $0x1103, v25;
	[tilespmem:$0x1FEB0] =	vst v19  }
0xb: {  	v23 =	vadd.s32 $0x1981, v25;
	[tilespmem:$0x1FEC0] =	vst v20  }
0xc: {  	v26 =	vor.u32 $0x4, v25;
	[tilespmem:$0x1FED0] =	vst v23  }
0xd: {  	v24 =	vor.u32 $0x2, v25;
	[tilespmem:$0x1FEE0] =	vst v26  }
0xe: {  	v30 =	vor.u32 $0x5, v25;
	[tilespmem:$0x1FEF0] =	vst v24  }
0xf: {  	v29 =	vadd.s32 $0x885, v25;
	[tilespmem:$0x1FF00] =	vst v30  }
0x10: {  	v31 =	vadd.s32 $0x1105, v25;
	[tilespmem:$0x1FF10] =	vst v29  }
0x11: {  	v47 =	vor.u32 $0x6, v25;
	[tilespmem:$0x1FF20] =	vst v31  }
0x12: {  	v51 =	vadd.s32 $0x886, v25;
	[tilespmem:$0x1FF30] =	vst v47  }
0x13: {  	v57 =	vadd.s32 $0x1106, v25;
	[tilespmem:$0x1FF40] =	vst v51  }
0x14: {  	v38 =	vor.u32 $0x7, v25;
	[tilespmem:$0x1FF50] =	vst v57  }
0x15: {  	v28 =	vadd.s32 $0x887, v25;
	[tilespmem:$0x1FF60] =	vst v38  }
0x16: {  	v32 =	vadd.s32 $0x1101, v25;
	[tilespmem:$0x1FF70] =	vst v28  }
0x17: {  	v45 =	vadd.s32 $0x880, v25;
	[tilespmem:$0x1FF80] =	vst v32  }
0x18: {  	v49 =	vadd.s32 $0x1100, v25;
	[tilespmem:$0x1FF90] =	vst v45  }
0x19: {  	s3 =	srdreg.scid;
	s6 =	stileid.u32;
	s14 =	simm.s32 $0x5;
	v39 =	vadd.s32 $0x881, v25;
	[tilespmem:$0x1FFA0] =	vst v49  }
0x1a: {  	s15 =	simm.s32 $0x80;
	s17 =	simm.s32 $0x1;
	s18 =	simm.s32 $0x2100;
	v27 =	vadd.s32 $0x884, v25;
	[tilespmem:$0x1FFB0] =	vst v39  }
0x1b: {  	s19 =	simm.s32 $0x4100;
	s20 =	simm.s32 $0x2;
	s21 =	simm.s32 $0x6300;
	v53 =	vadd.s32 $0x1104, v25;
	[tilespmem:$0x1FFC0] =	vst v27  }
0x1c: {  	s22 =	simm.s32 $0x3;
	s23 =	simm.s32 $0x4;
	s24 =	simm.s32 $0x0;
	v62 =	vor.u32 $0x1, v25;
	[tilespmem:$0x1FFE0] =	vst v53  }
0x1d: {  	s4 =	sadd.s32 $0x7A2600, s0;
	s5 =	sadd.s32 $0xC00, s0;
	s3 =	sand.u32 $0x1, s3;
	v0 =	vadd.s32 $0x1984, v25;
	[tilespmem:$0x1FFF0] =	vst v62  }
0x1e: {  	s7 =	sshll.u32 s6, $0x1;
	s30 =	sadd.s32 $0x7A1E00, s0;
	s8 =	ssub.s32 $0x2, s3;
	[tilespmem:$0x1FE20] =	vst v0;
	v0 =	vadd.s32 $0x1985, v25  }
0x1f: {  	[dreg:$0x3] =	wrdreg s30;
	s3 =	sor.u32 s3, s7;
	s9 =	sshrl.u32 s8, $0x1;
	[tilespmem:$0x1FE30] =	vst v0;
	v0 =	vadd.s32 $0x1986, v25  }
0x20: {  	s7 =	sshll.u32 s3, $0x7;
	s10 =	sshll.u32 s3, $0x4;
	s11 =	sshll.u32 s3, $0xA;
	[tilespmem:$0x1FE40] =	vst v0;
	v0 =	vadd.s32 $0x1107, v25  }
0x21: {  	s12 =	ssub.s32 s8, s9;
	s31 =	sadd.s32 s4, s10;
	s9 =	sor.u32 $0x2000, s7;
	[tilespmem:$0x1FE50] =	vst v0;
	v0 =	vadd.s32 $0x1987, v25  }
0x22: {  	v22 =	vadd.s32 $0x1102, v25;
	s10 =	sadd.s32 $0x7A2800, s0;
	[dreg:$0x4] =	wrdreg s31;
	s12 =	smax.u32 s12, $0x1;
	[tilespmem:$0x1FE60] =	vst v0  }
.LBB2_1:
0x23: {  	s0 =	rddreg [dreg:$0x3];
	s3 =	simm.s32 $0x8500  }
0x24: {  	[tilespmem:s3], [sflag:$0x5] =	stream.linear.gather [hbm4b:s0+s2], $0x3200, $0x38;
	[tilespmem:$0xB700] =	vst v63  }
0x25: {  	_ =	swait.ge [sflag:s14], $0x3200  }
0x26: {  	[sflag:s14] =	ssyncset.done $0x0  }
0x27: {  	s30 =	rddreg [dreg:$0x4];
	[sflag:s14] =	ssyncadd.s32 $0xFFFFCE00  }
0x28: {  	[tilespmem:s2], [sflag:$0x5] =	stream.linear.gather [hbm4b:s30+s2], $0x80, $0x38;
	[tilespmem:$0xB700] =	vst v63  }
0x29: {  	_ =	swait.ge [sflag:s14], $0x80  }
0x2a: {  	[sflag:s14] =	ssyncset.done $0x0  }
0x2b: {  	s31 =	simm.s32 $0x100;
	s25 =	simm.s32 $0x0;
	[sflag:s14] =	ssyncadd.s32 $0xFFFFFF80  }
0x2c: {  	[tilespmem:s31], [sflag:$0x1] =	stream.indirect.gather [hbm4b:s5+s15], $0x40, s2, s15, $0xb8;
	[tilespmem:$0xB700] =	vst v63  }
.LBB2_2:
0x2d: {  	s26 =	sshll.u32 s25, $0xD  }
0x2e: {  	_ =	swait.ge [sflag:s17], $0x2000;
	s0 =	sor.u32 s7, s26  }
0x2f: {  	[sflag:s17] =	ssyncset.done $0x0;
	s0 =	sshrl.u32 s0, $0x3  }
0x30: {  	[sflag:s17] =	ssyncadd.s32 $0xFFFFE000;
	s0 =	sadd.s32 s0, s10  }
0x31: {  	[tilespmem:s15], [sflag:$0x5] =	stream.linear.gather [hbm4b:s0+s2], $0x80, $0x38;
	[tilespmem:$0xB700] =	vst v63  }
0x32: {  	_ =	swait.ge [sflag:s14], $0x80  }
0x33: {  	p0 =	seq.s32 s25, $0x0;
	[sflag:s14] =	ssyncset.done $0x0  }
0x34: {  	s0 =	simm.s32 @!p0 $0x3;
	[sflag:s14] =	ssyncadd.s32 $0xFFFFFF80  }
0x35: {  	[tilespmem:s18], [sflag:$0x2] =	stream.indirect.gather [hbm4b:s5+s15], $0x40, s15, s15, $0xb8;
	[tilespmem:$0xB700] =	vst v63  }
0x36: {  	s28 =	simm.s32 $0x7;
	s16 =	simm.s32 $0x4;
	_ =	swait.ge @!p0 [sflag:s0], $0x2000  }
0x37: {  	s13 =	sshll.u32 s25, $0x7;
	v2 =	vmov s28;
	s28 =	simm.s32 $0x1;
	v3 =	vmov s16;
	[sflag:s0] =	ssyncset.done @!p0 $0x0  }
0x38: {  	s30 =	simm.s32 $0x2;
	v5 =	vmov s28;
	v3 =	vshrl.u32 v3, $0x3;
	[sflag:s0] =	ssyncadd.s32 @!p0 $0xFFFFE000;
	s0 =	sand.u32 $0x3FFFFF80, s13  }
0x39: {  	v6 =	vmov s30;
	s30 =	simm.s32 $0x200;
	v5 =	vshrl.u32 v5, $0x3;
	v3 =	vshll.u32 v3, v1;
	v36 =	vld [tilespmem:s0+$0x8500]  }
0x3a: {  	v6 =	vshrl.u32 v6, $0x3;
	v5 =	vshll.u32 v5, v1;
	v44 =	vbroadcast v3, $0x0;
	v7 =	vld [tilespmem:s30+$0x0]  }
0x3b: {  	s6 =	simm.s32 $0x3;
	v6 =	vshll.u32 v6, v1;
	v5 =	vbroadcast v5, $0x0  }
0x3c: {  	v3 =	vmov s6;
	v37 =	vbroadcast v6, $0x0;
	v6 =	vadd.s32 v26, v44;
	v35 =	vld [tilespmem:s0+$0x8510]  }
0x3d: {  	v3 =	vshrl.u32 v3, $0x3;
	v11 =	vadd.s32 v23, v5;
	v8 =	vld [tilespmem:s30+$0xFFFFFF40]  }
0x3e: {  	v3 =	vshll.u32 v3, v1;
	v9 =	vld [tilespmem:s30+$0xFFFFFF80];
	[tilespmem:$0x1FDA0] =	vst v11  }
0x3f: {  	s3 =	simm.s32 $0x0;
	v10 =	vadd.s32 v62, v5;
	v56 =	vbroadcast v3, $0x0;
	v11 =	vld [tilespmem:s30+$0xFFFFFFC0];
	v7 =	vadd.f32 v7, v36  }
0x40: {  	s29 =	simm.s32 $0x5;
	v0 =	vmov s3;
	v12 =	vadd.s32 v24, v37;
	v34 =	vld [tilespmem:s0+$0x8520]  }
0x41: {  	v4 =	vmov s29;
	v0 =	vshrl.u32 v0, $0x3;
	v15 =	vadd.s32 v15, v56;
	v33 =	vld [tilespmem:s0+$0x8530];
	[tilespmem:v6+s19+$0x0] =	vst.idx.msk $0xffff, v7  }
0x42: {  	v2 =	vshrl.u32 v2, $0x3;
	v17 =	vshll.u32 v0, v1;
	v0 =	vadd.f32 v8, v36;
	v6 =	vld [tilespmem:s30+$0x10]  }
0x43: {  	v4 =	vshrl.u32 v4, $0x3;
	v2 =	vshll.u32 v2, v1;
	v9 =	vadd.f32 v9, v36  }
0x44: {  	v4 =	vshll.u32 v4, v1;
	v13 =	vld [tilespmem:s30+$0xC0];
	[tilespmem:v10+s19+$0x0] =	vst.idx.msk $0xffff, v0;
	v7 =	vadd.f32 v11, v36  }
0x45: {  	s8 =	simm.s32 $0x6;
	v55 =	vbroadcast v4, $0x0;
	v50 =	vbroadcast v2, $0x0;
	[tilespmem:v12+s19+$0x0] =	vst.idx.msk $0xffff, v9;
	v4 =	vld [tilespmem:s30+$0xFFFFFF50]  }
0x46: {  	v21 =	vmov v32;
	v32 =	vmov v38;
	v14 =	vmov s8;
	v10 =	vld [tilespmem:s30+$0xFFFFFF90];
	[tilespmem:v15+s19+$0x0] =	vst.idx.msk $0xffff, v7  }
0x47: {  	v2 =	vadd.s32 v20, v56;
	v15 =	vadd.s32 v38, v50;
	v38 =	vadd.f32 v6, v35;
	v6 =	vmovc v20;
	v20 =	vld [tilespmem:$0x1FE50]  }
0x48: {  	v3 =	vld [tilespmem:s30+$0xFFFFFF00];
	v8 =	vshrl.u32 v14, $0x3  }
0x49: {  	v54 =	vbroadcast v17, $0x0;
	v17 =	vadd.s32 v18, v37;
	v16 =	vld [tilespmem:s30+$0x80];
	v8 =	vshll.u32 v8, v1  }
0x4a: {  	v14 =	vld [tilespmem:s30+$0x40];
	v52 =	vbroadcast v8, $0x0;
	v8 =	vadd.f32 v13, v36  }
0x4b: {  	v9 =	vadd.s32 v39, v5;
	v0 =	vmov v39;
	v13 =	vld [tilespmem:s30+$0xFFFFFFD0];
	[tilespmem:$0x1FDC0] =	vst v2;
	v2 =	vadd.s32 v31, v55  }
0x4c: {  	[tilespmem:$0x1FDE0] =	vst v2;
	v39 =	vadd.f32 v4, v35;
	v4 =	vadd.f32 v10, v35;
	v2 =	vadd.s32 v20, v50  }
0x4d: {  	v7 =	vadd.s32 v47, v52;
	[tilespmem:$0x1FDB0] =	vst v2  }
0x4e: {  	s29 =	simm.s32 $0x9;
	s28 =	simm.s32 $0x400;
	v40 =	vadd.s32 v30, v55;
	v2 =	vadd.s32 v57, v52;
	[tilespmem:v17+s19+$0x0] =	vst.idx.msk $0xffff, v4  }
0x4f: {  	v59 =	vmov s29;
	v11 =	vadd.s32 v27, v44;
	v48 =	vld [tilespmem:s28+$0xFFFFFF40];
	[tilespmem:$0x1FDD0] =	vst v2;
	v2 =	vadd.s32 v49, v54  }
0x50: {  	v59 =	vshrl.u32 v59, $0x3;
	v16 =	vadd.f32 v16, v36;
	[tilespmem:$0x1FDF0] =	vst v2  }
0x51: {  	v63 =	vshll.u32 v59, v1;
	v46 =	vadd.s32 v45, v54;
	v14 =	vadd.f32 v14, v36;
	v49 =	vld [tilespmem:s30+$0xFFFFFFA0]  }
0x52: {  	s16 =	simm.s32 $0xF;
	v43 =	vadd.s32 v19, v56;
	v19 =	vmov v45;
	v45 =	vadd.s32 v21, v5;
	v5 =	vld [tilespmem:s28+$0x80];
	[tilespmem:v7+s19+$0x0] =	vst.idx.msk $0xffff, v16  }
0x53: {  	s8 =	simm.s32 $0xA;
	v58 =	vmov s16;
	s6 =	simm.s32 $0xC;
	v41 =	vadd.s32 v25, v54;
	v21 =	vmovc v51;
	v3 =	vadd.f32 v3, v36;
	v60 =	vld [tilespmem:s28+$0xFFFFFF80];
	[tilespmem:v40+s19+$0x0] =	vst.idx.msk $0xffff, v14  }
0x54: {  	v12 =	vmovc v27;
	v27 =	vmovc v18;
	v42 =	vadd.s32 v51, v52;
	v7 =	vmov s6;
	v16 =	vmov s8;
	[tilespmem:v11+s19+$0x0] =	vst.idx.msk $0xffff, v38;
	v59 =	vld [tilespmem:s30+$0x90]  }
0x55: {  	v18 =	vmovc v47;
	v47 =	vadd.s32 v22, v37;
	[tilespmem:v15+s19+$0x0] =	vst.idx.msk $0xffff, v8;
	v16 =	vshrl.u32 v16, $0x3;
	v7 =	vshrl.u32 v7, $0x3;
	v11 =	vld [tilespmem:s30+$0x50]  }
0x56: {  	v51 =	vbroadcast v63, $0x0;
	[tilespmem:v9+s19+$0x0] =	vst.idx.msk $0xffff, v39;
	v57 =	vld [tilespmem:s30+$0xD0];
	v14 =	vshll.u32 v16, v1;
	v7 =	vshll.u32 v7, v1  }
0x57: {  	v13 =	vadd.f32 v13, v35;
	v16 =	vld [tilespmem:s30+$0xFFFFFF60];
	v39 =	vbroadcast v14, $0x0;
	v40 =	vbroadcast v7, $0x0  }
0x58: {  	v14 =	vadd.f32 v49, v34;
	v49 =	vshrl.u32 v58, $0x3;
	v58 =	vadd.s32 v62, v51;
	v62 =	vld [tilespmem:s28+$0x0]  }
0x59: {  	s13 =	simm.s32 $0x8;
	v17 =	vadd.s32 v53, v44;
	[tilespmem:v41+s19+$0x0] =	vst.idx.msk $0xffff, v3;
	v7 =	vld [tilespmem:s28+$0xFFFFFF00]  }
0x5a: {  	v53 =	vmov s13;
	[tilespmem:v43+s19+$0x0] =	vst.idx.msk $0xffff, v13;
	v8 =	vadd.s32 v26, v40;
	v3 =	vadd.f32 v60, v36;
	v60 =	vld [tilespmem:s30+$0xFFFFFF10]  }
0x5b: {  	v0 =	vadd.s32 v0, v51;
	v13 =	vshrl.u32 v53, $0x3;
	v15 =	vadd.f32 v59, v35;
	[tilespmem:v47+s19+$0x0] =	vst.idx.msk $0xffff, v14;
	v14 =	vld [tilespmem:s28+$0x40]  }
0x5c: {  	s16 =	simm.s32 $0xE;
	s13 =	simm.s32 $0xB;
	v53 =	vadd.s32 v24, v39;
	v47 =	vshll.u32 v49, v1;
	v49 =	vld [tilespmem:s28+$0xC0];
	v16 =	vadd.f32 v16, v34  }
0x5d: {  	v63 =	vmov s13;
	[tilespmem:v42+s19+$0x0] =	vst.idx.msk $0xffff, v15;
	v15 =	vmov s16;
	v2 =	vld [tilespmem:s30+$0xFFFFFFB0];
	v59 =	vadd.f32 v62, v36  }
0x5e: {  	v43 =	vshrl.u32 v63, $0x3;
	v63 =	vadd.f32 v48, v36;
	[tilespmem:v45+s19+$0x0] =	vst.idx.msk $0xffff, v16;
	v16 =	vld [tilespmem:s30+$0x20];
	v15 =	vshrl.u32 v15, $0x3  }
0x5f: {  	v48 =	vadd.f32 v7, v36;
	v62 =	vld [tilespmem:s28+$0xFFFFFFC0];
	v7 =	vshll.u32 v15, v1;
	[tilespmem:v8+s19+$0x0] =	vst.idx.msk $0xffff, v59  }
0x60: {  	v41 =	vbroadcast v7, $0x0;
	v7 =	vld [tilespmem:s30+$0xFFFFFF70];
	[tilespmem:$0x1FE00] =	vst v0  }
0x61: {  	[tilespmem:v53+s19+$0x0] =	vst.idx.msk $0xffff, v3  }
0x62: {  	[tilespmem:v58+s19+$0x0] =	vst.idx.msk $0xffff, v63  }
0x63: {  	v0 =	vld [tilespmem:$0x1FEA0]  }
0x64: {  	v10 =	vadd.s32 v28, v50  }
0x65: {  	v61 =	vadd.s32 v29, v55;
	v15 =	vshll.u32 v43, v1  }
0x66: {  	v43 =	vbroadcast v15, $0x0  }
0x67: {  	v3 =	vadd.f32 v57, v35  }
0x68: {  	v11 =	vadd.f32 v11, v35;
	v8 =	vadd.s32 v0, v43  }
0x69: {  	[tilespmem:v10+s19+$0x0] =	vst.idx.msk $0xffff, v3;
	v3 =	vadd.f32 v16, v34  }
0x6a: {  	v59 =	vadd.s32 v18, v41;
	[tilespmem:v61+s19+$0x0] =	vst.idx.msk $0xffff, v11;
	v11 =	vadd.f32 v60, v35  }
0x6b: {  	v18 =	vmov v12;
	v57 =	vadd.s32 v12, v40;
	v12 =	vadd.f32 v62, v36;
	v0 =	vld [tilespmem:$0x1FE20];
	[tilespmem:v17+s19+$0x0] =	vst.idx.msk $0xffff, v3  }
0x6c: {  	[tilespmem:v46+s19+$0x0] =	vst.idx.msk $0xffff, v11  }
0x6d: {  	[tilespmem:v8+s19+$0x0] =	vst.idx.msk $0xffff, v12  }
0x6e: {  	v4 =	vld [tilespmem:$0x1FE30];
	_ =	sdelay $0x4  }
0x6f: {  	v60 =	vadd.s32 v4, v55;
	v4 =	vld [tilespmem:$0x1FDA0];
	_ =	sdelay $0x5  }
0x70: {  	v7 =	vadd.f32 v7, v33;
	_ =	sdelay $0x1  }
0x71: {  	[tilespmem:v4+s19+$0x0] =	vst.idx.msk $0xffff, v7  }
0x72: {  	s29 =	simm.s32 $0xD;
	v46 =	vadd.s32 v6, v43;
	v6 =	vld [tilespmem:$0x1FDB0]  }
0x73: {  	v9 =	vmov s29;
	v10 =	vld [tilespmem:s30+$0xE0]  }
0x74: {  	v9 =	vshrl.u32 v9, $0x3  }
0x75: {  	v9 =	vshll.u32 v9, v1  }
0x76: {  	v42 =	vbroadcast v9, $0x0;
	v9 =	vld [tilespmem:s30+$0xA0];
	_ =	sdelay $0x1  }
0x77: {  	v10 =	vadd.f32 v10, v34;
	_ =	sdelay $0x1  }
0x78: {  	[tilespmem:v6+s19+$0x0] =	vst.idx.msk $0xffff, v10  }
0x79: {  	v12 =	vadd.f32 v9, v34;
	v9 =	vld [tilespmem:$0x1FDC0]  }
0x7a: {  	v16 =	vld [tilespmem:s30+$0xFFFFFFE0];
	_ =	sdelay $0x4  }
0x7b: {  	v61 =	vadd.f32 v2, v33;
	v2 =	vadd.f32 v16, v34;
	_ =	sdelay $0x1  }
0x7c: {  	[tilespmem:v9+s19+$0x0] =	vst.idx.msk $0xffff, v2  }
0x7d: {  	v2 =	vld [tilespmem:$0x1FE10];
	_ =	sdelay $0x4  }
0x7e: {  	v9 =	vadd.s32 v2, v56;
	v2 =	vld [tilespmem:$0x1FEB0];
	_ =	sdelay $0x4  }
0x7f: {  	v63 =	vadd.s32 v2, v43;
	v2 =	vld [tilespmem:$0x1FDD0];
	_ =	sdelay $0x3  }
0x80: {  	v8 =	vadd.f32 v5, v36;
	v5 =	vld [tilespmem:s30+$0x30];
	_ =	sdelay $0x3  }
0x81: {  	v11 =	vld [tilespmem:s30+$0x60];
	[tilespmem:v2+s19+$0x0] =	vst.idx.msk $0xffff, v12  }
0x82: {  	v12 =	vadd.f32 v5, v33;
	v5 =	vld [tilespmem:$0x1FE60];
	_ =	sdelay $0x4  }
0x83: {  	v10 =	vadd.f32 v11, v34;
	v11 =	vadd.s32 v5, v50;
	v5 =	vld [tilespmem:$0x1FDE0];
	_ =	sdelay $0x4  }
0x84: {  	v17 =	vld [tilespmem:s28+$0xFFFFFF50];
	_ =	sdelay $0x1  }
0x85: {  	v15 =	vld [tilespmem:s28+$0x10]  }
0x86: {  	v7 =	vld [tilespmem:s28+$0xFFFFFF90];
	[tilespmem:v5+s19+$0x0] =	vst.idx.msk $0xffff, v10  }
0x87: {  	v0 =	vadd.s32 v0, v44;
	v5 =	vld [tilespmem:$0x1FE40]  }
0x88: {  	v4 =	vadd.f32 v17, v35;
	v17 =	vld [tilespmem:s30+$0xFFFFFF20]  }
0x89: {  	v2 =	vld [tilespmem:s30+$0xF0]  }
0x8a: {  	v13 =	vshll.u32 v13, v1  }
0x8b: {  	v44 =	vbroadcast v13, $0x0;
	v13 =	vadd.f32 v15, v35  }
0x8c: {  	v10 =	vadd.s32 v5, v52;
	v5 =	vld [tilespmem:$0x1FE70];
	[tilespmem:v0+s19+$0x0] =	vst.idx.msk $0xffff, v12  }
0x8d: {  	v62 =	vadd.f32 v14, v36;
	v14 =	vadd.f32 v7, v35;
	v0 =	vld [tilespmem:$0x1FF80];
	[tilespmem:v57+s19+$0x0] =	vst.idx.msk $0xffff, v13  }
0x8e: {  	v7 =	vadd.f32 v17, v34;
	v17 =	vadd.f32 v2, v33;
	v2 =	vld [tilespmem:$0x1FDF0];
	_ =	sdelay $0x7  }
0x8f: {  	[tilespmem:v2+s19+$0x0] =	vst.idx.msk $0xffff, v7  }
0x90: {  	v7 =	vld [tilespmem:$0x1FE00];
	_ =	sdelay $0x6  }
0x91: {  	v6 =	vld [tilespmem:s28+$0xFFFFFFD0]  }
0x92: {  	v45 =	vbroadcast v47, $0x0;
	[tilespmem:v7+s19+$0x0] =	vst.idx.msk $0xffff, v4  }
0x93: {  	v38 =	vadd.s32 v23, v51;
	v47 =	vadd.s32 v29, v42;
	v7 =	vld [tilespmem:$0x1FF50]  }
0x94: {  	v49 =	vadd.f32 v49, v36;
	v53 =	vadd.s32 v32, v45;
	v58 =	vadd.s32 v21, v41  }
0x95: {  	v3 =	vadd.s32 v27, v39;
	v16 =	vadd.s32 v30, v42;
	v55 =	vadd.s32 v25, v44;
	v15 =	vld [tilespmem:s30+$0xFFFFFFF0]  }
0x96: {  	v32 =	vmovc v30;
	v6 =	vadd.f32 v6, v35;
	v56 =	vadd.s32 v28, v45;
	v50 =	vadd.s32 v31, v42;
	v12 =	vld [tilespmem:s30+$0xB0]  }
0x97: {  	v27 =	vmovc v18;
	v52 =	vadd.s32 v20, v45;
	v5 =	vadd.s32 v5, v54;
	v54 =	vadd.s32 v19, v44;
	v2 =	vld [tilespmem:s30+$0x70]  }
0x98: {  	s31 =	simm.s32 $0x10;
	s0 =	simm.s32 $0x600;
	s29 =	sshll.u32 s25, $0x1;
	v28 =	vmovc v26;
	v0 =	vadd.s32 v0, v51;
	v13 =	vld [tilespmem:s30+$0xFFFFFF30];
	v4 =	vadd.s32 v22, v39;
	v51 =	vadd.s32 v7, v41  }
.LBB2_3:
0x99: {  	_ = 	snop  }
0x9a: {  	v21 =	vld [tilespmem:$0x1FE90]  }
0x9b: {  	s13 =	smov.u32 s31;
	[tilespmem:v59+s19+$0x0] =	vst.idx.msk $0xffff, v8  }
0x9c: {  	v18 =	vld [tilespmem:s0+$0xFFFFFF40];
	[tilespmem:v3+s19+$0x0] =	vst.idx.msk $0xffff, v14;
	s8 =	sadd.s32 $0x2, s13  }
0x9d: {  	[tilespmem:v11+s19+$0x0] =	vst.idx.msk $0xffff, v17;
	v8 =	vld [tilespmem:s0+$0x80];
	v17 =	vmov s8;
	v3 =	vadd.f32 v15, v33  }
0x9e: {  	[tilespmem:v16+s19+$0x0] =	vst.idx.msk $0xffff, v62;
	v20 =	vld [tilespmem:s28+$0xFFFFFFA0];
	v16 =	vshrl.u32 v17, $0x3;
	v12 =	vadd.f32 v12, v33  }
0x9f: {  	v21 =	vadd.s32 v21, v37;
	[tilespmem:v9+s19+$0x0] =	vst.idx.msk $0xffff, v3;
	v9 =	vshll.u32 v16, v1;
	v16 =	vld [tilespmem:s28+$0x90]  }
0xa0: {  	s16 =	sadd.s32 $0x4, s13;
	[tilespmem:v10+s19+$0x0] =	vst.idx.msk $0xffff, v12;
	v12 =	vld [tilespmem:s28+$0xFFFFFF60]  }
0xa1: {  	v7 =	vld [tilespmem:$0x1FFA0];
	v14 =	vmov s16;
	v3 =	vadd.f32 v2, v33  }
0xa2: {  	v30 =	vmovc v22;
	v22 =	vld [tilespmem:s0+$0xFFFFFF80];
	v37 =	vmov v39;
	v10 =	vshrl.u32 v14, $0x3;
	v39 =	vbroadcast v9, $0x0  }
0xa3: {  	s3 =	sadd.s32 $0x7, s31;
	v17 =	vld [tilespmem:s28+$0x50];
	[tilespmem:v60+s19+$0x0] =	vst.idx.msk $0xffff, v3;
	v3 =	vshll.u32 v10, v1  }
0xa4: {  	v26 =	vld [tilespmem:$0x1FF60];
	v19 =	vmov s3;
	s3 =	sadd.s32 $0x1, s13;
	v10 =	vadd.f32 v20, v34;
	[tilespmem:v21+s19+$0x0] =	vst.idx.msk $0xffff, v61;
	v21 =	vadd.s32 v24, v39  }
0xa5: {  	v11 =	vmov s3;
	v14 =	vld [tilespmem:$0x1FFF0];
	v12 =	vadd.f32 v12, v34  }
0xa6: {  	v11 =	vshrl.u32 v11, $0x3;
	v13 =	vadd.f32 v13, v33;
	v57 =	vadd.s32 v7, v44;
	v7 =	vld [tilespmem:$0x1FFE0];
	[tilespmem:v4+s19+$0x0] =	vst.idx.msk $0xffff, v10  }
0xa7: {  	v59 =	vmov s13;
	v2 =	vshll.u32 v11, v1;
	v20 =	vld [tilespmem:s0+$0x0];
	[tilespmem:v0+s19+$0x0] =	vst.idx.msk $0xffff, v12;
	v12 =	vadd.f32 v22, v36  }
0xa8: {  	s30 =	sadd.s32 $0x6, s13;
	v11 =	vshrl.u32 v19, $0x3;
	[tilespmem:v5+s19+$0x0] =	vst.idx.msk $0xffff, v13;
	v13 =	vshrl.u32 v59, $0x3;
	v2 =	vbroadcast v2, $0x0;
	v0 =	vld [tilespmem:s28+$0xFFFFFFB0]  }
0xa9: {  	s6 =	sadd.s32 $0x5, s13;
	s13 =	sadd.s32 $0x3, s13;
	v3 =	vbroadcast v3, $0x0;
	v4 =	vadd.f32 v18, v36;
	v18 =	vmov s30;
	[tilespmem:v21+s19+$0x0] =	vst.idx.msk $0xffff, v12;
	v21 =	vld [tilespmem:$0x1FF30]  }
0xaa: {  	v59 =	vmov s13;
	v5 =	vld [tilespmem:s0+$0xFFFFFF00];
	[tilespmem:v63+s19+$0x0] =	vst.idx.msk $0xffff, v6;
	v14 =	vadd.s32 v14, v2;
	v18 =	vshrl.u32 v18, $0x3  }
0xab: {  	v11 =	vshll.u32 v11, v1;
	v60 =	vld [tilespmem:s28+$0x20];
	v6 =	vadd.s32 v28, v3;
	v18 =	vshll.u32 v18, v1  }
0xac: {  	v59 =	vshrl.u32 v59, $0x3;
	[tilespmem:v55+s19+$0x0] =	vst.idx.msk $0xffff, v48;
	v9 =	vld [tilespmem:s0+$0x40];
	v16 =	vadd.f32 v16, v35;
	v18 =	vbroadcast v18, $0x0  }
0xad: {  	v63 =	vshll.u32 v59, v1;
	v7 =	vadd.s32 v7, v40;
	v61 =	vld [tilespmem:s0+$0xC0];
	[tilespmem:v53+s19+$0x0] =	vst.idx.msk $0xffff, v49  }
0xae: {  	v20 =	vadd.f32 v20, v36;
	[tilespmem:v58+s19+$0x0] =	vst.idx.msk $0xffff, v16;
	v22 =	vld [tilespmem:s28+$0xFFFFFF70];
	v59 =	vadd.s32 v21, v18;
	v21 =	vbroadcast v11, $0x0  }
0xaf: {  	v17 =	vadd.f32 v17, v35;
	[tilespmem:v14+s19+$0x0] =	vst.idx.msk $0xffff, v4;
	v14 =	vld [tilespmem:$0x1FE20]  }
0xb0: {  	v15 =	vmov s6;
	v58 =	vadd.f32 v60, v34;
	[tilespmem:v6+s19+$0x0] =	vst.idx.msk $0xffff, v20;
	v53 =	vadd.s32 v26, v21;
	v26 =	vld [tilespmem:$0x1FE30]  }
0xb1: {  	v15 =	vshrl.u32 v15, $0x3;
	[tilespmem:v47+s19+$0x0] =	vst.idx.msk $0xffff, v17;
	v12 =	vld [tilespmem:s0+$0x10]  }
0xb2: {  	v15 =	vshll.u32 v15, v1;
	[tilespmem:v7+s19+$0x0] =	vst.idx.msk $0xffff, v58;
	v7 =	vld [tilespmem:s28+$0x60]  }
0xb3: {  	v55 =	vld [tilespmem:s28+$0xFFFFFF10];
	v6 =	vbroadcast v15, $0x0  }
0xb4: {  	v15 =	vld [tilespmem:s28+$0xA0]  }
0xb5: {  	v10 =	vld [tilespmem:s0+$0xFFFFFFC0];
	v11 =	vadd.s32 v29, v6;
	v60 =	vadd.s32 v26, v42;
	v42 =	vmovc v6;
	v6 =	vadd.f32 v22, v33  }
0xb6: {  	v24 =	vadd.s32 v14, v40;
	v14 =	vld [tilespmem:s0+$0xFFFFFF50]  }
0xb7: {  	[tilespmem:v38+s19+$0x0] =	vst.idx.msk $0xffff, v6;
	v6 =	vadd.f32 v7, v34;
	v7 =	vld [tilespmem:$0x1FF40]  }
0xb8: {  	v19 =	vadd.s32 v23, v2;
	v16 =	vld [tilespmem:s28+$0xD0];
	v49 =	vadd.f32 v61, v36  }
0xb9: {  	v23 =	vadd.s32 v27, v3;
	v61 =	vadd.f32 v0, v33;
	v40 =	vmovc v3;
	v3 =	vld [tilespmem:$0x1FEA0];
	v0 =	vadd.f32 v15, v34  }
0xba: {  	v47 =	vmov v11;
	v11 =	vld [tilespmem:s28+$0x30]  }
0xbb: {  	v5 =	vadd.f32 v5, v36;
	[tilespmem:v51+s19+$0x0] =	vst.idx.msk $0xffff, v0;
	v0 =	vld [tilespmem:$0x1FE60]  }
0xbc: {  	v58 =	vadd.s32 v7, v18;
	v7 =	vld [tilespmem:$0x1FE10]  }
0xbd: {  	v48 =	vmov v5;
	v5 =	vbroadcast v63, $0x0;
	v16 =	vadd.f32 v16, v35  }
0xbe: {  	v62 =	vadd.f32 v9, v36;
	v9 =	vadd.f32 v55, v35  }
0xbf: {  	v4 =	vadd.f32 v10, v36;
	v10 =	vld [tilespmem:s28+$0xFFFFFFE0];
	[tilespmem:v56+s19+$0x0] =	vst.idx.msk $0xffff, v16;
	v16 =	vadd.s32 v3, v5  }
0xc0: {  	[tilespmem:v54+s19+$0x0] =	vst.idx.msk $0xffff, v9;
	v3 =	vld [tilespmem:$0x1FEC0]  }
0xc1: {  	v9 =	vadd.s32 v7, v43;
	v7 =	vadd.f32 v11, v33;
	v11 =	vadd.s32 v0, v45;
	v0 =	vld [tilespmem:$0x1FF70];
	_ =	sdelay $0x2  }
0xc2: {  	v10 =	vadd.f32 v10, v34;
	[tilespmem:v16+s19+$0x0] =	vst.idx.msk $0xffff, v4  }
0xc3: {  	v56 =	vadd.s32 v3, v5;
	v16 =	vld [tilespmem:s0+$0xFFFFFFD0];
	v45 =	vmov v21  }
0xc4: {  	[tilespmem:v46+s19+$0x0] =	vst.idx.msk $0xffff, v10;
	v46 =	vmov v56;
	v56 =	vadd.s32 v0, v45;
	v0 =	vld [tilespmem:$0x1FE40];
	_ =	sdelay $0x3  }
0xc5: {  	v43 =	vmov v5;
	v5 =	vld [tilespmem:$0x1FEB0]  }
0xc6: {  	v10 =	vadd.s32 v0, v41;
	v0 =	vld [tilespmem:$0x1FE70];
	_ =	sdelay $0x2  }
0xc7: {  	v17 =	vld [tilespmem:s28+$0xE0]  }
0xc8: {  	v20 =	vld [tilespmem:$0x1FFB0]  }
0xc9: {  	v13 =	vshll.u32 v13, v1;
	v63 =	vadd.s32 v5, v43;
	v5 =	vadd.s32 v0, v44;
	v0 =	vld [tilespmem:$0x1FF90]  }
0xca: {  	v13 =	vbroadcast v13, $0x0;
	_ =	sdelay $0x1  }
0xcb: {  	v55 =	vadd.s32 v25, v13;
	v15 =	vadd.f32 v17, v34;
	v26 =	vmovc v25;
	v25 =	vadd.f32 v12, v35;
	v12 =	vld [tilespmem:s0+$0xFFFFFF90]  }
0xcc: {  	v4 =	vld [tilespmem:s28+$0xFFFFFF20];
	v44 =	vmov v13  }
0xcd: {  	v20 =	vadd.s32 v20, v2;
	[tilespmem:v52+s19+$0x0] =	vst.idx.msk $0xffff, v15;
	v54 =	vadd.s32 v0, v44;
	v0 =	vld [tilespmem:$0x1FF80]  }
0xce: {  	v17 =	vld [tilespmem:s28+$0xF0]  }
0xcf: {  	v3 =	vld [tilespmem:$0x1FE80]  }
0xd0: {  	v22 =	vadd.f32 v14, v35;
	v14 =	vadd.f32 v12, v35;
	v12 =	vld [tilespmem:s28+$0xB0]  }
0xd1: {  	[tilespmem:v24+s19+$0x0] =	vst.idx.msk $0xffff, v7;
	v7 =	vld [tilespmem:$0x1FF50]  }
0xd2: {  	p1 =	slt.u32 s31, $0x78;
	[tilespmem:v20+s19+$0x0] =	vst.idx.msk $0xffff, v22;
	v4 =	vadd.f32 v4, v34;
	v0 =	vadd.s32 v0, v2;
	v2 =	vld [tilespmem:$0x1FE50]  }
.Ltmp0:
0xd3: {  	[tilespmem:v50+s19+$0x0] =	vst.idx.msk $0xffff, v6;
	v15 =	vld [tilespmem:s28+$0xFFFFFFF0];
	(pc) =	sbr.rel @p1 .LBB2_3-.Ltmp0, $4  }
0xd4: {  	v8 =	vadd.f32 v8, v36;
	v38 =	vmov v19;
	[tilespmem:v57+s19+$0x0] =	vst.idx.msk $0xffff, v4;
	v24 =	vld [tilespmem:$0x1FEF0]  }
0xd5: {  	v50 =	vadd.s32 v31, v42;
	v22 =	vmov v30;
	v17 =	vadd.f32 v17, v33;
	[tilespmem:v23+s19+$0x0] =	vst.idx.msk $0xffff, v25;
	v23 =	vld [tilespmem:$0x1FED0]  }
0xd6: {  	v3 =	vadd.s32 v3, v39;
	v6 =	vadd.f32 v16, v35;
	v16 =	vadd.s32 v32, v42;
	v41 =	vmovc v18;
	v13 =	vld [tilespmem:s28+$0xFFFFFF30]  }
0xd7: {  	s31 =	sadd.s32 $0x8, s31;
	v4 =	vadd.s32 v30, v39;
	v25 =	vmovc v26;
	v51 =	vadd.s32 v7, v41;
	v52 =	vadd.s32 v2, v45;
	v2 =	vld [tilespmem:s28+$0x70];
	s28 =	smov.u32 s0;
	s0 =	sadd.s32 $0x200, s0  }
0xd8: {  	_ =	sdelay $0x2  }
0xd9: {  	v20 =	vld [tilespmem:$0x1FFB0]  }
0xda: {  	v19 =	vld [tilespmem:$0x1FFF0];
	[tilespmem:v59+s19+$0x0] =	vst.idx.msk $0xffff, v8  }
0xdb: {  	[tilespmem:v3+s19+$0x0] =	vst.idx.msk $0xffff, v14  }
0xdc: {  	[tilespmem:v53+s19+$0x0] =	vst.idx.msk $0xffff, v49  }
0xdd: {  	[tilespmem:v11+s19+$0x0] =	vst.idx.msk $0xffff, v17  }
0xde: {  	v3 =	vadd.f32 v15, v33;
	v15 =	vld [tilespmem:$0x1FE90];
	_ =	sdelay $0x1  }
0xdf: {  	v7 =	vld [tilespmem:s28+$0xD0]  }
0xe0: {  	[tilespmem:v16+s19+$0x0] =	vst.idx.msk $0xffff, v62  }
0xe1: {  	[tilespmem:v55+s19+$0x0] =	vst.idx.msk $0xffff, v48  }
0xe2: {  	v53 =	vadd.f32 v12, v33;
	[tilespmem:v63+s19+$0x0] =	vst.idx.msk $0xffff, v6;
	v49 =	vadd.s32 v15, v37  }
0xe3: {  	[tilespmem:v9+s19+$0x0] =	vst.idx.msk $0xffff, v3;
	v2 =	vadd.f32 v2, v33  }
0xe4: {  	[tilespmem:v10+s19+$0x0] =	vst.idx.msk $0xffff, v53;
	v7 =	vadd.f32 v7, v35  }
0xe5: {  	[tilespmem:v60+s19+$0x0] =	vst.idx.msk $0xffff, v2  }
0xe6: {  	v3 =	vld [tilespmem:s28+$0x90];
	[tilespmem:v56+s19+$0x0] =	vst.idx.msk $0xffff, v7  }
0xe7: {  	v57 =	vld [tilespmem:s28+$0x50];
	[tilespmem:v49+s19+$0x0] =	vst.idx.msk $0xffff, v61  }
0xe8: {  	v22 =	vld [tilespmem:$0x1FFE0]  }
0xe9: {  	v2 =	vld [tilespmem:s28+$0xFFFFFF10]  }
0xea: {  	v59 =	vld [tilespmem:s28+$0xFFFFFF60]  }
0xeb: {  	v60 =	vld [tilespmem:s28+$0x20];
	v3 =	vadd.f32 v3, v35  }
0xec: {  	v63 =	vadd.f32 v13, v33  }
0xed: {  	v36 =	vld [tilespmem:s28+$0xFFFFFFA0];
	v61 =	vadd.f32 v57, v35;
	[tilespmem:v58+s19+$0x0] =	vst.idx.msk $0xffff, v3;
	v62 =	vadd.s32 v22, v40  }
0xee: {  	v7 =	vld [tilespmem:s28+$0xE0];
	v2 =	vadd.f32 v2, v35;
	[tilespmem:v5+s19+$0x0] =	vst.idx.msk $0xffff, v63  }
0xef: {  	v35 =	vadd.f32 v59, v34;
	v3 =	vld [tilespmem:s28+$0xFFFFFFE0];
	[tilespmem:v47+s19+$0x0] =	vst.idx.msk $0xffff, v61  }
0xf0: {  	v8 =	vadd.f32 v60, v34;
	v32 =	vld [tilespmem:s28+$0xA0];
	[tilespmem:v54+s19+$0x0] =	vst.idx.msk $0xffff, v2  }
0xf1: {  	[tilespmem:v0+s19+$0x0] =	vst.idx.msk $0xffff, v35;
	v6 =	vld [tilespmem:s28+$0x60]  }
0xf2: {  	v0 =	vld [tilespmem:s28+$0xFFFFFF20];
	[tilespmem:v62+s19+$0x0] =	vst.idx.msk $0xffff, v8  }
0xf3: {  	v2 =	vadd.f32 v7, v34;
	v37 =	vld [tilespmem:$0x1FFA0]  }
0xf4: {  	v5 =	vld [tilespmem:s28+$0xFFFFFF70];
	v3 =	vadd.f32 v3, v34  }
0xf5: {  	v48 =	vadd.f32 v32, v34;
	v14 =	vld [tilespmem:$0x1FE70];
	[tilespmem:v52+s19+$0x0] =	vst.idx.msk $0xffff, v2  }
0xf6: {  	v8 =	vld [tilespmem:s28+$0x30];
	v2 =	vadd.f32 v6, v34;
	[tilespmem:v46+s19+$0x0] =	vst.idx.msk $0xffff, v3  }
0xf7: {  	v49 =	vadd.f32 v36, v34;
	v52 =	vld [tilespmem:$0x1FE20];
	[tilespmem:v51+s19+$0x0] =	vst.idx.msk $0xffff, v48  }
0xf8: {  	v9 =	vld [tilespmem:$0x1FE60];
	[tilespmem:v50+s19+$0x0] =	vst.idx.msk $0xffff, v2;
	v7 =	vadd.s32 v37, v44  }
0xf9: {  	v3 =	vld [tilespmem:s28+$0xF0];
	[tilespmem:v4+s19+$0x0] =	vst.idx.msk $0xffff, v49  }
0xfa: {  	v55 =	vld [tilespmem:$0x1FE10]  }
0xfb: {  	v0 =	vadd.f32 v0, v34;
	v58 =	vld [tilespmem:$0x1FE40]  }
0xfc: {  	v57 =	vld [tilespmem:s28+$0xFFFFFFB0]  }
0xfd: {  	v2 =	vld [tilespmem:s28+$0xB0];
	v10 =	vadd.s32 v52, v40;
	[tilespmem:v7+s19+$0x0] =	vst.idx.msk $0xffff, v0  }
0xfe: {  	v61 =	vadd.s32 v15, v39;
	v0 =	vld [tilespmem:$0x1FE30]  }
0xff: {  	v54 =	vadd.f32 v5, v33;
	v53 =	vld [tilespmem:s28+$0xFFFFFFF0];
	v9 =	vadd.s32 v9, v45  }
0x100: {  	v8 =	vadd.f32 v8, v33;
	v13 =	vadd.s32 v58, v41;
	v59 =	vld [tilespmem:s28+$0xFFFFFF30]  }
0x101: {  	v56 =	vld [tilespmem:s28+$0x70];
	v5 =	vadd.s32 v55, v43;
	v63 =	vadd.f32 v57, v33;
	[tilespmem:v38+s19+$0x0] =	vst.idx.msk $0xffff, v54  }
0x102: {  	v62 =	vadd.s32 v14, v44;
	v3 =	vadd.f32 v3, v33;
	[tilespmem:v10+s19+$0x0] =	vst.idx.msk $0xffff, v8  }
0x103: {  	v2 =	vadd.f32 v2, v33;
	[tilespmem:v61+s19+$0x0] =	vst.idx.msk $0xffff, v63;
	v0 =	vadd.s32 v0, v42  }
0x104: {  	v60 =	vadd.f32 v53, v33;
	[tilespmem:v9+s19+$0x0] =	vst.idx.msk $0xffff, v3  }
0x105: {  	s0 =	sshll.u32 s25, $0x13;
	[tilespmem:v13+s19+$0x0] =	vst.idx.msk $0xffff, v2;
	v2 =	vadd.f32 v59, v33  }
0x106: {  	s0 =	sor.u32 s11, s0;
	v3 =	vadd.f32 v56, v33;
	[tilespmem:v5+s19+$0x0] =	vst.idx.msk $0xffff, v60  }
0x107: {  	s0 =	sshrl.u32 s0, $0x3;
	[tilespmem:v62+s19+$0x0] =	vst.idx.msk $0xffff, v2  }
0x108: {  	s3 =	simm.s32 $0x4100;
	s6 =	sadd.s32 s1, s0;
	[tilespmem:v0+s19+$0x0] =	vst.idx.msk $0xffff, v3  }
0x109: {  	[hbm4b:s6+s2] =	stream.linear.scatter [tilespmem:s3], [sflag:$0x3], $0x80, $0x38;
	[tilespmem:$0xB700] =	vst v63  }
0x10a: {  	s8 =	simm.s32 $0x4188;
	s3 =	sadd.s32 $0x10, s6  }
0x10b: {  	[hbm4b:s3+s2] =	stream.linear.scatter [tilespmem:s8], [sflag:$0x3], $0x80, $0x38;
	[tilespmem:$0xB700] =	vst v63  }
0x10c: {  	s13 =	simm.s32 $0x4210;
	s30 =	simm.s32 $0x2200;
	s16 =	sadd.s32 $0x20, s6  }
0x10d: {  	[hbm4b:s16+s2] =	stream.linear.scatter [tilespmem:s13], [sflag:$0x3], $0x80, $0x38;
	[tilespmem:$0xB700] =	vst v63  }
0x10e: {  	s31 =	simm.s32 $0x44B8;
	s3 =	simm.s32 $0x4298;
	s8 =	sadd.s32 $0x30, s6  }
0x10f: {  	[hbm4b:s8+s2] =	stream.linear.scatter [tilespmem:s3], [sflag:$0x3], $0x80, $0x38;
	[tilespmem:$0xB700] =	vst v63  }
0x110: {  	s0 =	simm.s32 $0x440;
	s13 =	simm.s32 $0x4320;
	s16 =	sadd.s32 $0x40, s6  }
0x111: {  	[hbm4b:s16+s2] =	stream.linear.scatter [tilespmem:s13], [sflag:$0x3], $0x80, $0x38;
	[tilespmem:$0xB700] =	vst v63  }
0x112: {  	s28 =	sadd.s32 $0x1000, s6;
	s3 =	simm.s32 $0x43A8;
	s8 =	sadd.s32 $0x50, s6  }
0x113: {  	[hbm4b:s8+s2] =	stream.linear.scatter [tilespmem:s3], [sflag:$0x3], $0x80, $0x38;
	[tilespmem:$0xB700] =	vst v63  }
0x114: {  	s13 =	simm.s32 $0x4430;
	s16 =	sadd.s32 $0x60, s6;
	s3 =	sadd.s32 $0x70, s6  }
0x115: {  	v47 =	vmov v37;
	v38 =	vmov v22;
	[hbm4b:s16+s2] =	stream.linear.scatter [tilespmem:s13], [sflag:$0x3], $0x80, $0x38;
	[tilespmem:$0xB700] =	vst v63  }
.LBB2_5:
0x116: {  	[hbm4b:s3+s2] =	stream.linear.scatter [tilespmem:s31], [sflag:$0x3], $0x80, $0x38;
	[tilespmem:$0xB700] =	vst v63  }
0x117: {  	s3 =	smov.u32 s0;
	s0 =	smov.u32 s30  }
0x118: {  	s6 =	sadd.s32 $0x1100, s30;
	s0 =	sshra.s32 s0, $0x2;
	s8 =	sadd.s32 $0x4100, s3  }
0x119: {  	[hbm4b:s28+s2] =	stream.linear.scatter [tilespmem:s8], [sflag:$0x3], $0x80, $0x38;
	[tilespmem:$0xB700] =	vst v63  }
0x11a: {  	p1 =	sne.s32 s30, $0x7700;
	s13 =	sadd.s32 $0x10, s28;
	s8 =	sadd.s32 $0x4188, s3  }
0x11b: {  	[hbm4b:s13+s2] =	stream.linear.scatter [tilespmem:s8], [sflag:$0x3], $0x80, $0x38;
	[tilespmem:$0xB700] =	vst v63  }
0x11c: {  	s8 =	sadd.s32 $0x4210, s3;
	s13 =	sadd.s32 $0x20, s28  }
0x11d: {  	[hbm4b:s13+s2] =	stream.linear.scatter [tilespmem:s8], [sflag:$0x3], $0x80, $0x38;
	[tilespmem:$0xB700] =	vst v63  }
0x11e: {  	s8 =	sadd.s32 $0x4298, s3;
	s13 =	sadd.s32 $0x30, s28  }
0x11f: {  	[hbm4b:s13+s2] =	stream.linear.scatter [tilespmem:s8], [sflag:$0x3], $0x80, $0x38;
	[tilespmem:$0xB700] =	vst v63  }
0x120: {  	s8 =	sadd.s32 $0x4320, s3;
	s13 =	sadd.s32 $0x40, s28  }
0x121: {  	[hbm4b:s13+s2] =	stream.linear.scatter [tilespmem:s8], [sflag:$0x3], $0x80, $0x38;
	[tilespmem:$0xB700] =	vst v63  }
.Ltmp1:
0x122: {  	s8 =	sadd.s32 $0x43A8, s3;
	s13 =	sadd.s32 $0x50, s28;
	(pc) =	sbr.rel @p1 .LBB2_5-.Ltmp1, $4  }
0x123: {  	[hbm4b:s13+s2] =	stream.linear.scatter [tilespmem:s8], [sflag:$0x3], $0x80, $0x38;
	[tilespmem:$0xB700] =	vst v63  }
0x124: {  	s31 =	sadd.s32 $0x44B8, s3;
	s8 =	sadd.s32 $0x4430, s3;
	s13 =	sadd.s32 $0x60, s28  }
0x125: {  	[hbm4b:s13+s2] =	stream.linear.scatter [tilespmem:s8], [sflag:$0x3], $0x80, $0x38;
	[tilespmem:$0xB700] =	vst v63  }
0x126: {  	s30 =	smov.u32 s6;
	s3 =	sadd.s32 $0x70, s28;
	s28 =	sadd.s32 $0x1000, s28  }
0x127: {  	[hbm4b:s3+s2] =	stream.linear.scatter [tilespmem:s31], [sflag:$0x3], $0x80, $0x38;
	[tilespmem:$0xB700] =	vst v63  }
0x128: {  	s8 =	sadd.s32 $0x4100, s0  }
0x129: {  	[hbm4b:s28+s2] =	stream.linear.scatter [tilespmem:s8], [sflag:$0x3], $0x80, $0x38;
	[tilespmem:$0xB700] =	vst v63  }
0x12a: {  	s13 =	sadd.s32 $0x4188, s0;
	s6 =	sadd.s32 $0x10, s28  }
0x12b: {  	[hbm4b:s6+s2] =	stream.linear.scatter [tilespmem:s13], [sflag:$0x3], $0x80, $0x38;
	[tilespmem:$0xB700] =	vst v63  }
0x12c: {  	s16 =	sadd.s32 $0x4210, s0;
	s31 =	sadd.s32 $0x20, s28  }
0x12d: {  	[hbm4b:s31+s2] =	stream.linear.scatter [tilespmem:s16], [sflag:$0x3], $0x80, $0x38;
	[tilespmem:$0xB700] =	vst v63  }
0x12e: {  	s8 =	sadd.s32 $0x4298, s0;
	s13 =	sadd.s32 $0x30, s28  }
0x12f: {  	[hbm4b:s13+s2] =	stream.linear.scatter [tilespmem:s8], [sflag:$0x3], $0x80, $0x38;
	[tilespmem:$0xB700] =	vst v63  }
0x130: {  	s16 =	sadd.s32 $0x4320, s0;
	s31 =	sadd.s32 $0x40, s28  }
0x131: {  	[hbm4b:s31+s2] =	stream.linear.scatter [tilespmem:s16], [sflag:$0x3], $0x80, $0x38;
	[tilespmem:$0xB700] =	vst v63  }
0x132: {  	s8 =	sadd.s32 $0x43A8, s0;
	s13 =	sadd.s32 $0x50, s28;
	s16 =	sadd.s32 $0x4430, s0  }
0x133: {  	[hbm4b:s13+s2] =	stream.linear.scatter [tilespmem:s8], [sflag:$0x3], $0x80, $0x38;
	[tilespmem:$0xB700] =	vst v63  }
0x134: {  	s31 =	sadd.s32 $0x60, s28;
	s8 =	sadd.s32 $0x70, s28;
	s28 =	sor.u32 $0x1, s29  }
0x135: {  	[hbm4b:s31+s2] =	stream.linear.scatter [tilespmem:s16], [sflag:$0x3], $0x80, $0x38;
	[tilespmem:$0xB700] =	vst v63  }
0x136: {  	s6 =	sadd.s32 $0x44B8, s0;
	p1 =	sgt.u32 s28, $0xC6  }
0x137: {  	[hbm4b:s8+s2] =	stream.linear.scatter [tilespmem:s6], [sflag:$0x3], $0x80, $0x38;
	[tilespmem:$0xB700] =	vst v63  }
0x138: {  	s0 =	sadd.s32 @!p1 s9, s26;
	_ =	swait.ge [sflag:s20], $0x2000  }
0x139: {  	s0 =	sshrl.u32 @!p1 s0, $0x3;
	[sflag:s20] =	ssyncset.done $0x0  }
0x13a: {  	s3 =	simm.s32 @!p1 $0x0;
	s0 =	sadd.s32 @!p1 s4, s0;
	[sflag:s20] =	ssyncadd.s32 $0xFFFFE000  }
0x13b: {  	[tilespmem:s3], [sflag:$0x5] =	stream.linear.gather @!p1 [hbm4b:s0+s3], $0x80, $0x38;
	[tilespmem:$0xB700] =	vst v63  }
0x13c: {  	s0 =	simm.s32 @!p1 $0x5  }
0x13d: {  	_ =	swait.ge @!p1 [sflag:s0], $0x80  }
0x13e: {  	[sflag:s0] =	ssyncset.done @!p1 $0x0  }
0x13f: {  	s6 =	simm.s32 @!p1 $0x100;
	[sflag:s0] =	ssyncadd.s32 @!p1 $0xFFFFFF80;
	s0 =	simm.s32 @!p1 $0x80  }
0x140: {  	[tilespmem:s6], [sflag:$0x1] =	stream.indirect.gather @!p1 [hbm4b:s5+s0], $0x40, s3, s0, $0xb8;
	[tilespmem:$0xB700] =	vst v63  }
0x141: {  	s31 =	simm.s32 $0x1;
	s0 =	simm.s32 @!p0 $0x4  }
0x142: {  	s29 =	simm.s32 $0x4;
	v5 =	vmov s31;
	_ =	swait.ge @!p0 [sflag:s0], $0x2000  }
0x143: {  	s13 =	sshll.u32 s28, $0x6;
	v3 =	vmov s29;
	v5 =	vshrl.u32 v5, $0x3;
	[sflag:s0] =	ssyncset.done @!p0 $0x0;
	v48 =	vld [tilespmem:$0x1FEE0]  }
0x144: {  	v3 =	vshrl.u32 v3, $0x3;
	v5 =	vshll.u32 v5, v1;
	v62 =	vld [tilespmem:$0x1FEA0];
	[sflag:s0] =	ssyncadd.s32 @!p0 $0xFFFFE000;
	s0 =	sand.u32 $0x3FFFFFC0, s13  }
0x145: {  	s29 =	simm.s32 $0x22F0;
	v3 =	vshll.u32 v3, v1;
	v5 =	vbroadcast v5, $0x0;
	s3 =	simm.s32 $0x3;
	v36 =	vld [tilespmem:s0+$0x8500]  }
0x146: {  	v44 =	vbroadcast v3, $0x0;
	v3 =	vmov s3;
	s13 =	simm.s32 $0x2;
	v7 =	vld [tilespmem:s29+$0xFFFFFF10]  }
0x147: {  	v11 =	vadd.s32 v23, v5;
	v3 =	vshrl.u32 v3, $0x3;
	v6 =	vmov s13;
	v8 =	vld [tilespmem:s29+$0xFFFFFE50]  }
0x148: {  	v3 =	vshll.u32 v3, v1;
	v9 =	vld [tilespmem:s29+$0xFFFFFE90];
	[tilespmem:$0x1FD40] =	vst v11;
	v6 =	vshrl.u32 v6, $0x3  }
0x149: {  	s16 =	simm.s32 $0x0;
	v10 =	vadd.s32 v19, v5;
	v28 =	vbroadcast v3, $0x0;
	v11 =	vld [tilespmem:s29+$0xFFFFFED0];
	v6 =	vshll.u32 v6, v1  }
0x14a: {  	v0 =	vmov s16;
	v37 =	vbroadcast v6, $0x0;
	v6 =	vadd.s32 v48, v44  }
0x14b: {  	v0 =	vshrl.u32 v0, $0x3;
	v15 =	vadd.s32 v62, v28  }
0x14c: {  	v17 =	vshll.u32 v0, v1;
	v35 =	vld [tilespmem:s0+$0x8510];
	v12 =	vadd.s32 v24, v37;
	v0 =	vadd.f32 v8, v36  }
0x14d: {  	v34 =	vld [tilespmem:s0+$0x8520];
	v7 =	vadd.f32 v7, v36  }
0x14e: {  	v33 =	vld [tilespmem:s0+$0x8530];
	[tilespmem:v10+s21+$0x0] =	vst.idx.msk $0xffff, v0;
	v0 =	vadd.f32 v11, v36  }
0x14f: {  	v3 =	vld [tilespmem:s29+$0xFFFFFE10];
	v9 =	vadd.f32 v9, v36;
	[tilespmem:v6+s21+$0x0] =	vst.idx.msk $0xffff, v7  }
0x150: {  	v6 =	vld [tilespmem:s29+$0xFFFFFF20];
	[tilespmem:v15+s21+$0x0] =	vst.idx.msk $0xffff, v0  }
0x151: {  	s8 =	simm.s32 $0x5;
	v13 =	vld [tilespmem:s29+$0xFFFFFFD0];
	[tilespmem:v12+s21+$0x0] =	vst.idx.msk $0xffff, v9  }
0x152: {  	s26 =	simm.s32 $0x7;
	v4 =	vmov s8;
	v12 =	vld [tilespmem:$0x1FF10]  }
0x153: {  	v2 =	vmov s26;
	v4 =	vshrl.u32 v4, $0x3;
	s6 =	simm.s32 $0x6;
	v16 =	vld [tilespmem:s29+$0xFFFFFF90]  }
0x154: {  	v2 =	vshrl.u32 v2, $0x3;
	v4 =	vshll.u32 v4, v1;
	v14 =	vmov s6;
	v22 =	vld [tilespmem:$0x1FEC0]  }
0x155: {  	v58 =	vmovc v19;
	v4 =	vbroadcast v4, $0x0;
	v8 =	vshrl.u32 v14, $0x3;
	v19 =	vadd.f32 v6, v35;
	v6 =	vld [tilespmem:$0x1FF90]  }
0x156: {  	v2 =	vshll.u32 v2, v1;
	v14 =	vld [tilespmem:s29+$0xFFFFFF50];
	v8 =	vshll.u32 v8, v1  }
0x157: {  	v52 =	vbroadcast v8, $0x0;
	v8 =	vadd.f32 v13, v36;
	v7 =	vld [tilespmem:s29+$0xFFFFFE60];
	v13 =	vadd.s32 v12, v4  }
0x158: {  	v54 =	vbroadcast v2, $0x0;
	v57 =	vbroadcast v17, $0x0;
	v2 =	vld [tilespmem:s29+$0xFFFFFEA0];
	[tilespmem:$0x1FD30] =	vst v13  }
0x159: {  	v18 =	vadd.s32 v22, v28;
	v13 =	vld [tilespmem:s29+$0xFFFFFEE0]  }
0x15a: {  	v49 =	vmovc v23;
	[tilespmem:$0x1FD60] =	vst v18;
	v18 =	vadd.s32 v25, v57;
	v23 =	vadd.s32 v6, v57;
	v6 =	vmov v25;
	v25 =	vld [tilespmem:$0x1FF80];
	_ =	sdelay $0x2  }
0x15b: {  	v11 =	vadd.s32 v27, v44;
	v0 =	vmov v27;
	v27 =	vld [tilespmem:$0x1FE80];
	_ =	sdelay $0x1  }
0x15c: {  	v9 =	vadd.s32 v20, v5;
	v25 =	vadd.s32 v25, v5;
	v5 =	vld [tilespmem:$0x1FF20]  }
0x15d: {  	v60 =	vld [tilespmem:$0x1FE50];
	_ =	sdelay $0x1  }
0x15e: {  	v29 =	vld [tilespmem:$0x1FF30];
	v17 =	vadd.s32 v27, v37  }
0x15f: {  	v56 =	vld [tilespmem:$0x1FF60]  }
0x160: {  	v31 =	vld [tilespmem:$0x1FF40];
	v5 =	vadd.s32 v5, v4  }
0x161: {  	v32 =	vld [tilespmem:$0x1FEB0];
	v2 =	vadd.f32 v2, v35;
	[tilespmem:$0x1FD80] =	vst v5;
	v5 =	vadd.s32 v60, v54  }
0x162: {  	v50 =	vld [tilespmem:$0x1FF70];
	[tilespmem:$0x1FD50] =	vst v5  }
0x163: {  	v51 =	vld [tilespmem:$0x1FF00];
	[tilespmem:v17+s21+$0x0] =	vst.idx.msk $0xffff, v2  }
0x164: {  	v2 =	vld [tilespmem:$0x1FF50];
	_ =	sdelay $0x2  }
0x165: {  	v10 =	vadd.s32 v29, v52;
	_ =	sdelay $0x1  }
0x166: {  	s26 =	simm.s32 $0x24F0;
	s16 =	simm.s32 $0x9;
	v17 =	vadd.s32 v2, v52  }
0x167: {  	v39 =	vmov s16;
	v16 =	vadd.f32 v16, v36;
	v42 =	vld [tilespmem:s26+$0xFFFFFE50];
	[tilespmem:$0x1FD70] =	vst v17;
	v17 =	vadd.s32 v47, v57  }
0x168: {  	v53 =	vmov v24;
	s8 =	simm.s32 $0x8;
	v39 =	vshrl.u32 v39, $0x3;
	s13 =	simm.s32 $0xF;
	v24 =	vadd.s32 v51, v4;
	[tilespmem:$0x1FD90] =	vst v17  }
0x169: {  	v43 =	vmov s8;
	v40 =	vmov s13;
	v41 =	vadd.s32 v30, v37;
	[tilespmem:v10+s21+$0x0] =	vst.idx.msk $0xffff, v16  }
0x16a: {  	v3 =	vadd.f32 v3, v36;
	v7 =	vadd.f32 v7, v35;
	v15 =	vadd.s32 v56, v54;
	v46 =	vld [tilespmem:s29+$0xFFFFFFA0]  }
0x16b: {  	v63 =	vmovc v20;
	s31 =	simm.s32 $0xC;
	s8 =	simm.s32 $0xA;
	v14 =	vadd.f32 v14, v36;
	v20 =	vadd.s32 v31, v52;
	v21 =	vadd.s32 v32, v28;
	v59 =	vld [tilespmem:s29+$0xFFFFFEB0]  }
0x16c: {  	v13 =	vadd.f32 v13, v35;
	v10 =	vmov s31;
	v16 =	vmov s8;
	[tilespmem:v9+s21+$0x0] =	vst.idx.msk $0xffff, v7  }
0x16d: {  	[tilespmem:v24+s21+$0x0] =	vst.idx.msk $0xffff, v14;
	v9 =	vshrl.u32 v16, $0x3;
	v16 =	vshll.u32 v39, v1;
	v10 =	vshrl.u32 v10, $0x3;
	v14 =	vld [tilespmem:s29+$0xFFFFFE70]  }
0x16e: {  	[tilespmem:v11+s21+$0x0] =	vst.idx.msk $0xffff, v19;
	v9 =	vshll.u32 v9, v1;
	v24 =	vbroadcast v16, $0x0;
	v16 =	vshrl.u32 v40, $0x3  }
0x16f: {  	v45 =	vld [tilespmem:s26+$0xFFFFFE90];
	[tilespmem:v15+s21+$0x0] =	vst.idx.msk $0xffff, v8;
	v39 =	vbroadcast v9, $0x0;
	v9 =	vshll.u32 v10, v1;
	v15 =	vadd.f32 v46, v35  }
0x170: {  	[tilespmem:v21+s21+$0x0] =	vst.idx.msk $0xffff, v13;
	v19 =	vadd.s32 v58, v24;
	v40 =	vbroadcast v9, $0x0;
	v10 =	vadd.f32 v59, v34;
	v59 =	vld [tilespmem:s26+$0xFFFFFF10]  }
0x171: {  	v21 =	vadd.s32 v53, v39;
	[tilespmem:v20+s21+$0x0] =	vst.idx.msk $0xffff, v15;
	v20 =	vld [tilespmem:s29+$0xFFFFFFE0]  }
0x172: {  	[tilespmem:v18+s21+$0x0] =	vst.idx.msk $0xffff, v3;
	v8 =	vadd.s32 v48, v40;
	v14 =	vadd.f32 v14, v34  }
0x173: {  	v55 =	vadd.s32 v50, v54;
	v46 =	vadd.f32 v42, v36;
	[tilespmem:v41+s21+$0x0] =	vst.idx.msk $0xffff, v10  }
0x174: {  	v3 =	vadd.f32 v45, v36;
	[tilespmem:v25+s21+$0x0] =	vst.idx.msk $0xffff, v14  }
0x175: {  	[tilespmem:v19+s21+$0x0] =	vst.idx.msk $0xffff, v46;
	v25 =	vadd.f32 v59, v36  }
0x176: {  	v13 =	vshrl.u32 v43, $0x3;
	v43 =	vld [tilespmem:s26+$0xFFFFFFD0];
	[tilespmem:v21+s21+$0x0] =	vst.idx.msk $0xffff, v3;
	v3 =	vadd.f32 v20, v35  }
0x177: {  	v9 =	vld [tilespmem:s26+$0xFFFFFE10];
	[tilespmem:v8+s21+$0x0] =	vst.idx.msk $0xffff, v25  }
0x178: {  	v11 =	vld [tilespmem:s29+$0xFFFFFF60];
	[tilespmem:v55+s21+$0x0] =	vst.idx.msk $0xffff, v3  }
0x179: {  	s16 =	simm.s32 $0xB;
	s13 =	simm.s32 $0xD;
	v17 =	vadd.s32 v38, v44;
	s31 =	simm.s32 $0xE;
	v19 =	vadd.s32 v0, v40;
	v0 =	vld [tilespmem:$0x1FD30]  }
0x17a: {  	v7 =	vmov s13;
	v53 =	vmov s16;
	v15 =	vmov s31  }
0x17b: {  	v7 =	vshrl.u32 v7, $0x3;
	v41 =	vshrl.u32 v53, $0x3;
	v14 =	vld [tilespmem:s29+$0xFFFFFF30];
	v15 =	vshrl.u32 v15, $0x3  }
0x17c: {  	v18 =	vld [tilespmem:s29+$0xFFFFFE20];
	v48 =	vadd.f32 v9, v36;
	v9 =	vshll.u32 v15, v1;
	v15 =	vshll.u32 v41, v1  }
0x17d: {  	v38 =	vadd.s32 v49, v24;
	v49 =	vadd.f32 v43, v36;
	v53 =	vld [tilespmem:s26+$0xFFFFFED0];
	v43 =	vbroadcast v15, $0x0  }
0x17e: {  	v7 =	vshll.u32 v7, v1;
	v11 =	vadd.f32 v11, v35  }
0x17f: {  	v42 =	vbroadcast v7, $0x0;
	v41 =	vbroadcast v9, $0x0;
	v9 =	vadd.s32 v62, v43  }
0x180: {  	v3 =	vadd.f32 v14, v34  }
0x181: {  	v47 =	vadd.s32 v12, v42;
	v12 =	vadd.f32 v18, v35;
	[tilespmem:v0+s21+$0x0] =	vst.idx.msk $0xffff, v11  }
0x182: {  	v14 =	vadd.f32 v53, v36;
	v5 =	vld [tilespmem:$0x1FE20];
	[tilespmem:v17+s21+$0x0] =	vst.idx.msk $0xffff, v3  }
0x183: {  	[tilespmem:v23+s21+$0x0] =	vst.idx.msk $0xffff, v12  }
0x184: {  	[tilespmem:v9+s21+$0x0] =	vst.idx.msk $0xffff, v14  }
0x185: {  	v0 =	vld [tilespmem:$0x1FE30];
	_ =	sdelay $0x4  }
0x186: {  	v23 =	vmov v60;
	v60 =	vadd.s32 v0, v4;
	v0 =	vld [tilespmem:$0x1FD40]  }
0x187: {  	v8 =	vld [tilespmem:s29+$0xFFFFFE80];
	_ =	sdelay $0x4  }
0x188: {  	v12 =	vadd.f32 v8, v33;
	_ =	sdelay $0x1  }
0x189: {  	[tilespmem:v0+s21+$0x0] =	vst.idx.msk $0xffff, v12  }
0x18a: {  	v0 =	vld [tilespmem:$0x1FD50]  }
0x18b: {  	v11 =	vld [tilespmem:s29+$0xFFFFFFF0];
	_ =	sdelay $0x4  }
0x18c: {  	v11 =	vadd.f32 v11, v34;
	_ =	sdelay $0x1  }
0x18d: {  	[tilespmem:v0+s21+$0x0] =	vst.idx.msk $0xffff, v11  }
0x18e: {  	v16 =	vshll.u32 v16, v1;
	v0 =	vld [tilespmem:$0x1FD60]  }
0x18f: {  	v45 =	vbroadcast v16, $0x0;
	v16 =	vld [tilespmem:s29+$0xFFFFFEF0];
	_ =	sdelay $0x3  }
0x190: {  	v13 =	vshll.u32 v13, v1  }
0x191: {  	v18 =	vadd.s32 v5, v44;
	v44 =	vbroadcast v13, $0x0;
	v13 =	vadd.f32 v16, v34;
	_ =	sdelay $0x1  }
0x192: {  	[tilespmem:v0+s21+$0x0] =	vst.idx.msk $0xffff, v13  }
0x193: {  	v55 =	vadd.s32 v6, v44;
	v6 =	vld [tilespmem:$0x1FD70]  }
0x194: {  	v7 =	vld [tilespmem:s29+$0xFFFFFFB0];
	_ =	sdelay $0x4  }
0x195: {  	v7 =	vadd.f32 v7, v34;
	_ =	sdelay $0x1  }
0x196: {  	v0 =	vld [tilespmem:$0x1FE10];
	[tilespmem:v6+s21+$0x0] =	vst.idx.msk $0xffff, v7  }
0x197: {  	v6 =	vld [tilespmem:$0x1FE60];
	_ =	sdelay $0x3  }
0x198: {  	v10 =	vld [tilespmem:s26+$0xFFFFFF50]  }
0x199: {  	v11 =	vadd.s32 v6, v54;
	v6 =	vld [tilespmem:$0x1FD80]  }
0x19a: {  	v9 =	vld [tilespmem:s29+$0xFFFFFF70];
	_ =	sdelay $0x4  }
0x19b: {  	v62 =	vadd.f32 v10, v36;
	v10 =	vld [tilespmem:s29+$0xFFFFFF40];
	v16 =	vadd.f32 v9, v34;
	_ =	sdelay $0x1  }
0x19c: {  	[tilespmem:v6+s21+$0x0] =	vst.idx.msk $0xffff, v16  }
0x19d: {  	v5 =	vld [tilespmem:$0x1FE70];
	_ =	sdelay $0x1  }
0x19e: {  	v15 =	vld [tilespmem:s26+$0xFFFFFF20];
	v13 =	vadd.f32 v10, v33  }
0x19f: {  	v6 =	vld [tilespmem:$0x1FE40]  }
0x1a0: {  	v9 =	vadd.s32 v0, v28;
	v0 =	vadd.s32 v32, v43;
	v32 =	vld [tilespmem:$0x1FF80];
	[tilespmem:v18+s21+$0x0] =	vst.idx.msk $0xffff, v13  }
0x1a1: {  	v5 =	vadd.s32 v5, v57;
	v57 =	vmov v2;
	v2 =	vld [tilespmem:$0x1FF90];
	_ =	sdelay $0x1  }
0x1a2: {  	v4 =	vadd.f32 v15, v35;
	_ =	sdelay $0x1  }
0x1a3: {  	v17 =	vld [tilespmem:s26+$0xFFFFFE60];
	[tilespmem:v19+s21+$0x0] =	vst.idx.msk $0xffff, v4  }
0x1a4: {  	v54 =	vadd.s32 v2, v44;
	v2 =	vld [tilespmem:$0x1FF20];
	_ =	sdelay $0x1  }
0x1a5: {  	v61 =	vld [tilespmem:s26+$0xFFFFFF90]  }
0x1a6: {  	v58 =	vld [tilespmem:s29+$0xFFFFFEC0]  }
0x1a7: {  	v59 =	vadd.s32 v29, v41;
	v20 =	vadd.f32 v17, v35;
	v17 =	vld [tilespmem:s29+$0xFFFFFE30]  }
0x1a8: {  	v53 =	vadd.s32 v56, v45;
	v56 =	vadd.s32 v50, v45;
	v29 =	vmovc v2;
	v50 =	vadd.s32 v2, v42;
	v2 =	vld [tilespmem:$0x1FD90]  }
0x1a9: {  	v12 =	vld [tilespmem:s26+$0xFFFFFEA0]  }
0x1aa: {  	v15 =	vld [tilespmem:s26+$0xFFFFFEE0];
	_ =	sdelay $0x1  }
0x1ab: {  	v25 =	vadd.s32 v63, v24;
	v7 =	vld [tilespmem:s29+$0x0]  }
0x1ac: {  	v46 =	vadd.s32 v22, v43;
	v8 =	vadd.f32 v61, v36  }
0x1ad: {  	v3 =	vadd.s32 v27, v39;
	v14 =	vadd.f32 v12, v35;
	v12 =	vld [tilespmem:s29+$0xFFFFFFC0];
	v13 =	vadd.f32 v17, v34  }
0x1ae: {  	v61 =	vadd.f32 v58, v33;
	v10 =	vadd.s32 v6, v52;
	v6 =	vadd.f32 v15, v35;
	v15 =	vld [tilespmem:s29+$0xFFFFFF00]  }
0x1af: {  	v58 =	vadd.s32 v31, v41;
	v16 =	vadd.s32 v51, v42;
	[tilespmem:v2+s21+$0x0] =	vst.idx.msk $0xffff, v13;
	v2 =	vld [tilespmem:s29+$0xFFFFFF80]  }
0x1b0: {  	v31 =	vmov v63;
	v17 =	vadd.f32 v7, v33;
	v63 =	vadd.s32 v32, v24;
	[tilespmem:v25+s21+$0x0] =	vst.idx.msk $0xffff, v20;
	v13 =	vld [tilespmem:s29+$0xFFFFFE40]  }
0x1b1: {  	s30 =	simm.s32 $0x10;
	s0 =	simm.s32 $0x26F0;
	v28 =	vmovc v51;
	v52 =	vadd.s32 v23, v45;
	v4 =	vadd.s32 v30, v39;
	v51 =	vadd.s32 v57, v41;
	v27 =	vld [tilespmem:$0x1FE90]  }
.LBB2_7:
0x1b2: {  	_ =	sdelay $0x3  }
0x1b3: {  	v18 =	vld [tilespmem:s0+$0xFFFFFE50];
	[tilespmem:v16+s21+$0x0] =	vst.idx.msk $0xffff, v62  }
0x1b4: {  	v7 =	vld [tilespmem:$0x1FFA0];
	[tilespmem:v59+s21+$0x0] =	vst.idx.msk $0xffff, v8  }
0x1b5: {  	s6 =	smov.u32 s30;
	[tilespmem:v3+s21+$0x0] =	vst.idx.msk $0xffff, v14;
	v59 =	vld [tilespmem:s0+$0xFFFFFF10];
	v3 =	vadd.f32 v15, v33  }
0x1b6: {  	s16 =	sadd.s32 $0x2, s6;
	[tilespmem:v11+s21+$0x0] =	vst.idx.msk $0xffff, v17;
	v8 =	vld [tilespmem:s0+$0xFFFFFF90]  }
0x1b7: {  	s8 =	sadd.s32 $0x4, s6;
	v17 =	vmov s16;
	v24 =	vld [tilespmem:s0+$0xFFFFFFD0];
	v12 =	vadd.f32 v12, v33;
	[tilespmem:v9+s21+$0x0] =	vst.idx.msk $0xffff, v3  }
0x1b8: {  	v14 =	vmov s8;
	v16 =	vshrl.u32 v17, $0x3;
	v3 =	vadd.f32 v2, v33;
	[tilespmem:v0+s21+$0x0] =	vst.idx.msk $0xffff, v6;
	v0 =	vld [tilespmem:$0x1FEE0]  }
0x1b9: {  	v9 =	vshll.u32 v16, v1;
	v16 =	vld [tilespmem:s26+$0xFFFFFFA0];
	[tilespmem:v10+s21+$0x0] =	vst.idx.msk $0xffff, v12;
	v10 =	vshrl.u32 v14, $0x3  }
0x1ba: {  	v17 =	vld [tilespmem:s26+$0xFFFFFF60];
	[tilespmem:v60+s21+$0x0] =	vst.idx.msk $0xffff, v3;
	v3 =	vshll.u32 v10, v1  }
0x1bb: {  	v21 =	vld [tilespmem:s26+$0xFFFFFEB0];
	v3 =	vbroadcast v3, $0x0  }
0x1bc: {  	v22 =	vadd.s32 v27, v37;
	v62 =	vld [tilespmem:$0x1FED0];
	s31 =	sadd.s32 $0x1, s6  }
0x1bd: {  	s3 =	sadd.s32 $0x7, s30;
	v19 =	vmov s6;
	s13 =	sadd.s32 $0x5, s6;
	v11 =	vmov s31;
	v23 =	vld [tilespmem:s0+$0xFFFFFE90];
	v0 =	vadd.s32 v0, v3  }
0x1be: {  	v20 =	vmov s3;
	v11 =	vshrl.u32 v11, $0x3;
	v15 =	vmov s13;
	v14 =	vld [tilespmem:$0x1FFF0]  }
0x1bf: {  	[tilespmem:v53+s21+$0x0] =	vst.idx.msk $0xffff, v49;
	v13 =	vadd.f32 v13, v33;
	v15 =	vshrl.u32 v15, $0x3;
	v49 =	vadd.f32 v24, v36;
	v24 =	vld [tilespmem:$0x1FF10]  }
0x1c0: {  	v2 =	vshll.u32 v11, v1;
	v12 =	vld [tilespmem:s26+$0xFFFFFE70];
	v10 =	vadd.f32 v21, v34;
	v21 =	vadd.f32 v59, v36  }
0x1c1: {  	v11 =	vshrl.u32 v20, $0x3;
	[tilespmem:v5+s21+$0x0] =	vst.idx.msk $0xffff, v13;
	v13 =	vshrl.u32 v19, $0x3;
	v19 =	vld [tilespmem:$0x1FEF0];
	v15 =	vshll.u32 v15, v1  }
0x1c2: {  	v2 =	vbroadcast v2, $0x0;
	v6 =	vshll.u32 v11, v1;
	v11 =	vld [tilespmem:s26+$0xFFFFFF30];
	[tilespmem:v0+s21+$0x0] =	vst.idx.msk $0xffff, v21;
	v0 =	vbroadcast v15, $0x0  }
0x1c3: {  	v37 =	vmov v39;
	[tilespmem:v22+s21+$0x0] =	vst.idx.msk $0xffff, v61;
	v5 =	vld [tilespmem:s0+$0xFFFFFE10];
	v17 =	vadd.f32 v17, v35  }
0x1c4: {  	v39 =	vbroadcast v9, $0x0;
	[tilespmem:v55+s21+$0x0] =	vst.idx.msk $0xffff, v48;
	v9 =	vld [tilespmem:s0+$0xFFFFFF50];
	v14 =	vadd.s32 v14, v2;
	v24 =	vadd.s32 v24, v0  }
0x1c5: {  	[tilespmem:v47+s21+$0x0] =	vst.idx.msk $0xffff, v17;
	v12 =	vadd.f32 v12, v34;
	v47 =	vmov v24;
	v24 =	vld [tilespmem:$0x1FE30]  }
0x1c6: {  	v55 =	vld [tilespmem:s26+$0xFFFFFE20];
	[tilespmem:v4+s21+$0x0] =	vst.idx.msk $0xffff, v10  }
0x1c7: {  	v20 =	vadd.s32 v62, v2;
	v62 =	vld [tilespmem:$0x1FFC0];
	v4 =	vadd.f32 v18, v36;
	[tilespmem:v63+s21+$0x0] =	vst.idx.msk $0xffff, v12  }
0x1c8: {  	s29 =	sadd.s32 $0x6, s6;
	s6 =	sadd.s32 $0x3, s6;
	v19 =	vadd.s32 v19, v39;
	v25 =	vld [tilespmem:s26+$0xFFFFFE80]  }
0x1c9: {  	v60 =	vmov s6;
	[tilespmem:v14+s21+$0x0] =	vst.idx.msk $0xffff, v4;
	v14 =	vld [tilespmem:$0x1FE20]  }
0x1ca: {  	v22 =	vshrl.u32 v60, $0x3;
	v16 =	vadd.f32 v16, v35;
	v60 =	vadd.s32 v24, v42;
	v42 =	vmovc v0;
	v0 =	vld [tilespmem:$0x1FFD0]  }
0x1cb: {  	v57 =	vadd.s32 v7, v44;
	v7 =	vld [tilespmem:$0x1FFE0];
	v23 =	vadd.f32 v23, v36;
	v5 =	vadd.f32 v5, v36  }
0x1cc: {  	v13 =	vshll.u32 v13, v1;
	v22 =	vshll.u32 v22, v1;
	[tilespmem:v58+s21+$0x0] =	vst.idx.msk $0xffff, v16  }
0x1cd: {  	v13 =	vbroadcast v13, $0x0;
	v12 =	vld [tilespmem:s26+$0xFFFFFEC0];
	v48 =	vmov v5;
	v5 =	vbroadcast v22, $0x0;
	[tilespmem:v19+s21+$0x0] =	vst.idx.msk $0xffff, v23  }
0x1ce: {  	v16 =	vld [tilespmem:s26+$0xFFFFFFE0];
	v23 =	vadd.s32 v62, v3;
	v62 =	vadd.f32 v9, v36;
	v9 =	vadd.f32 v55, v35  }
0x1cf: {  	v22 =	vadd.s32 v14, v40;
	v14 =	vld [tilespmem:s0+$0xFFFFFE60];
	v55 =	vadd.s32 v0, v13;
	v0 =	vadd.f32 v25, v33  }
0x1d0: {  	v7 =	vadd.s32 v7, v40;
	v40 =	vmov v3;
	v3 =	vld [tilespmem:$0x1FEA0]  }
0x1d1: {  	v18 =	vmov s29;
	[tilespmem:v38+s21+$0x0] =	vst.idx.msk $0xffff, v0;
	v0 =	vld [tilespmem:$0x1FF40]  }
0x1d2: {  	v18 =	vshrl.u32 v18, $0x3  }
0x1d3: {  	v61 =	vld [tilespmem:$0x1FF30];
	v18 =	vshll.u32 v18, v1;
	v16 =	vadd.f32 v16, v35  }
0x1d4: {  	v10 =	vld [tilespmem:s0+$0xFFFFFED0];
	v18 =	vbroadcast v18, $0x0  }
0x1d5: {  	[tilespmem:v56+s21+$0x0] =	vst.idx.msk $0xffff, v16;
	v16 =	vadd.s32 v3, v5;
	v3 =	vld [tilespmem:$0x1FEC0]  }
0x1d6: {  	v11 =	vadd.f32 v11, v34;
	v58 =	vadd.s32 v0, v18;
	v0 =	vld [tilespmem:$0x1FE10]  }
0x1d7: {  	v15 =	vld [tilespmem:s26+$0xFFFFFFB0]  }
0x1d8: {  	v19 =	vld [tilespmem:s0+$0xFFFFFF20];
	[tilespmem:v7+s21+$0x0] =	vst.idx.msk $0xffff, v11  }
0x1d9: {  	v11 =	vld [tilespmem:s26+$0xFFFFFF40]  }
0x1da: {  	v17 =	vld [tilespmem:s26+$0xFFFFFFF0]  }
0x1db: {  	[tilespmem:v54+s21+$0x0] =	vst.idx.msk $0xffff, v9;
	v56 =	vadd.s32 v3, v5;
	v9 =	vadd.s32 v0, v43;
	v43 =	vmov v5;
	v5 =	vld [tilespmem:$0x1FE60]  }
0x1dc: {  	v63 =	vld [tilespmem:$0x1FF60];
	_ =	sdelay $0x1  }
0x1dd: {  	v6 =	vbroadcast v6, $0x0;
	v4 =	vadd.f32 v10, v36;
	v10 =	vld [tilespmem:s26+$0xFFFFFEF0]  }
0x1de: {  	v59 =	vadd.s32 v61, v18;
	v7 =	vld [tilespmem:s26+$0xFFFFFF70];
	v61 =	vadd.f32 v12, v33;
	v12 =	vadd.f32 v15, v34  }
0x1df: {  	v15 =	vadd.f32 v17, v34;
	v17 =	vadd.f32 v11, v33;
	v11 =	vadd.s32 v5, v45;
	v5 =	vld [tilespmem:$0x1FF70]  }
0x1e0: {  	v21 =	vadd.s32 v31, v2;
	v53 =	vadd.s32 v63, v6;
	v63 =	vadd.s32 v32, v2;
	v2 =	vld [tilespmem:$0x1FE50]  }
0x1e1: {  	v24 =	vld [tilespmem:s0+$0xFFFFFEA0]  }
0x1e2: {  	v10 =	vadd.f32 v10, v34;
	[tilespmem:v16+s21+$0x0] =	vst.idx.msk $0xffff, v4;
	v4 =	vld [tilespmem:s26+$0xFFFFFE30]  }
0x1e3: {  	v7 =	vadd.f32 v7, v34;
	v16 =	vld [tilespmem:s0+$0xFFFFFEE0];
	v45 =	vmov v6  }
0x1e4: {  	[tilespmem:v46+s21+$0x0] =	vst.idx.msk $0xffff, v10;
	v46 =	vmov v56;
	v56 =	vadd.s32 v5, v45;
	v5 =	vld [tilespmem:$0x1FE40]  }
0x1e5: {  	[tilespmem:v50+s21+$0x0] =	vst.idx.msk $0xffff, v7;
	v7 =	vld [tilespmem:$0x1FF90]  }
0x1e6: {  	[tilespmem:v52+s21+$0x0] =	vst.idx.msk $0xffff, v15;
	v3 =	vld [tilespmem:$0x1FE80]  }
0x1e7: {  	v38 =	vmov v20;
	v20 =	vld [tilespmem:s26+$0x0]  }
0x1e8: {  	[tilespmem:v51+s21+$0x0] =	vst.idx.msk $0xffff, v12;
	v4 =	vadd.f32 v4, v34;
	v0 =	vld [tilespmem:$0x1FEB0]  }
0x1e9: {  	v19 =	vadd.f32 v19, v35;
	[tilespmem:v22+s21+$0x0] =	vst.idx.msk $0xffff, v17;
	v10 =	vadd.s32 v5, v41;
	v5 =	vld [tilespmem:$0x1FE70]  }
0x1ea: {  	p0 =	slt.u32 s30, $0x78;
	v8 =	vadd.f32 v8, v36;
	v25 =	vadd.f32 v14, v35;
	[tilespmem:v57+s21+$0x0] =	vst.idx.msk $0xffff, v4;
	v57 =	vld [tilespmem:$0x1FF50]  }
.Ltmp2:
0x1eb: {  	v50 =	vadd.s32 v29, v42;
	[tilespmem:v23+s21+$0x0] =	vst.idx.msk $0xffff, v19;
	v14 =	vadd.f32 v24, v35;
	(pc) =	sbr.rel @p0 .LBB2_7-.Ltmp2, $4  }
0x1ec: {  	v12 =	vld [tilespmem:s26+$0xFFFFFFC0];
	[tilespmem:v21+s21+$0x0] =	vst.idx.msk $0xffff, v25;
	v3 =	vadd.s32 v3, v39;
	v17 =	vadd.f32 v20, v33  }
0x1ed: {  	v15 =	vld [tilespmem:s26+$0xFFFFFF00];
	v4 =	vadd.s32 v30, v39;
	v0 =	vadd.s32 v0, v43;
	v6 =	vadd.f32 v16, v35  }
0x1ee: {  	v52 =	vadd.s32 v2, v45;
	v2 =	vld [tilespmem:s26+$0xFFFFFF80];
	v41 =	vmovc v18;
	v5 =	vadd.s32 v5, v44;
	v44 =	vmov v13  }
0x1ef: {  	s30 =	sadd.s32 $0x8, s30;
	v16 =	vadd.s32 v28, v42;
	v51 =	vadd.s32 v57, v41;
	v13 =	vld [tilespmem:s26+$0xFFFFFE40];
	s26 =	smov.u32 s0;
	s0 =	sadd.s32 $0x200, s0;
	v54 =	vadd.s32 v7, v44  }
0x1f0: {  	_ =	sdelay $0x1  }
0x1f1: {  	v36 =	vld [tilespmem:$0x1FFC0]  }
0x1f2: {  	v18 =	vld [tilespmem:$0x1FFF0]  }
0x1f3: {  	v19 =	vld [tilespmem:$0x1FF90];
	[tilespmem:v59+s21+$0x0] =	vst.idx.msk $0xffff, v8  }
0x1f4: {  	[tilespmem:v3+s21+$0x0] =	vst.idx.msk $0xffff, v14  }
0x1f5: {  	[tilespmem:v53+s21+$0x0] =	vst.idx.msk $0xffff, v49  }
0x1f6: {  	[tilespmem:v11+s21+$0x0] =	vst.idx.msk $0xffff, v17  }
0x1f7: {  	[tilespmem:v16+s21+$0x0] =	vst.idx.msk $0xffff, v62;
	v7 =	vld [tilespmem:s26+$0xFFFFFFE0]  }
0x1f8: {  	v37 =	vadd.s32 v27, v37;
	[tilespmem:v55+s21+$0x0] =	vst.idx.msk $0xffff, v48;
	v49 =	vadd.f32 v12, v33  }
0x1f9: {  	[tilespmem:v0+s21+$0x0] =	vst.idx.msk $0xffff, v6;
	v3 =	vadd.f32 v15, v33  }
0x1fa: {  	v53 =	vld [tilespmem:s26+$0xFFFFFF60];
	v2 =	vadd.f32 v2, v33;
	[tilespmem:v10+s21+$0x0] =	vst.idx.msk $0xffff, v49  }
0x1fb: {  	[tilespmem:v9+s21+$0x0] =	vst.idx.msk $0xffff, v3  }
0x1fc: {  	[tilespmem:v60+s21+$0x0] =	vst.idx.msk $0xffff, v2;
	v7 =	vadd.f32 v7, v35  }
0x1fd: {  	v3 =	vld [tilespmem:s26+$0xFFFFFFA0];
	[tilespmem:v37+s21+$0x0] =	vst.idx.msk $0xffff, v61  }
0x1fe: {  	[tilespmem:v56+s21+$0x0] =	vst.idx.msk $0xffff, v7  }
0x1ff: {  	v0 =	vadd.f32 v53, v35;
	v53 =	vld [tilespmem:$0x1FFE0]  }
0x200: {  	v2 =	vld [tilespmem:s26+$0xFFFFFE20]  }
0x201: {  	v59 =	vld [tilespmem:s26+$0xFFFFFE70]  }
0x202: {  	v60 =	vld [tilespmem:s26+$0xFFFFFF30];
	v3 =	vadd.f32 v3, v35  }
0x203: {  	v61 =	vld [tilespmem:s26+$0xFFFFFFF0]  }
0x204: {  	v12 =	vadd.f32 v13, v33;
	[tilespmem:v58+s21+$0x0] =	vst.idx.msk $0xffff, v3;
	v3 =	vld [tilespmem:s26+$0xFFFFFEF0];
	v62 =	vadd.s32 v53, v40  }
0x205: {  	[tilespmem:v47+s21+$0x0] =	vst.idx.msk $0xffff, v0;
	v0 =	vadd.f32 v2, v35  }
0x206: {  	[tilespmem:v5+s21+$0x0] =	vst.idx.msk $0xffff, v12;
	v2 =	vadd.f32 v59, v34  }
0x207: {  	v14 =	vld [tilespmem:s26+$0xFFFFFF70];
	v8 =	vadd.f32 v60, v34;
	[tilespmem:v54+s21+$0x0] =	vst.idx.msk $0xffff, v0  }
0x208: {  	[tilespmem:v63+s21+$0x0] =	vst.idx.msk $0xffff, v2;
	v2 =	vadd.f32 v61, v34  }
0x209: {  	v13 =	vld [tilespmem:s26+$0xFFFFFFB0];
	v3 =	vadd.f32 v3, v34;
	[tilespmem:v62+s21+$0x0] =	vst.idx.msk $0xffff, v8  }
0x20a: {  	v49 =	vld [tilespmem:$0x1FFA0];
	[tilespmem:v52+s21+$0x0] =	vst.idx.msk $0xffff, v2  }
0x20b: {  	v15 =	vld [tilespmem:s26+$0xFFFFFEB0];
	[tilespmem:v46+s21+$0x0] =	vst.idx.msk $0xffff, v3  }
0x20c: {  	v2 =	vadd.f32 v14, v34;
	v14 =	vld [tilespmem:$0x1FE20]  }
0x20d: {  	v0 =	vld [tilespmem:s26+$0xFFFFFE30]  }
0x20e: {  	v35 =	vld [tilespmem:s26+$0xFFFFFE80];
	v47 =	vadd.f32 v13, v34  }
0x20f: {  	v8 =	vld [tilespmem:s26+$0xFFFFFF40];
	v37 =	vadd.s32 v49, v44  }
0x210: {  	v48 =	vadd.f32 v15, v34;
	v3 =	vld [tilespmem:s26+$0x0];
	[tilespmem:v51+s21+$0x0] =	vst.idx.msk $0xffff, v47  }
0x211: {  	v10 =	vld [tilespmem:$0x1FE60];
	[tilespmem:v50+s21+$0x0] =	vst.idx.msk $0xffff, v2;
	v52 =	vadd.s32 v14, v40  }
0x212: {  	v0 =	vadd.f32 v0, v34;
	v54 =	vld [tilespmem:s26+$0xFFFFFF00];
	[tilespmem:v4+s21+$0x0] =	vst.idx.msk $0xffff, v48  }
0x213: {  	v55 =	vadd.f32 v35, v33;
	v5 =	vld [tilespmem:$0x1FE10]  }
0x214: {  	v59 =	vld [tilespmem:$0x1FE40];
	v8 =	vadd.f32 v8, v33;
	[tilespmem:v37+s21+$0x0] =	vst.idx.msk $0xffff, v0  }
0x215: {  	v0 =	vld [tilespmem:$0x1FE30];
	[tilespmem:v38+s21+$0x0] =	vst.idx.msk $0xffff, v55  }
0x216: {  	v58 =	vld [tilespmem:s26+$0xFFFFFEC0];
	[tilespmem:v52+s21+$0x0] =	vst.idx.msk $0xffff, v8  }
0x217: {  	v10 =	vadd.s32 v10, v45;
	v9 =	vld [tilespmem:$0x1FE70]  }
0x218: {  	v62 =	vadd.s32 v27, v39;
	v2 =	vld [tilespmem:s26+$0xFFFFFFC0]  }
0x219: {  	v56 =	vld [tilespmem:s26+$0xFFFFFF80];
	v5 =	vadd.s32 v5, v43  }
0x21a: {  	v3 =	vadd.f32 v3, v33;
	v13 =	vadd.s32 v59, v41;
	v60 =	vld [tilespmem:s26+$0xFFFFFE40]  }
0x21b: {  	v63 =	vadd.f32 v58, v33;
	v0 =	vadd.s32 v0, v42  }
0x21c: {  	v61 =	vadd.f32 v54, v33;
	[tilespmem:v10+s21+$0x0] =	vst.idx.msk $0xffff, v3;
	v9 =	vadd.s32 v9, v44  }
0x21d: {  	v2 =	vadd.f32 v2, v33;
	[tilespmem:v62+s21+$0x0] =	vst.idx.msk $0xffff, v63  }
0x21e: {  	s0 =	sshll.u32 s28, $0x12;
	v3 =	vadd.f32 v56, v33;
	[tilespmem:v5+s21+$0x0] =	vst.idx.msk $0xffff, v61  }
0x21f: {  	s0 =	sor.u32 s11, s0;
	[tilespmem:v13+s21+$0x0] =	vst.idx.msk $0xffff, v2;
	v2 =	vadd.f32 v60, v33  }
0x220: {  	s0 =	sshrl.u32 s0, $0x3;
	[tilespmem:v0+s21+$0x0] =	vst.idx.msk $0xffff, v3  }
0x221: {  	s8 =	simm.s32 $0x6300;
	s6 =	sadd.s32 s1, s0;
	[tilespmem:v9+s21+$0x0] =	vst.idx.msk $0xffff, v2  }
0x222: {  	[hbm4b:s6+s2] =	stream.linear.scatter [tilespmem:s8], [sflag:$0x4], $0x80, $0x38;
	[tilespmem:$0xB700] =	vst v63  }
0x223: {  	s13 =	simm.s32 $0x6388;
	s3 =	sadd.s32 $0x10, s6  }
0x224: {  	[hbm4b:s3+s2] =	stream.linear.scatter [tilespmem:s13], [sflag:$0x4], $0x80, $0x38;
	[tilespmem:$0xB700] =	vst v63  }
0x225: {  	s16 =	simm.s32 $0x6410;
	s30 =	simm.s32 $0x6498;
	s26 =	sadd.s32 $0x20, s6  }
0x226: {  	[hbm4b:s26+s2] =	stream.linear.scatter [tilespmem:s16], [sflag:$0x4], $0x80, $0x38;
	[tilespmem:$0xB700] =	vst v63  }
0x227: {  	s28 =	simm.s32 $0x2200;
	s29 =	simm.s32 $0x66B8;
	s31 =	sadd.s32 $0x30, s6  }
0x228: {  	[hbm4b:s31+s2] =	stream.linear.scatter [tilespmem:s30], [sflag:$0x4], $0x80, $0x38;
	[tilespmem:$0xB700] =	vst v63  }
0x229: {  	s0 =	simm.s32 $0x440;
	s8 =	simm.s32 $0x6520;
	s13 =	sadd.s32 $0x40, s6  }
0x22a: {  	[hbm4b:s13+s2] =	stream.linear.scatter [tilespmem:s8], [sflag:$0x4], $0x80, $0x38;
	[tilespmem:$0xB700] =	vst v63  }
0x22b: {  	s3 =	sadd.s32 $0x70, s6;
	s16 =	simm.s32 $0x65A8;
	s26 =	sadd.s32 $0x50, s6  }
0x22c: {  	[hbm4b:s26+s2] =	stream.linear.scatter [tilespmem:s16], [sflag:$0x4], $0x80, $0x38;
	[tilespmem:$0xB700] =	vst v63  }
0x22d: {  	s30 =	simm.s32 $0x6630;
	s31 =	sadd.s32 $0x60, s6;
	s26 =	sadd.s32 $0x1000, s6  }
0x22e: {  	v22 =	vmov v30;
	[hbm4b:s31+s2] =	stream.linear.scatter [tilespmem:s30], [sflag:$0x4], $0x80, $0x38;
	[tilespmem:$0xB700] =	vst v63  }
.LBB2_9:
0x22f: {  	[hbm4b:s3+s2] =	stream.linear.scatter [tilespmem:s29], [sflag:$0x4], $0x80, $0x38;
	[tilespmem:$0xB700] =	vst v63  }
0x230: {  	s3 =	smov.u32 s0;
	s0 =	smov.u32 s28  }
0x231: {  	s6 =	sadd.s32 $0x1100, s28;
	s0 =	sshra.s32 s0, $0x2;
	s8 =	sadd.s32 $0x6300, s3  }
0x232: {  	[hbm4b:s26+s2] =	stream.linear.scatter [tilespmem:s8], [sflag:$0x4], $0x80, $0x38;
	[tilespmem:$0xB700] =	vst v63  }
0x233: {  	p0 =	sne.s32 s28, $0x7700;
	s13 =	sadd.s32 $0x10, s26;
	s8 =	sadd.s32 $0x6388, s3  }
0x234: {  	[hbm4b:s13+s2] =	stream.linear.scatter [tilespmem:s8], [sflag:$0x4], $0x80, $0x38;
	[tilespmem:$0xB700] =	vst v63  }
0x235: {  	s8 =	sadd.s32 $0x6410, s3;
	s13 =	sadd.s32 $0x20, s26  }
0x236: {  	[hbm4b:s13+s2] =	stream.linear.scatter [tilespmem:s8], [sflag:$0x4], $0x80, $0x38;
	[tilespmem:$0xB700] =	vst v63  }
0x237: {  	s8 =	sadd.s32 $0x6498, s3;
	s13 =	sadd.s32 $0x30, s26  }
0x238: {  	[hbm4b:s13+s2] =	stream.linear.scatter [tilespmem:s8], [sflag:$0x4], $0x80, $0x38;
	[tilespmem:$0xB700] =	vst v63  }
0x239: {  	s8 =	sadd.s32 $0x6520, s3;
	s13 =	sadd.s32 $0x40, s26  }
0x23a: {  	[hbm4b:s13+s2] =	stream.linear.scatter [tilespmem:s8], [sflag:$0x4], $0x80, $0x38;
	[tilespmem:$0xB700] =	vst v63  }
.Ltmp3:
0x23b: {  	s8 =	sadd.s32 $0x65A8, s3;
	s13 =	sadd.s32 $0x50, s26;
	(pc) =	sbr.rel @p0 .LBB2_9-.Ltmp3, $4  }
0x23c: {  	[hbm4b:s13+s2] =	stream.linear.scatter [tilespmem:s8], [sflag:$0x4], $0x80, $0x38;
	[tilespmem:$0xB700] =	vst v63  }
0x23d: {  	s29 =	sadd.s32 $0x66B8, s3;
	s8 =	sadd.s32 $0x6630, s3;
	s13 =	sadd.s32 $0x60, s26  }
0x23e: {  	[hbm4b:s13+s2] =	stream.linear.scatter [tilespmem:s8], [sflag:$0x4], $0x80, $0x38;
	[tilespmem:$0xB700] =	vst v63  }
0x23f: {  	s28 =	smov.u32 s6;
	s3 =	sadd.s32 $0x70, s26;
	s26 =	sadd.s32 $0x1000, s26  }
0x240: {  	[hbm4b:s3+s2] =	stream.linear.scatter [tilespmem:s29], [sflag:$0x4], $0x80, $0x38;
	[tilespmem:$0xB700] =	vst v63  }
0x241: {  	s13 =	sadd.s32 $0x6300, s0  }
0x242: {  	[hbm4b:s26+s2] =	stream.linear.scatter [tilespmem:s13], [sflag:$0x4], $0x80, $0x38;
	[tilespmem:$0xB700] =	vst v63  }
0x243: {  	s16 =	sadd.s32 $0x6388, s0;
	s6 =	sadd.s32 $0x10, s26  }
0x244: {  	v23 =	vld [tilespmem:$0x1FED0];
	[hbm4b:s6+s2] =	stream.linear.scatter [tilespmem:s16], [sflag:$0x4], $0x80, $0x38  }
0x245: {  	s28 =	sadd.s32 $0x6410, s0;
	s29 =	sadd.s32 $0x20, s26;
	v24 =	vld [tilespmem:$0x1FEF0]  }
0x246: {  	v62 =	vmov v18;
	v18 =	vld [tilespmem:$0x1FE80];
	[hbm4b:s29+s2] =	stream.linear.scatter [tilespmem:s28], [sflag:$0x4], $0x80, $0x38  }
0x247: {  	s30 =	sadd.s32 $0x6498, s0;
	s31 =	sadd.s32 $0x30, s26;
	v15 =	vld [tilespmem:$0x1FEA0]  }
0x248: {  	v45 =	vmov v19;
	v19 =	vld [tilespmem:$0x1FEB0];
	[hbm4b:s31+s2] =	stream.linear.scatter [tilespmem:s30], [sflag:$0x4], $0x80, $0x38  }
0x249: {  	s8 =	sadd.s32 $0x40, s26;
	s25 =	sadd.s32 $0x1, s25;
	v20 =	vld [tilespmem:$0x1FEC0];
	s6 =	sadd.s32 $0x6520, s0  }
0x24a: {  	v25 =	vmov v26;
	v26 =	vld [tilespmem:$0x1FEE0];
	[hbm4b:s8+s2] =	stream.linear.scatter [tilespmem:s6], [sflag:$0x4], $0x80, $0x38  }
0x24b: {  	v30 =	vld [tilespmem:$0x1FF00];
	p0 =	sne.s32 s25, $0x64;
	s13 =	sadd.s32 $0x65A8, s0;
	s16 =	sadd.s32 $0x50, s26  }
0x24c: {  	v29 =	vld [tilespmem:$0x1FF10];
	[hbm4b:s16+s2] =	stream.linear.scatter [tilespmem:s13], [sflag:$0x4], $0x80, $0x38  }
.Ltmp4:
0x24d: {  	v39 =	vmov v31;
	v31 =	vld [tilespmem:$0x1FF20];
	(pc) =	sbr.rel @p0 .LBB2_2-.Ltmp4, $4  }
0x24e: {  	v47 =	vld [tilespmem:$0x1FF30];
	s28 =	sadd.s32 $0x6630, s0;
	s29 =	sadd.s32 $0x60, s26  }
0x24f: {  	v51 =	vld [tilespmem:$0x1FF40];
	[hbm4b:s29+s2] =	stream.linear.scatter [tilespmem:s28], [sflag:$0x4], $0x80, $0x38  }
0x250: {  	v38 =	vld [tilespmem:$0x1FF60];
	s30 =	sadd.s32 $0x66B8, s0;
	s31 =	sadd.s32 $0x70, s26  }
0x251: {  	v28 =	vld [tilespmem:$0x1FF70];
	v27 =	vmov v36;
	[hbm4b:s31+s2] =	stream.linear.scatter [tilespmem:s30], [sflag:$0x4], $0x80, $0x38  }
0x252: {  	s24 =	sadd.s32 $0x1, s24  }
0x253: {  	_ =	swait.ge [sflag:s22], $0x2000;
	p0 =	sne.s32 s24, s12  }
.Ltmp5:
0x254: {  	[sflag:s22] =	ssyncset.done $0x0;
	(pc) =	sbr.rel @p0 .LBB2_1-.Ltmp5, $4  }
0x255: {  	[sflag:s22] =	ssyncadd.s32 $0xFFFFE000  }
0x256: {  	_ =	swait.ge [sflag:s23], $0x2000  }
0x257: {  	[sflag:s23] =	ssyncset.done $0x0  }
0x258: {  	[sflag:s23] =	ssyncadd.s32 $0xFFFFE000  }
0x259: {  	_ =	sfence.sel $0x180000  }
0x25a: {  	[bflag:$0x0] =	sbarrier.arrive $0xFFFF  }
0x25b: {  	_ =	strace $0x9000004A  }
0x25c: {  	s0 =	stileid.u32;
	[bflag:$0x2] =	sbarrier.arrive $0xFFFF  }
0x25d: {  	p0 =	sne.s32 s0, $0x0;
	s0 =	rddreg [dreg:$0x2]  }
0x25e: {  	s0 =	sadd.s32 @!p0 $0x100000, s0  }
0x25f: {  	[sflag:s0] =	ssyncadd.tile.s32 @!p0 $0x1;
	_ =	shalt  }
.Lfunc_end2:
_tile_overlayer_lowered:
.L_overlay_start_2:
0x260: {  	(tag) =	ssettag $0x2  }
0x261: {  	s0 =	rddreg [dreg:$0x0];
	s2 =	stileid.u32  }
0x262: {  	s1 =	rddreg [dreg:$0x1];
	p0 =	sne.s32 s2, $0x0  }
0x263: {  	s3 =	rddreg [dreg:$0x2];
	[bflag:$0x3] =	sbarrier.arrive $0xFFFF;
	s2 =	simm.s32 @!p0 $0x1C05  }
0x264: {  	[timem:s3], [sflag:s2] =	dma.local @!p0 [hbm:s0], s1  }
0x265: {  	s0 =	simm.s32 @!p0 $0x5  }
0x266: {  	_ =	swait.ge @!p0 [sflag:s0], s1  }
0x267: {  	s1 =	ssub.s32 @!p0 $0x0, s1;
	[sflag:s0] =	ssyncset.done @!p0 $0x0  }
0x268: {  	[sflag:s0] =	ssyncadd.s32 @!p0 s1  }
0x269: {  	[bflag:$0x3] =	sbarrier.arrive $0xFFFF  }
0x26a: {  	_ =	shalt  }

</sc_bundles>
